<compile_context>
chip_gen: v7x
topology: tpu7x:2x2x1
jax: 0.10.2.dev20260603
libtpu: 0.0.44.dev20260713+nightly
codegen_flags: <defaults>
</compile_context>

<pallas_src>
import functools

import jax
import jax.numpy as jnp
from jax import lax
from jax.experimental import pallas as pl
from jax.experimental.pallas import tpu as pltpu
from jax.experimental.pallas import tpu_sc as plsc

_BB = 128


@functools.cache
def _make_gather(V, D, BATCH, HIST):
    info = plsc.get_sparse_core_info()
    NC, NS, L = info.num_cores, info.num_subcores, info.num_lanes
    NW = NC * NS
    assert BATCH % (NW * _BB) == 0 and D % L == 0
    b_w = BATCH // NW
    njb = b_w // _BB
    n_units = HIST * njb
    assert n_units % 2 == 0
    DB = D // 8
    HP = (HIST + L - 1) // L * L
    mesh = plsc.VectorSubcoreMesh(core_axis_name="c", subcore_axis_name="s")

    @functools.partial(
        pl.kernel,
        mesh=mesh,
        out_type=jax.ShapeDtypeStruct((HIST, DB, BATCH // _BB, 8, _BB), jnp.float32),
        scratch_types=[
            pltpu.VMEM((b_w, HIST), jnp.int32),
            pltpu.VMEM((HP, b_w + 1), jnp.int32),
            [pltpu.VMEM((_BB, D), jnp.float32) for _ in range(2)],
            [pltpu.VMEM((DB, 8, _BB + 1), jnp.float32) for _ in range(2)],
            [pltpu.SemaphoreType.DMA for _ in range(2)],
            [pltpu.SemaphoreType.DMA for _ in range(2)],
        ],
        compiler_params=pltpu.CompilerParams(
            use_tc_tiling_on_sc=False, needs_layout_passes=False
        ),
    )
    def gather_kernel(feat_hbm, table_hbm, out_hbm, idx_v, idx_t, grows, tbufs,
                      gsems, ssems):
        wid = lax.axis_index("s") * NC + lax.axis_index("c")
        base = wid * b_w
        lanes = lax.iota(jnp.int32, L)
        pltpu.sync_copy(feat_hbm.at[pl.ds(base, b_w)], idx_v)

        offs = [k * L for k in range(HIST // L)]
        if HIST % L:
            offs.append(HIST - L)

        def tr_idx(b, carry):
            bvec = jnp.full((L,), b, jnp.int32)
            for o in offs:
                v = idx_v[b, pl.ds(o, L)]
                plsc.store_scatter(idx_t, [o + lanes, bvec], v)
            return carry

        lax.fori_loop(0, b_w, tr_idx, 0)

        dbvs = [(k * L + lanes) // 8 for k in range(D // L)]
        dsvs = [(k * L + lanes) % 8 for k in range(D // L)]

        def start_gather(u, p):
            h, jb = u // njb, u % njb
            return pltpu.async_copy(
                table_hbm.at[idx_t.at[h, pl.ds(jb * _BB, _BB)]], grows[p],
                gsems[p])

        def wait_gather(p):
            pltpu.make_async_copy(
                table_hbm.at[idx_t.at[0, pl.ds(0, _BB)]], grows[p], gsems[p]
            ).wait()

        def transpose_unit(p):
            def tr(i, carry):
                for bb in range(8):
                    b = i * 8 + bb
                    bvec = jnp.full((L,), b, jnp.int32)
                    for k in range(D // L):
                        v = grows[p][b, pl.ds(k * L, L)]
                        plsc.store_scatter(tbufs[p], [dbvs[k], dsvs[k], bvec], v)
                return carry

            lax.fori_loop(0, _BB // 8, tr, 0)

        def start_store(u, p):
            h, jb = u // njb, u % njb
            return pltpu.async_copy(
                tbufs[p].at[:, :, pl.ds(0, _BB)],
                out_hbm.at[h, :, wid * njb + jb], ssems[p])

        def wait_store(p):
            pltpu.make_async_copy(
                tbufs[p].at[:, :, pl.ds(0, _BB)], out_hbm.at[0, :, 0], ssems[p]
            ).wait()

        start_gather(0, 0)
        wait_gather(0)
        start_gather(1, 1)
        transpose_unit(0)
        start_store(0, 0)
        wait_gather(1)
        start_gather(2, 0)
        transpose_unit(1)
        start_store(1, 1)

        def pair_body(q, carry):
            u0 = 2 * q
            wait_gather(0)
            start_gather(u0 + 1, 1)
            transpose_unit(0)
            wait_store(0)
            start_store(u0, 0)
            wait_gather(1)
            start_gather(jnp.minimum(u0 + 2, n_units - 1), 0)
            transpose_unit(1)
            wait_store(1)
            start_store(u0 + 1, 1)
            return carry

        lax.fori_loop(1, n_units // 2, pair_body, 0)
        wait_gather(0)
        wait_store(0)
        wait_store(1)

    return gather_kernel


def kernel(feature, table):
    batch, hist = feature.shape
    dim = table.shape[1]
    out_p = _make_gather(table.shape[0], dim, batch, hist)(feature, table)
    return jnp.transpose(out_p, (2, 4, 0, 1, 3)).reshape(batch, hist, dim)

# --- scband reference (transcript-rebuilt; emitter-appended) ---
"""Pipeline reference for scband-pretrained-embeddings-81209241632789 (READ-ONLY COPY).

The authoritative reference and input builder live on the scoring server;
editing this copy changes nothing except your own understanding.
"""

import jax, jax.numpy as jnp
import numpy as np

VOCAB = 1000000
PRETRAIN_DIM = 64
BATCH = 16384
HIST = 50

def setup_inputs(seed: int = 0) -> dict:
    key = jax.random.key(seed)
    k1, k2 = jax.random.split(key)
    # Embedding table initialized like the pretrained matrix (small normal noise)
    table = jax.random.normal(k1, (VOCAB, PRETRAIN_DIM), dtype=jnp.float32) * 0.0001
    # padding_idx row is zero
    table = table.at[0].set(0.0)
    feature = jax.random.randint(k2, (BATCH, HIST), 0, VOCAB, dtype=jnp.int64 if jax.config.read('jax_enable_x64') else jnp.int32)
    return {"feature": feature, "table": table}

def reference(feature, table):
    # Faithful to PretrainedEmbeddings.forward: emb = self.embedding_layer(feature)
    # (project_embeddings is defined in __init__ but NOT applied in forward)
    emb = jnp.take(table, feature, axis=0)
    return emb

if __name__ == "__main__":
    import jax
    _d = setup_inputs()
    print(jax.jit(kernel)(*tuple(_d.values())))

</pallas_src>

<mosaic_0001>
#map = affine_map<(d0, d1) -> (0, 0)>
#map1 = affine_map<(d0, d1) -> (0, 0, 0, 0, 0)>
module attributes {stable_mosaic.version = 14 : i64} {
  func.func @gather_kernel(%arg0: i32, %arg1: i32, %arg2: memref<16384x50xi32, #tpu.memory_space<hbm>>, %arg3: memref<1000000x64xf32, #tpu.memory_space<hbm>>, %arg4: memref<50x8x128x8x128xf32, #tpu.memory_space<hbm>>, %arg5: memref<512x50xi32, #tpu.memory_space<vmem>>, %arg6: memref<64x513xi32, #tpu.memory_space<vmem>>, %arg7: memref<128x64xf32, #tpu.memory_space<vmem>>, %arg8: memref<128x64xf32, #tpu.memory_space<vmem>>, %arg9: memref<8x8x129xf32, #tpu.memory_space<vmem>>, %arg10: memref<8x8x129xf32, #tpu.memory_space<vmem>>, %arg11: memref<!tpu.dma_semaphore, #tpu.memory_space<semaphore_mem>>, %arg12: memref<!tpu.dma_semaphore, #tpu.memory_space<semaphore_mem>>, %arg13: memref<!tpu.dma_semaphore, #tpu.memory_space<semaphore_mem>>, %arg14: memref<!tpu.dma_semaphore, #tpu.memory_space<semaphore_mem>>) attributes {dimension_semantics = [#tpu.dimension_semantics<core_parallel>, #tpu.dimension_semantics<subcore_parallel>], iteration_bounds = array<i64: 2, 16>, scalar_prefetch = 0 : i64, scratch_operands = 10 : i64, tpu.core_type = #tpu.core_type<sc_vector_subcore>, window_params = [{transform_indices = #map}, {transform_indices = #map}, {transform_indices = #map1}]} {
    %mul3A = arith.constant 2 : i32
    %mul3A_0 = arith.muli %arg1, %mul3A : i32
    %add3A = arith.addi %mul3A_0, %arg0 : i32
    %mul3A_1 = arith.constant 512 : i32
    %mul3A_2 = arith.muli %add3A, %mul3A_1 : i32
    %iota3A = tpu.iota {dimensions = array<i32: 0>} : vector<16xi32>
    "tpu.region"() ({
      %run_scoped3A = tpu.sem_alloc : memref<!tpu.dma_semaphore, #tpu.memory_space<semaphore_mem>>
      %dma_start3A_378 = arith.constant 0 : i32
      %dma_start3A_379 = tpu.memref_slice %arg2[%mul3A_2, %dma_start3A_378] : memref<16384x50xi32, #tpu.memory_space<hbm>> -> memref<512x50xi32, #tpu.memory_space<hbm>>
      %dma_start3A_380 = arith.constant 0 : i32
      %dma_start3A_381 = tpu.memref_slice %arg2[%mul3A_2, %dma_start3A_380] : memref<16384x50xi32, #tpu.memory_space<hbm>> -> memref<512x50xi32, #tpu.memory_space<hbm>>
      tpu.enqueue_dma source(%dma_start3A_381 : memref<512x50xi32, #tpu.memory_space<hbm>>) target(%arg5 : memref<512x50xi32, #tpu.memory_space<vmem>>) target_semaphore(%run_scoped3A : memref<!tpu.dma_semaphore, #tpu.memory_space<semaphore_mem>>)
      %dma_wait3A_382 = arith.constant 0 : i32
      %dma_wait3A_383 = tpu.memref_slice %arg2[%mul3A_2, %dma_wait3A_382] : memref<16384x50xi32, #tpu.memory_space<hbm>> -> memref<512x50xi32, #tpu.memory_space<hbm>>
      %dma_wait3A_384 = arith.constant 0 : i32
      %dma_wait3A_385 = tpu.memref_slice %arg2[%mul3A_2, %dma_wait3A_384] : memref<16384x50xi32, #tpu.memory_space<hbm>> -> memref<512x50xi32, #tpu.memory_space<hbm>>
      tpu.wait_dma2 semaphore(%run_scoped3A : memref<!tpu.dma_semaphore, #tpu.memory_space<semaphore_mem>>) src(%dma_wait3A_385 : memref<512x50xi32, #tpu.memory_space<hbm>>) dst(%arg5 : memref<512x50xi32, #tpu.memory_space<vmem>>)
      tpu.yield
    }) : () -> ()
    %scan3A = arith.constant 0 : i32
    %scan3A_3 = arith.constant 0 : i32
    %scan3A_4 = arith.constant 512 : i32
    %scan3A_5 = arith.addi %scan3A_3, %scan3A_4 : i32
    %scan3A_6 = arith.constant 1 : i32
    scf.for %scan3A_378 = %scan3A_3 to %scan3A_5 step %scan3A_6  : i32 {
      %broadcast_in_dim3A = vector.broadcast %scan3A_378 : i32 to vector<16xi32>
      %get3A = arith.index_cast %scan3A_378 : i32 to index
      %get3A_379 = arith.constant 0 : index
      %get3A_380 = tpu.vector_load %arg5[%get3A, %get3A_379] {strides = array<i32>} : memref<512x50xi32, #tpu.memory_space<vmem>>, vector<16xi32>,
      %add3A_381 = arith.constant 0 : i32
      %add3A_382 = vector.broadcast %add3A_381 : i32 to vector<16xi32>
      %add3A_383 = arith.addi %add3A_382, %iota3A : vector<16xi32>
      tpu.vector_store_idx %arg6[%add3A_383, %broadcast_in_dim3A], %get3A_380 : memref<64x513xi32, #tpu.memory_space<vmem>>[vector<16xi32>, vector<16xi32>], vector<16xi32>,
      %get3A_384 = arith.index_cast %scan3A_378 : i32 to index
      %get3A_385 = arith.constant 16 : index
      %get3A_386 = tpu.vector_load %arg5[%get3A_384, %get3A_385] {strides = array<i32>} : memref<512x50xi32, #tpu.memory_space<vmem>>, vector<16xi32>,
      %add3A_387 = arith.constant 16 : i32
      %add3A_388 = vector.broadcast %add3A_387 : i32 to vector<16xi32>
      %add3A_389 = arith.addi %add3A_388, %iota3A : vector<16xi32>
      tpu.vector_store_idx %arg6[%add3A_389, %broadcast_in_dim3A], %get3A_386 : memref<64x513xi32, #tpu.memory_space<vmem>>[vector<16xi32>, vector<16xi32>], vector<16xi32>,
      %get3A_390 = arith.index_cast %scan3A_378 : i32 to index
      %get3A_391 = arith.constant 32 : index
      %get3A_392 = tpu.vector_load %arg5[%get3A_390, %get3A_391] {strides = array<i32>} : memref<512x50xi32, #tpu.memory_space<vmem>>, vector<16xi32>,
      %add3A_393 = arith.constant 32 : i32
      %add3A_394 = vector.broadcast %add3A_393 : i32 to vector<16xi32>
      %add3A_395 = arith.addi %add3A_394, %iota3A : vector<16xi32>
      tpu.vector_store_idx %arg6[%add3A_395, %broadcast_in_dim3A], %get3A_392 : memref<64x513xi32, #tpu.memory_space<vmem>>[vector<16xi32>, vector<16xi32>], vector<16xi32>,
      %get3A_396 = arith.index_cast %scan3A_378 : i32 to index
      %get3A_397 = arith.constant 34 : index
      %get3A_398 = tpu.vector_load %arg5[%get3A_396, %get3A_397] {strides = array<i32>} : memref<512x50xi32, #tpu.memory_space<vmem>>, vector<16xi32>,
      %add3A_399 = arith.constant 34 : i32
      %add3A_400 = vector.broadcast %add3A_399 : i32 to vector<16xi32>
      %add3A_401 = arith.addi %add3A_400, %iota3A : vector<16xi32>
      tpu.vector_store_idx %arg6[%add3A_401, %broadcast_in_dim3A], %get3A_398 : memref<64x513xi32, #tpu.memory_space<vmem>>[vector<16xi32>, vector<16xi32>], vector<16xi32>,
    }
    %scan3A_7 = arith.constant 512 : i32
    %add3A_8 = arith.constant 0 : i32
    %add3A_9 = vector.broadcast %add3A_8 : i32 to vector<16xi32>
    %add3A_10 = arith.addi %add3A_9, %iota3A : vector<16xi32>
    %jit3A = arith.constant 8 : i32
    %div3A = vector.broadcast %jit3A : i32 to vector<16xi32>
    %div3A_11 = arith.divsi %add3A_10, %div3A : vector<16xi32>
    %sign3A = arith.constant 0 : i32
    %sign3A_12 = vector.broadcast %sign3A : i32 to vector<16xi32>
    %sign3A_13 = arith.cmpi sgt, %add3A_10, %sign3A_12 : vector<16xi32>
    %sign3A_14 = arith.extui %sign3A_13 : vector<16xi1> to vector<16xi32>
    %sign3A_15 = arith.constant 0 : i32
    %sign3A_16 = vector.broadcast %sign3A_15 : i32 to vector<16xi32>
    %sign3A_17 = arith.cmpi slt, %add3A_10, %sign3A_16 : vector<16xi32>
    %sign3A_18 = arith.extui %sign3A_17 : vector<16xi1> to vector<16xi32>
    %sign3A_19 = arith.subi %sign3A_14, %sign3A_18 : vector<16xi32>
    %sign3A_20 = arith.constant 0 : i32
    %sign3A_21 = arith.cmpi sgt, %jit3A, %sign3A_20 : i32
    %sign3A_22 = arith.extui %sign3A_21 : i1 to i32
    %sign3A_23 = arith.constant 0 : i32
    %sign3A_24 = arith.cmpi slt, %jit3A, %sign3A_23 : i32
    %sign3A_25 = arith.extui %sign3A_24 : i1 to i32
    %sign3A_26 = arith.subi %sign3A_22, %sign3A_25 : i32
    %ne3A = vector.broadcast %sign3A_26 : i32 to vector<16xi32>
    %ne3A_27 = arith.cmpi ne, %sign3A_19, %ne3A : vector<16xi32>
    %rem3A = vector.broadcast %jit3A : i32 to vector<16xi32>
    %rem3A_28 = arith.remsi %add3A_10, %rem3A : vector<16xi32>
    %ne3A_29 = arith.constant 0 : i32
    %ne3A_30 = vector.broadcast %ne3A_29 : i32 to vector<16xi32>
    %ne3A_31 = arith.cmpi ne, %rem3A_28, %ne3A_30 : vector<16xi32>
    %and3A = arith.andi %ne3A_27, %ne3A_31 : vector<16xi1>
    %sub3A = arith.constant 1 : i32
    %sub3A_32 = vector.broadcast %sub3A : i32 to vector<16xi32>
    %sub3A_33 = arith.subi %div3A_11, %sub3A_32 : vector<16xi32>
    %select_n3A = arith.select %and3A, %sub3A_33, %div3A_11 : vector<16xi1>, vector<16xi32>
    %add3A_34 = arith.constant 16 : i32
    %add3A_35 = vector.broadcast %add3A_34 : i32 to vector<16xi32>
    %add3A_36 = arith.addi %add3A_35, %iota3A : vector<16xi32>
    %jit3A_37 = arith.constant 8 : i32
    %div3A_38 = vector.broadcast %jit3A_37 : i32 to vector<16xi32>
    %div3A_39 = arith.divsi %add3A_36, %div3A_38 : vector<16xi32>
    %sign3A_40 = arith.constant 0 : i32
    %sign3A_41 = vector.broadcast %sign3A_40 : i32 to vector<16xi32>
    %sign3A_42 = arith.cmpi sgt, %add3A_36, %sign3A_41 : vector<16xi32>
    %sign3A_43 = arith.extui %sign3A_42 : vector<16xi1> to vector<16xi32>
    %sign3A_44 = arith.constant 0 : i32
    %sign3A_45 = vector.broadcast %sign3A_44 : i32 to vector<16xi32>
    %sign3A_46 = arith.cmpi slt, %add3A_36, %sign3A_45 : vector<16xi32>
    %sign3A_47 = arith.extui %sign3A_46 : vector<16xi1> to vector<16xi32>
    %sign3A_48 = arith.subi %sign3A_43, %sign3A_47 : vector<16xi32>
    %sign3A_49 = arith.constant 0 : i32
    %sign3A_50 = arith.cmpi sgt, %jit3A_37, %sign3A_49 : i32
    %sign3A_51 = arith.extui %sign3A_50 : i1 to i32
    %sign3A_52 = arith.constant 0 : i32
    %sign3A_53 = arith.cmpi slt, %jit3A_37, %sign3A_52 : i32
    %sign3A_54 = arith.extui %sign3A_53 : i1 to i32
    %sign3A_55 = arith.subi %sign3A_51, %sign3A_54 : i32
    %ne3A_56 = vector.broadcast %sign3A_55 : i32 to vector<16xi32>
    %ne3A_57 = arith.cmpi ne, %sign3A_48, %ne3A_56 : vector<16xi32>
    %rem3A_58 = vector.broadcast %jit3A_37 : i32 to vector<16xi32>
    %rem3A_59 = arith.remsi %add3A_36, %rem3A_58 : vector<16xi32>
    %ne3A_60 = arith.constant 0 : i32
    %ne3A_61 = vector.broadcast %ne3A_60 : i32 to vector<16xi32>
    %ne3A_62 = arith.cmpi ne, %rem3A_59, %ne3A_61 : vector<16xi32>
    %and3A_63 = arith.andi %ne3A_57, %ne3A_62 : vector<16xi1>
    %sub3A_64 = arith.constant 1 : i32
    %sub3A_65 = vector.broadcast %sub3A_64 : i32 to vector<16xi32>
    %sub3A_66 = arith.subi %div3A_39, %sub3A_65 : vector<16xi32>
    %select_n3A_67 = arith.select %and3A_63, %sub3A_66, %div3A_39 : vector<16xi1>, vector<16xi32>
    %add3A_68 = arith.constant 32 : i32
    %add3A_69 = vector.broadcast %add3A_68 : i32 to vector<16xi32>
    %add3A_70 = arith.addi %add3A_69, %iota3A : vector<16xi32>
    %jit3A_71 = arith.constant 8 : i32
    %div3A_72 = vector.broadcast %jit3A_71 : i32 to vector<16xi32>
    %div3A_73 = arith.divsi %add3A_70, %div3A_72 : vector<16xi32>
    %sign3A_74 = arith.constant 0 : i32
    %sign3A_75 = vector.broadcast %sign3A_74 : i32 to vector<16xi32>
    %sign3A_76 = arith.cmpi sgt, %add3A_70, %sign3A_75 : vector<16xi32>
    %sign3A_77 = arith.extui %sign3A_76 : vector<16xi1> to vector<16xi32>
    %sign3A_78 = arith.constant 0 : i32
    %sign3A_79 = vector.broadcast %sign3A_78 : i32 to vector<16xi32>
    %sign3A_80 = arith.cmpi slt, %add3A_70, %sign3A_79 : vector<16xi32>
    %sign3A_81 = arith.extui %sign3A_80 : vector<16xi1> to vector<16xi32>
    %sign3A_82 = arith.subi %sign3A_77, %sign3A_81 : vector<16xi32>
    %sign3A_83 = arith.constant 0 : i32
    %sign3A_84 = arith.cmpi sgt, %jit3A_71, %sign3A_83 : i32
    %sign3A_85 = arith.extui %sign3A_84 : i1 to i32
    %sign3A_86 = arith.constant 0 : i32
    %sign3A_87 = arith.cmpi slt, %jit3A_71, %sign3A_86 : i32
    %sign3A_88 = arith.extui %sign3A_87 : i1 to i32
    %sign3A_89 = arith.subi %sign3A_85, %sign3A_88 : i32
    %ne3A_90 = vector.broadcast %sign3A_89 : i32 to vector<16xi32>
    %ne3A_91 = arith.cmpi ne, %sign3A_82, %ne3A_90 : vector<16xi32>
    %rem3A_92 = vector.broadcast %jit3A_71 : i32 to vector<16xi32>
    %rem3A_93 = arith.remsi %add3A_70, %rem3A_92 : vector<16xi32>
    %ne3A_94 = arith.constant 0 : i32
    %ne3A_95 = vector.broadcast %ne3A_94 : i32 to vector<16xi32>
    %ne3A_96 = arith.cmpi ne, %rem3A_93, %ne3A_95 : vector<16xi32>
    %and3A_97 = arith.andi %ne3A_91, %ne3A_96 : vector<16xi1>
    %sub3A_98 = arith.constant 1 : i32
    %sub3A_99 = vector.broadcast %sub3A_98 : i32 to vector<16xi32>
    %sub3A_100 = arith.subi %div3A_73, %sub3A_99 : vector<16xi32>
    %select_n3A_101 = arith.select %and3A_97, %sub3A_100, %div3A_73 : vector<16xi1>, vector<16xi32>
    %add3A_102 = arith.constant 48 : i32
    %add3A_103 = vector.broadcast %add3A_102 : i32 to vector<16xi32>
    %add3A_104 = arith.addi %add3A_103, %iota3A : vector<16xi32>
    %jit3A_105 = arith.constant 8 : i32
    %div3A_106 = vector.broadcast %jit3A_105 : i32 to vector<16xi32>
    %div3A_107 = arith.divsi %add3A_104, %div3A_106 : vector<16xi32>
    %sign3A_108 = arith.constant 0 : i32
    %sign3A_109 = vector.broadcast %sign3A_108 : i32 to vector<16xi32>
    %sign3A_110 = arith.cmpi sgt, %add3A_104, %sign3A_109 : vector<16xi32>
    %sign3A_111 = arith.extui %sign3A_110 : vector<16xi1> to vector<16xi32>
    %sign3A_112 = arith.constant 0 : i32
    %sign3A_113 = vector.broadcast %sign3A_112 : i32 to vector<16xi32>
    %sign3A_114 = arith.cmpi slt, %add3A_104, %sign3A_113 : vector<16xi32>
    %sign3A_115 = arith.extui %sign3A_114 : vector<16xi1> to vector<16xi32>
    %sign3A_116 = arith.subi %sign3A_111, %sign3A_115 : vector<16xi32>
    %sign3A_117 = arith.constant 0 : i32
    %sign3A_118 = arith.cmpi sgt, %jit3A_105, %sign3A_117 : i32
    %sign3A_119 = arith.extui %sign3A_118 : i1 to i32
    %sign3A_120 = arith.constant 0 : i32
    %sign3A_121 = arith.cmpi slt, %jit3A_105, %sign3A_120 : i32
    %sign3A_122 = arith.extui %sign3A_121 : i1 to i32
    %sign3A_123 = arith.subi %sign3A_119, %sign3A_122 : i32
    %ne3A_124 = vector.broadcast %sign3A_123 : i32 to vector<16xi32>
    %ne3A_125 = arith.cmpi ne, %sign3A_116, %ne3A_124 : vector<16xi32>
    %rem3A_126 = vector.broadcast %jit3A_105 : i32 to vector<16xi32>
    %rem3A_127 = arith.remsi %add3A_104, %rem3A_126 : vector<16xi32>
    %ne3A_128 = arith.constant 0 : i32
    %ne3A_129 = vector.broadcast %ne3A_128 : i32 to vector<16xi32>
    %ne3A_130 = arith.cmpi ne, %rem3A_127, %ne3A_129 : vector<16xi32>
    %and3A_131 = arith.andi %ne3A_125, %ne3A_130 : vector<16xi1>
    %sub3A_132 = arith.constant 1 : i32
    %sub3A_133 = vector.broadcast %sub3A_132 : i32 to vector<16xi32>
    %sub3A_134 = arith.subi %div3A_107, %sub3A_133 : vector<16xi32>
    %select_n3A_135 = arith.select %and3A_131, %sub3A_134, %div3A_107 : vector<16xi1>, vector<16xi32>
    %add3A_136 = arith.constant 0 : i32
    %add3A_137 = vector.broadcast %add3A_136 : i32 to vector<16xi32>
    %add3A_138 = arith.addi %add3A_137, %iota3A : vector<16xi32>
    %jit3A_139 = arith.constant 8 : i32
    %eq3A = arith.constant 0 : i32
    %eq3A_140 = arith.cmpi eq, %jit3A_139, %eq3A : i32
    %jit3A_141 = arith.constant 1 : i32
    %select_n3A_142 = arith.select %eq3A_140, %jit3A_141, %jit3A_139 : i32
    %rem3A_143 = vector.broadcast %select_n3A_142 : i32 to vector<16xi32>
    %rem3A_144 = arith.remsi %add3A_138, %rem3A_143 : vector<16xi32>
    %ne3A_145 = arith.constant 0 : i32
    %ne3A_146 = vector.broadcast %ne3A_145 : i32 to vector<16xi32>
    %ne3A_147 = arith.cmpi ne, %rem3A_144, %ne3A_146 : vector<16xi32>
    %lt3A = arith.constant 0 : i32
    %lt3A_148 = vector.broadcast %lt3A : i32 to vector<16xi32>
    %lt3A_149 = arith.cmpi slt, %rem3A_144, %lt3A_148 : vector<16xi32>
    %lt3A_150 = arith.constant 0 : i32
    %lt3A_151 = arith.cmpi slt, %select_n3A_142, %lt3A_150 : i32
    %ne3A_152 = vector.broadcast %lt3A_151 : i1 to vector<16xi1>
    %ne3A_153 = vector.broadcast %ne3A_152 : vector<16xi1> to vector<16xi1>
    %ne3A_154 = arith.xori %lt3A_149, %ne3A_153 : vector<16xi1>
    %and3A_155 = arith.andi %ne3A_154, %ne3A_147 : vector<16xi1>
    %add3A_156 = vector.broadcast %select_n3A_142 : i32 to vector<16xi32>
    %add3A_157 = arith.addi %rem3A_144, %add3A_156 : vector<16xi32>
    %select_n3A_158 = arith.select %and3A_155, %add3A_157, %rem3A_144 : vector<16xi1>, vector<16xi32>
    %add3A_159 = arith.constant 16 : i32
    %add3A_160 = vector.broadcast %add3A_159 : i32 to vector<16xi32>
    %add3A_161 = arith.addi %add3A_160, %iota3A : vector<16xi32>
    %jit3A_162 = arith.constant 8 : i32
    %eq3A_163 = arith.constant 0 : i32
    %eq3A_164 = arith.cmpi eq, %jit3A_162, %eq3A_163 : i32
    %jit3A_165 = arith.constant 1 : i32
    %select_n3A_166 = arith.select %eq3A_164, %jit3A_165, %jit3A_162 : i32
    %rem3A_167 = vector.broadcast %select_n3A_166 : i32 to vector<16xi32>
    %rem3A_168 = arith.remsi %add3A_161, %rem3A_167 : vector<16xi32>
    %ne3A_169 = arith.constant 0 : i32
    %ne3A_170 = vector.broadcast %ne3A_169 : i32 to vector<16xi32>
    %ne3A_171 = arith.cmpi ne, %rem3A_168, %ne3A_170 : vector<16xi32>
    %lt3A_172 = arith.constant 0 : i32
    %lt3A_173 = vector.broadcast %lt3A_172 : i32 to vector<16xi32>
    %lt3A_174 = arith.cmpi slt, %rem3A_168, %lt3A_173 : vector<16xi32>
    %lt3A_175 = arith.constant 0 : i32
    %lt3A_176 = arith.cmpi slt, %select_n3A_166, %lt3A_175 : i32
    %ne3A_177 = vector.broadcast %lt3A_176 : i1 to vector<16xi1>
    %ne3A_178 = vector.broadcast %ne3A_177 : vector<16xi1> to vector<16xi1>
    %ne3A_179 = arith.xori %lt3A_174, %ne3A_178 : vector<16xi1>
    %and3A_180 = arith.andi %ne3A_179, %ne3A_171 : vector<16xi1>
    %add3A_181 = vector.broadcast %select_n3A_166 : i32 to vector<16xi32>
    %add3A_182 = arith.addi %rem3A_168, %add3A_181 : vector<16xi32>
    %select_n3A_183 = arith.select %and3A_180, %add3A_182, %rem3A_168 : vector<16xi1>, vector<16xi32>
    %add3A_184 = arith.constant 32 : i32
    %add3A_185 = vector.broadcast %add3A_184 : i32 to vector<16xi32>
    %add3A_186 = arith.addi %add3A_185, %iota3A : vector<16xi32>
    %jit3A_187 = arith.constant 8 : i32
    %eq3A_188 = arith.constant 0 : i32
    %eq3A_189 = arith.cmpi eq, %jit3A_187, %eq3A_188 : i32
    %jit3A_190 = arith.constant 1 : i32
    %select_n3A_191 = arith.select %eq3A_189, %jit3A_190, %jit3A_187 : i32
    %rem3A_192 = vector.broadcast %select_n3A_191 : i32 to vector<16xi32>
    %rem3A_193 = arith.remsi %add3A_186, %rem3A_192 : vector<16xi32>
    %ne3A_194 = arith.constant 0 : i32
    %ne3A_195 = vector.broadcast %ne3A_194 : i32 to vector<16xi32>
    %ne3A_196 = arith.cmpi ne, %rem3A_193, %ne3A_195 : vector<16xi32>
    %lt3A_197 = arith.constant 0 : i32
    %lt3A_198 = vector.broadcast %lt3A_197 : i32 to vector<16xi32>
    %lt3A_199 = arith.cmpi slt, %rem3A_193, %lt3A_198 : vector<16xi32>
    %lt3A_200 = arith.constant 0 : i32
    %lt3A_201 = arith.cmpi slt, %select_n3A_191, %lt3A_200 : i32
    %ne3A_202 = vector.broadcast %lt3A_201 : i1 to vector<16xi1>
    %ne3A_203 = vector.broadcast %ne3A_202 : vector<16xi1> to vector<16xi1>
    %ne3A_204 = arith.xori %lt3A_199, %ne3A_203 : vector<16xi1>
    %and3A_205 = arith.andi %ne3A_204, %ne3A_196 : vector<16xi1>
    %add3A_206 = vector.broadcast %select_n3A_191 : i32 to vector<16xi32>
    %add3A_207 = arith.addi %rem3A_193, %add3A_206 : vector<16xi32>
    %select_n3A_208 = arith.select %and3A_205, %add3A_207, %rem3A_193 : vector<16xi1>, vector<16xi32>
    %add3A_209 = arith.constant 48 : i32
    %add3A_210 = vector.broadcast %add3A_209 : i32 to vector<16xi32>
    %add3A_211 = arith.addi %add3A_210, %iota3A : vector<16xi32>
    %jit3A_212 = arith.constant 8 : i32
    %eq3A_213 = arith.constant 0 : i32
    %eq3A_214 = arith.cmpi eq, %jit3A_212, %eq3A_213 : i32
    %jit3A_215 = arith.constant 1 : i32
    %select_n3A_216 = arith.select %eq3A_214, %jit3A_215, %jit3A_212 : i32
    %rem3A_217 = vector.broadcast %select_n3A_216 : i32 to vector<16xi32>
    %rem3A_218 = arith.remsi %add3A_211, %rem3A_217 : vector<16xi32>
    %ne3A_219 = arith.constant 0 : i32
    %ne3A_220 = vector.broadcast %ne3A_219 : i32 to vector<16xi32>
    %ne3A_221 = arith.cmpi ne, %rem3A_218, %ne3A_220 : vector<16xi32>
    %lt3A_222 = arith.constant 0 : i32
    %lt3A_223 = vector.broadcast %lt3A_222 : i32 to vector<16xi32>
    %lt3A_224 = arith.cmpi slt, %rem3A_218, %lt3A_223 : vector<16xi32>
    %lt3A_225 = arith.constant 0 : i32
    %lt3A_226 = arith.cmpi slt, %select_n3A_216, %lt3A_225 : i32
    %ne3A_227 = vector.broadcast %lt3A_226 : i1 to vector<16xi1>
    %ne3A_228 = vector.broadcast %ne3A_227 : vector<16xi1> to vector<16xi1>
    %ne3A_229 = arith.xori %lt3A_224, %ne3A_228 : vector<16xi1>
    %and3A_230 = arith.andi %ne3A_229, %ne3A_221 : vector<16xi1>
    %add3A_231 = vector.broadcast %select_n3A_216 : i32 to vector<16xi32>
    %add3A_232 = arith.addi %rem3A_218, %add3A_231 : vector<16xi32>
    %select_n3A_233 = arith.select %and3A_230, %add3A_232, %rem3A_218 : vector<16xi1>, vector<16xi32>
    %dma_start3A = arith.constant 0 : i32
    %dma_start3A_234 = arith.constant 0 : i32
    %dma_start3A_235 = tpu.memref_slice %arg6[%dma_start3A, %dma_start3A_234] : memref<64x513xi32, #tpu.memory_space<vmem>> -> memref<1x128xi32, #tpu.memory_space<vmem>>
    %dma_start3A_236 = tpu.memref_squeeze %dma_start3A_235 : memref<1x128xi32, #tpu.memory_space<vmem>> -> memref<128xi32, #tpu.memory_space<vmem>>
    %dma_start3A_237 = arith.constant 0 : i32
    %dma_start3A_238 = arith.constant 0 : i32
    %dma_start3A_239 = tpu.memref_slice %arg3[%dma_start3A_237, %dma_start3A_238] : memref<1000000x64xf32, #tpu.memory_space<hbm>> -> memref<1000000x64xf32, #tpu.memory_space<hbm>>
    tpu.enqueue_indirect_dma source(%dma_start3A_239 : memref<1000000x64xf32, #tpu.memory_space<hbm>>) target(%arg7 : memref<128x64xf32, #tpu.memory_space<vmem>>) offsets(%dma_start3A_236 : memref<128xi32, #tpu.memory_space<vmem>>) semaphore(%arg11 : memref<!tpu.dma_semaphore, #tpu.memory_space<semaphore_mem>>)
    %dma_wait3A = arith.constant 0 : i32
    %dma_wait3A_240 = arith.constant 0 : i32
    %dma_wait3A_241 = tpu.memref_slice %arg6[%dma_wait3A, %dma_wait3A_240] : memref<64x513xi32, #tpu.memory_space<vmem>> -> memref<1x128xi32, #tpu.memory_space<vmem>>
    %dma_wait3A_242 = tpu.memref_squeeze %dma_wait3A_241 : memref<1x128xi32, #tpu.memory_space<vmem>> -> memref<128xi32, #tpu.memory_space<vmem>>
    %dma_wait3A_243 = arith.constant 0 : i32
    %dma_wait3A_244 = arith.constant 0 : i32
    %dma_wait3A_245 = tpu.memref_slice %arg3[%dma_wait3A_243, %dma_wait3A_244] : memref<1000000x64xf32, #tpu.memory_space<hbm>> -> memref<1000000x64xf32, #tpu.memory_space<hbm>>
    tpu.wait_indirect_dma semaphore(%arg11 : memref<!tpu.dma_semaphore, #tpu.memory_space<semaphore_mem>>) src(%dma_wait3A_245 : memref<1000000x64xf32, #tpu.memory_space<hbm>>) dst(%arg7 : memref<128x64xf32, #tpu.memory_space<vmem>>)
    %dma_start3A_246 = arith.constant 0 : i32
    %dma_start3A_247 = arith.constant 128 : i32
    %dma_start3A_248 = tpu.memref_slice %arg6[%dma_start3A_246, %dma_start3A_247] : memref<64x513xi32, #tpu.memory_space<vmem>> -> memref<1x128xi32, #tpu.memory_space<vmem>>
    %dma_start3A_249 = tpu.memref_squeeze %dma_start3A_248 : memref<1x128xi32, #tpu.memory_space<vmem>> -> memref<128xi32, #tpu.memory_space<vmem>>
    %dma_start3A_250 = arith.constant 0 : i32
    %dma_start3A_251 = arith.constant 0 : i32
    %dma_start3A_252 = tpu.memref_slice %arg3[%dma_start3A_250, %dma_start3A_251] : memref<1000000x64xf32, #tpu.memory_space<hbm>> -> memref<1000000x64xf32, #tpu.memory_space<hbm>>
    tpu.enqueue_indirect_dma source(%dma_start3A_252 : memref<1000000x64xf32, #tpu.memory_space<hbm>>) target(%arg8 : memref<128x64xf32, #tpu.memory_space<vmem>>) offsets(%dma_start3A_249 : memref<128xi32, #tpu.memory_space<vmem>>) semaphore(%arg12 : memref<!tpu.dma_semaphore, #tpu.memory_space<semaphore_mem>>)
    %scan3A_253 = arith.constant 0 : i32
    %scan3A_254 = arith.constant 0 : i32
    %scan3A_255 = arith.constant 16 : i32
    %scan3A_256 = arith.addi %scan3A_254, %scan3A_255 : i32
    %scan3A_257 = arith.constant 1 : i32
    scf.for %scan3A_378 = %scan3A_254 to %scan3A_256 step %scan3A_257  : i32 {
      %mul3A_379 = arith.constant 8 : i32
      %mul3A_380 = arith.muli %scan3A_378, %mul3A_379 : i32
      %add3A_381 = arith.constant 0 : i32
      %add3A_382 = arith.addi %mul3A_380, %add3A_381 : i32
      %broadcast_in_dim3A = vector.broadcast %add3A_382 : i32 to vector<16xi32>
      %get3A = arith.index_cast %add3A_382 : i32 to index
      %get3A_383 = arith.constant 0 : index
      %get3A_384 = tpu.vector_load %arg7[%get3A, %get3A_383] {strides = array<i32>} : memref<128x64xf32, #tpu.memory_space<vmem>>, vector<16xf32>,
      tpu.vector_store_idx %arg9[%select_n3A, %select_n3A_158, %broadcast_in_dim3A], %get3A_384 : memref<8x8x129xf32, #tpu.memory_space<vmem>>[vector<16xi32>, vector<16xi32>, vector<16xi32>], vector<16xf32>,
      %get3A_385 = arith.index_cast %add3A_382 : i32 to index
      %get3A_386 = arith.constant 16 : index
      %get3A_387 = tpu.vector_load %arg7[%get3A_385, %get3A_386] {strides = array<i32>} : memref<128x64xf32, #tpu.memory_space<vmem>>, vector<16xf32>,
      tpu.vector_store_idx %arg9[%select_n3A_67, %select_n3A_183, %broadcast_in_dim3A], %get3A_387 : memref<8x8x129xf32, #tpu.memory_space<vmem>>[vector<16xi32>, vector<16xi32>, vector<16xi32>], vector<16xf32>,
      %get3A_388 = arith.index_cast %add3A_382 : i32 to index
      %get3A_389 = arith.constant 32 : index
      %get3A_390 = tpu.vector_load %arg7[%get3A_388, %get3A_389] {strides = array<i32>} : memref<128x64xf32, #tpu.memory_space<vmem>>, vector<16xf32>,
      tpu.vector_store_idx %arg9[%select_n3A_101, %select_n3A_208, %broadcast_in_dim3A], %get3A_390 : memref<8x8x129xf32, #tpu.memory_space<vmem>>[vector<16xi32>, vector<16xi32>, vector<16xi32>], vector<16xf32>,
      %get3A_391 = arith.index_cast %add3A_382 : i32 to index
      %get3A_392 = arith.constant 48 : index
      %get3A_393 = tpu.vector_load %arg7[%get3A_391, %get3A_392] {strides = array<i32>} : memref<128x64xf32, #tpu.memory_space<vmem>>, vector<16xf32>,
      tpu.vector_store_idx %arg9[%select_n3A_135, %select_n3A_233, %broadcast_in_dim3A], %get3A_393 : memref<8x8x129xf32, #tpu.memory_space<vmem>>[vector<16xi32>, vector<16xi32>, vector<16xi32>], vector<16xf32>,
      %mul3A_394 = arith.constant 8 : i32
      %mul3A_395 = arith.muli %scan3A_378, %mul3A_394 : i32
      %add3A_396 = arith.constant 1 : i32
      %add3A_397 = arith.addi %mul3A_395, %add3A_396 : i32
      %broadcast_in_dim3A_398 = vector.broadcast %add3A_397 : i32 to vector<16xi32>
      %get3A_399 = arith.index_cast %add3A_397 : i32 to index
      %get3A_400 = arith.constant 0 : index
      %get3A_401 = tpu.vector_load %arg7[%get3A_399, %get3A_400] {strides = array<i32>} : memref<128x64xf32, #tpu.memory_space<vmem>>, vector<16xf32>,
      tpu.vector_store_idx %arg9[%select_n3A, %select_n3A_158, %broadcast_in_dim3A_398], %get3A_401 : memref<8x8x129xf32, #tpu.memory_space<vmem>>[vector<16xi32>, vector<16xi32>, vector<16xi32>], vector<16xf32>,
      %get3A_402 = arith.index_cast %add3A_397 : i32 to index
      %get3A_403 = arith.constant 16 : index
      %get3A_404 = tpu.vector_load %arg7[%get3A_402, %get3A_403] {strides = array<i32>} : memref<128x64xf32, #tpu.memory_space<vmem>>, vector<16xf32>,
      tpu.vector_store_idx %arg9[%select_n3A_67, %select_n3A_183, %broadcast_in_dim3A_398], %get3A_404 : memref<8x8x129xf32, #tpu.memory_space<vmem>>[vector<16xi32>, vector<16xi32>, vector<16xi32>], vector<16xf32>,
      %get3A_405 = arith.index_cast %add3A_397 : i32 to index
      %get3A_406 = arith.constant 32 : index
      %get3A_407 = tpu.vector_load %arg7[%get3A_405, %get3A_406] {strides = array<i32>} : memref<128x64xf32, #tpu.memory_space<vmem>>, vector<16xf32>,
      tpu.vector_store_idx %arg9[%select_n3A_101, %select_n3A_208, %broadcast_in_dim3A_398], %get3A_407 : memref<8x8x129xf32, #tpu.memory_space<vmem>>[vector<16xi32>, vector<16xi32>, vector<16xi32>], vector<16xf32>,
      %get3A_408 = arith.index_cast %add3A_397 : i32 to index
      %get3A_409 = arith.constant 48 : index
      %get3A_410 = tpu.vector_load %arg7[%get3A_408, %get3A_409] {strides = array<i32>} : memref<128x64xf32, #tpu.memory_space<vmem>>, vector<16xf32>,
      tpu.vector_store_idx %arg9[%select_n3A_135, %select_n3A_233, %broadcast_in_dim3A_398], %get3A_410 : memref<8x8x129xf32, #tpu.memory_space<vmem>>[vector<16xi32>, vector<16xi32>, vector<16xi32>], vector<16xf32>,
      %mul3A_411 = arith.constant 8 : i32
      %mul3A_412 = arith.muli %scan3A_378, %mul3A_411 : i32
      %add3A_413 = arith.constant 2 : i32
      %add3A_414 = arith.addi %mul3A_412, %add3A_413 : i32
      %broadcast_in_dim3A_415 = vector.broadcast %add3A_414 : i32 to vector<16xi32>
      %get3A_416 = arith.index_cast %add3A_414 : i32 to index
      %get3A_417 = arith.constant 0 : index
      %get3A_418 = tpu.vector_load %arg7[%get3A_416, %get3A_417] {strides = array<i32>} : memref<128x64xf32, #tpu.memory_space<vmem>>, vector<16xf32>,
      tpu.vector_store_idx %arg9[%select_n3A, %select_n3A_158, %broadcast_in_dim3A_415], %get3A_418 : memref<8x8x129xf32, #tpu.memory_space<vmem>>[vector<16xi32>, vector<16xi32>, vector<16xi32>], vector<16xf32>,
      %get3A_419 = arith.index_cast %add3A_414 : i32 to index
      %get3A_420 = arith.constant 16 : index
      %get3A_421 = tpu.vector_load %arg7[%get3A_419, %get3A_420] {strides = array<i32>} : memref<128x64xf32, #tpu.memory_space<vmem>>, vector<16xf32>,
      tpu.vector_store_idx %arg9[%select_n3A_67, %select_n3A_183, %broadcast_in_dim3A_415], %get3A_421 : memref<8x8x129xf32, #tpu.memory_space<vmem>>[vector<16xi32>, vector<16xi32>, vector<16xi32>], vector<16xf32>,
      %get3A_422 = arith.index_cast %add3A_414 : i32 to index
      %get3A_423 = arith.constant 32 : index
      %get3A_424 = tpu.vector_load %arg7[%get3A_422, %get3A_423] {strides = array<i32>} : memref<128x64xf32, #tpu.memory_space<vmem>>, vector<16xf32>,
      tpu.vector_store_idx %arg9[%select_n3A_101, %select_n3A_208, %broadcast_in_dim3A_415], %get3A_424 : memref<8x8x129xf32, #tpu.memory_space<vmem>>[vector<16xi32>, vector<16xi32>, vector<16xi32>], vector<16xf32>,
      %get3A_425 = arith.index_cast %add3A_414 : i32 to index
      %get3A_426 = arith.constant 48 : index
      %get3A_427 = tpu.vector_load %arg7[%get3A_425, %get3A_426] {strides = array<i32>} : memref<128x64xf32, #tpu.memory_space<vmem>>, vector<16xf32>,
      tpu.vector_store_idx %arg9[%select_n3A_135, %select_n3A_233, %broadcast_in_dim3A_415], %get3A_427 : memref<8x8x129xf32, #tpu.memory_space<vmem>>[vector<16xi32>, vector<16xi32>, vector<16xi32>], vector<16xf32>,
      %mul3A_428 = arith.constant 8 : i32
      %mul3A_429 = arith.muli %scan3A_378, %mul3A_428 : i32
      %add3A_430 = arith.constant 3 : i32
      %add3A_431 = arith.addi %mul3A_429, %add3A_430 : i32
      %broadcast_in_dim3A_432 = vector.broadcast %add3A_431 : i32 to vector<16xi32>
      %get3A_433 = arith.index_cast %add3A_431 : i32 to index
      %get3A_434 = arith.constant 0 : index
      %get3A_435 = tpu.vector_load %arg7[%get3A_433, %get3A_434] {strides = array<i32>} : memref<128x64xf32, #tpu.memory_space<vmem>>, vector<16xf32>,
      tpu.vector_store_idx %arg9[%select_n3A, %select_n3A_158, %broadcast_in_dim3A_432], %get3A_435 : memref<8x8x129xf32, #tpu.memory_space<vmem>>[vector<16xi32>, vector<16xi32>, vector<16xi32>], vector<16xf32>,
      %get3A_436 = arith.index_cast %add3A_431 : i32 to index
      %get3A_437 = arith.constant 16 : index
      %get3A_438 = tpu.vector_load %arg7[%get3A_436, %get3A_437] {strides = array<i32>} : memref<128x64xf32, #tpu.memory_space<vmem>>, vector<16xf32>,
      tpu.vector_store_idx %arg9[%select_n3A_67, %select_n3A_183, %broadcast_in_dim3A_432], %get3A_438 : memref<8x8x129xf32, #tpu.memory_space<vmem>>[vector<16xi32>, vector<16xi32>, vector<16xi32>], vector<16xf32>,
      %get3A_439 = arith.index_cast %add3A_431 : i32 to index
      %get3A_440 = arith.constant 32 : index
      %get3A_441 = tpu.vector_load %arg7[%get3A_439, %get3A_440] {strides = array<i32>} : memref<128x64xf32, #tpu.memory_space<vmem>>, vector<16xf32>,
      tpu.vector_store_idx %arg9[%select_n3A_101, %select_n3A_208, %broadcast_in_dim3A_432], %get3A_441 : memref<8x8x129xf32, #tpu.memory_space<vmem>>[vector<16xi32>, vector<16xi32>, vector<16xi32>], vector<16xf32>,
      %get3A_442 = arith.index_cast %add3A_431 : i32 to index
      %get3A_443 = arith.constant 48 : index
      %get3A_444 = tpu.vector_load %arg7[%get3A_442, %get3A_443] {strides = array<i32>} : memref<128x64xf32, #tpu.memory_space<vmem>>, vector<16xf32>,
      tpu.vector_store_idx %arg9[%select_n3A_135, %select_n3A_233, %broadcast_in_dim3A_432], %get3A_444 : memref<8x8x129xf32, #tpu.memory_space<vmem>>[vector<16xi32>, vector<16xi32>, vector<16xi32>], vector<16xf32>,
      %mul3A_445 = arith.constant 8 : i32
      %mul3A_446 = arith.muli %scan3A_378, %mul3A_445 : i32
      %add3A_447 = arith.constant 4 : i32
      %add3A_448 = arith.addi %mul3A_446, %add3A_447 : i32
      %broadcast_in_dim3A_449 = vector.broadcast %add3A_448 : i32 to vector<16xi32>
      %get3A_450 = arith.index_cast %add3A_448 : i32 to index
      %get3A_451 = arith.constant 0 : index
      %get3A_452 = tpu.vector_load %arg7[%get3A_450, %get3A_451] {strides = array<i32>} : memref<128x64xf32, #tpu.memory_space<vmem>>, vector<16xf32>,
      tpu.vector_store_idx %arg9[%select_n3A, %select_n3A_158, %broadcast_in_dim3A_449], %get3A_452 : memref<8x8x129xf32, #tpu.memory_space<vmem>>[vector<16xi32>, vector<16xi32>, vector<16xi32>], vector<16xf32>,
      %get3A_453 = arith.index_cast %add3A_448 : i32 to index
      %get3A_454 = arith.constant 16 : index
      %get3A_455 = tpu.vector_load %arg7[%get3A_453, %get3A_454] {strides = array<i32>} : memref<128x64xf32, #tpu.memory_space<vmem>>, vector<16xf32>,
      tpu.vector_store_idx %arg9[%select_n3A_67, %select_n3A_183, %broadcast_in_dim3A_449], %get3A_455 : memref<8x8x129xf32, #tpu.memory_space<vmem>>[vector<16xi32>, vector<16xi32>, vector<16xi32>], vector<16xf32>,
      %get3A_456 = arith.index_cast %add3A_448 : i32 to index
      %get3A_457 = arith.constant 32 : index
      %get3A_458 = tpu.vector_load %arg7[%get3A_456, %get3A_457] {strides = array<i32>} : memref<128x64xf32, #tpu.memory_space<vmem>>, vector<16xf32>,
      tpu.vector_store_idx %arg9[%select_n3A_101, %select_n3A_208, %broadcast_in_dim3A_449], %get3A_458 : memref<8x8x129xf32, #tpu.memory_space<vmem>>[vector<16xi32>, vector<16xi32>, vector<16xi32>], vector<16xf32>,
      %get3A_459 = arith.index_cast %add3A_448 : i32 to index
      %get3A_460 = arith.constant 48 : index
      %get3A_461 = tpu.vector_load %arg7[%get3A_459, %get3A_460] {strides = array<i32>} : memref<128x64xf32, #tpu.memory_space<vmem>>, vector<16xf32>,
      tpu.vector_store_idx %arg9[%select_n3A_135, %select_n3A_233, %broadcast_in_dim3A_449], %get3A_461 : memref<8x8x129xf32, #tpu.memory_space<vmem>>[vector<16xi32>, vector<16xi32>, vector<16xi32>], vector<16xf32>,
      %mul3A_462 = arith.constant 8 : i32
      %mul3A_463 = arith.muli %scan3A_378, %mul3A_462 : i32
      %add3A_464 = arith.constant 5 : i32
      %add3A_465 = arith.addi %mul3A_463, %add3A_464 : i32
      %broadcast_in_dim3A_466 = vector.broadcast %add3A_465 : i32 to vector<16xi32>
      %get3A_467 = arith.index_cast %add3A_465 : i32 to index
      %get3A_468 = arith.constant 0 : index
      %get3A_469 = tpu.vector_load %arg7[%get3A_467, %get3A_468] {strides = array<i32>} : memref<128x64xf32, #tpu.memory_space<vmem>>, vector<16xf32>,
      tpu.vector_store_idx %arg9[%select_n3A, %select_n3A_158, %broadcast_in_dim3A_466], %get3A_469 : memref<8x8x129xf32, #tpu.memory_space<vmem>>[vector<16xi32>, vector<16xi32>, vector<16xi32>], vector<16xf32>,
      %get3A_470 = arith.index_cast %add3A_465 : i32 to index
      %get3A_471 = arith.constant 16 : index
      %get3A_472 = tpu.vector_load %arg7[%get3A_470, %get3A_471] {strides = array<i32>} : memref<128x64xf32, #tpu.memory_space<vmem>>, vector<16xf32>,
      tpu.vector_store_idx %arg9[%select_n3A_67, %select_n3A_183, %broadcast_in_dim3A_466], %get3A_472 : memref<8x8x129xf32, #tpu.memory_space<vmem>>[vector<16xi32>, vector<16xi32>, vector<16xi32>], vector<16xf32>,
      %get3A_473 = arith.index_cast %add3A_465 : i32 to index
      %get3A_474 = arith.constant 32 : index
      %get3A_475 = tpu.vector_load %arg7[%get3A_473, %get3A_474] {strides = array<i32>} : memref<128x64xf32, #tpu.memory_space<vmem>>, vector<16xf32>,
      tpu.vector_store_idx %arg9[%select_n3A_101, %select_n3A_208, %broadcast_in_dim3A_466], %get3A_475 : memref<8x8x129xf32, #tpu.memory_space<vmem>>[vector<16xi32>, vector<16xi32>, vector<16xi32>], vector<16xf32>,
      %get3A_476 = arith.index_cast %add3A_465 : i32 to index
      %get3A_477 = arith.constant 48 : index
      %get3A_478 = tpu.vector_load %arg7[%get3A_476, %get3A_477] {strides = array<i32>} : memref<128x64xf32, #tpu.memory_space<vmem>>, vector<16xf32>,
      tpu.vector_store_idx %arg9[%select_n3A_135, %select_n3A_233, %broadcast_in_dim3A_466], %get3A_478 : memref<8x8x129xf32, #tpu.memory_space<vmem>>[vector<16xi32>, vector<16xi32>, vector<16xi32>], vector<16xf32>,
      %mul3A_479 = arith.constant 8 : i32
      %mul3A_480 = arith.muli %scan3A_378, %mul3A_479 : i32
      %add3A_481 = arith.constant 6 : i32
      %add3A_482 = arith.addi %mul3A_480, %add3A_481 : i32
      %broadcast_in_dim3A_483 = vector.broadcast %add3A_482 : i32 to vector<16xi32>
      %get3A_484 = arith.index_cast %add3A_482 : i32 to index
      %get3A_485 = arith.constant 0 : index
      %get3A_486 = tpu.vector_load %arg7[%get3A_484, %get3A_485] {strides = array<i32>} : memref<128x64xf32, #tpu.memory_space<vmem>>, vector<16xf32>,
      tpu.vector_store_idx %arg9[%select_n3A, %select_n3A_158, %broadcast_in_dim3A_483], %get3A_486 : memref<8x8x129xf32, #tpu.memory_space<vmem>>[vector<16xi32>, vector<16xi32>, vector<16xi32>], vector<16xf32>,
      %get3A_487 = arith.index_cast %add3A_482 : i32 to index
      %get3A_488 = arith.constant 16 : index
      %get3A_489 = tpu.vector_load %arg7[%get3A_487, %get3A_488] {strides = array<i32>} : memref<128x64xf32, #tpu.memory_space<vmem>>, vector<16xf32>,
      tpu.vector_store_idx %arg9[%select_n3A_67, %select_n3A_183, %broadcast_in_dim3A_483], %get3A_489 : memref<8x8x129xf32, #tpu.memory_space<vmem>>[vector<16xi32>, vector<16xi32>, vector<16xi32>], vector<16xf32>,
      %get3A_490 = arith.index_cast %add3A_482 : i32 to index
      %get3A_491 = arith.constant 32 : index
      %get3A_492 = tpu.vector_load %arg7[%get3A_490, %get3A_491] {strides = array<i32>} : memref<128x64xf32, #tpu.memory_space<vmem>>, vector<16xf32>,
      tpu.vector_store_idx %arg9[%select_n3A_101, %select_n3A_208, %broadcast_in_dim3A_483], %get3A_492 : memref<8x8x129xf32, #tpu.memory_space<vmem>>[vector<16xi32>, vector<16xi32>, vector<16xi32>], vector<16xf32>,
      %get3A_493 = arith.index_cast %add3A_482 : i32 to index
      %get3A_494 = arith.constant 48 : index
      %get3A_495 = tpu.vector_load %arg7[%get3A_493, %get3A_494] {strides = array<i32>} : memref<128x64xf32, #tpu.memory_space<vmem>>, vector<16xf32>,
      tpu.vector_store_idx %arg9[%select_n3A_135, %select_n3A_233, %broadcast_in_dim3A_483], %get3A_495 : memref<8x8x129xf32, #tpu.memory_space<vmem>>[vector<16xi32>, vector<16xi32>, vector<16xi32>], vector<16xf32>,
      %mul3A_496 = arith.constant 8 : i32
      %mul3A_497 = arith.muli %scan3A_378, %mul3A_496 : i32
      %add3A_498 = arith.constant 7 : i32
      %add3A_499 = arith.addi %mul3A_497, %add3A_498 : i32
      %broadcast_in_dim3A_500 = vector.broadcast %add3A_499 : i32 to vector<16xi32>
      %get3A_501 = arith.index_cast %add3A_499 : i32 to index
      %get3A_502 = arith.constant 0 : index
      %get3A_503 = tpu.vector_load %arg7[%get3A_501, %get3A_502] {strides = array<i32>} : memref<128x64xf32, #tpu.memory_space<vmem>>, vector<16xf32>,
      tpu.vector_store_idx %arg9[%select_n3A, %select_n3A_158, %broadcast_in_dim3A_500], %get3A_503 : memref<8x8x129xf32, #tpu.memory_space<vmem>>[vector<16xi32>, vector<16xi32>, vector<16xi32>], vector<16xf32>,
      %get3A_504 = arith.index_cast %add3A_499 : i32 to index
      %get3A_505 = arith.constant 16 : index
      %get3A_506 = tpu.vector_load %arg7[%get3A_504, %get3A_505] {strides = array<i32>} : memref<128x64xf32, #tpu.memory_space<vmem>>, vector<16xf32>,
      tpu.vector_store_idx %arg9[%select_n3A_67, %select_n3A_183, %broadcast_in_dim3A_500], %get3A_506 : memref<8x8x129xf32, #tpu.memory_space<vmem>>[vector<16xi32>, vector<16xi32>, vector<16xi32>], vector<16xf32>,
      %get3A_507 = arith.index_cast %add3A_499 : i32 to index
      %get3A_508 = arith.constant 32 : index
      %get3A_509 = tpu.vector_load %arg7[%get3A_507, %get3A_508] {strides = array<i32>} : memref<128x64xf32, #tpu.memory_space<vmem>>, vector<16xf32>,
      tpu.vector_store_idx %arg9[%select_n3A_101, %select_n3A_208, %broadcast_in_dim3A_500], %get3A_509 : memref<8x8x129xf32, #tpu.memory_space<vmem>>[vector<16xi32>, vector<16xi32>, vector<16xi32>], vector<16xf32>,
      %get3A_510 = arith.index_cast %add3A_499 : i32 to index
      %get3A_511 = arith.constant 48 : index
      %get3A_512 = tpu.vector_load %arg7[%get3A_510, %get3A_511] {strides = array<i32>} : memref<128x64xf32, #tpu.memory_space<vmem>>, vector<16xf32>,
      tpu.vector_store_idx %arg9[%select_n3A_135, %select_n3A_233, %broadcast_in_dim3A_500], %get3A_512 : memref<8x8x129xf32, #tpu.memory_space<vmem>>[vector<16xi32>, vector<16xi32>, vector<16xi32>], vector<16xf32>,
    }
    %scan3A_258 = arith.constant 16 : i32
    %mul3A_259 = arith.constant 4 : i32
    %mul3A_260 = arith.muli %add3A, %mul3A_259 : i32
    %add3A_261 = arith.constant 0 : i32
    %add3A_262 = arith.addi %mul3A_260, %add3A_261 : i32
    %dma_start3A_263 = arith.constant 0 : i32
    %dma_start3A_264 = arith.constant 0 : i32
    %dma_start3A_265 = arith.constant 0 : i32
    %dma_start3A_266 = arith.constant 0 : i32
    %dma_start3A_267 = tpu.memref_slice %arg9[%dma_start3A_264, %dma_start3A_265, %dma_start3A_266] : memref<8x8x129xf32, #tpu.memory_space<vmem>> -> memref<8x8x128xf32, #tpu.memory_space<vmem>>
    %dma_start3A_268 = arith.constant 0 : i32
    %dma_start3A_269 = arith.constant 0 : i32
    %dma_start3A_270 = arith.constant 0 : i32
    %dma_start3A_271 = tpu.memref_slice %arg4[%dma_start3A_263, %dma_start3A_268, %add3A_262, %dma_start3A_269, %dma_start3A_270] : memref<50x8x128x8x128xf32, #tpu.memory_space<hbm>> -> memref<1x8x1x8x128xf32, #tpu.memory_space<hbm>>
    %dma_start3A_272 = tpu.memref_squeeze %dma_start3A_271 : memref<1x8x1x8x128xf32, #tpu.memory_space<hbm>> -> memref<8x8x128xf32, #tpu.memory_space<hbm>>
    %dma_start3A_273 = arith.constant 0 : i32
    %dma_start3A_274 = arith.constant 0 : i32
    %dma_start3A_275 = arith.constant 0 : i32
    %dma_start3A_276 = tpu.memref_slice %arg4[%dma_start3A_263, %dma_start3A_273, %add3A_262, %dma_start3A_274, %dma_start3A_275] : memref<50x8x128x8x128xf32, #tpu.memory_space<hbm>> -> memref<1x8x1x8x128xf32, #tpu.memory_space<hbm>>
    %dma_start3A_277 = tpu.memref_squeeze %dma_start3A_276 : memref<1x8x1x8x128xf32, #tpu.memory_space<hbm>> -> memref<8x8x128xf32, #tpu.memory_space<hbm>>
    %dma_start3A_278 = arith.constant 0 : i32
    %dma_start3A_279 = arith.constant 0 : i32
    %dma_start3A_280 = arith.constant 0 : i32
    %dma_start3A_281 = tpu.memref_slice %arg9[%dma_start3A_278, %dma_start3A_279, %dma_start3A_280] : memref<8x8x129xf32, #tpu.memory_space<vmem>> -> memref<8x8x128xf32, #tpu.memory_space<vmem>>
    tpu.enqueue_dma source(%dma_start3A_281 : memref<8x8x128xf32, #tpu.memory_space<vmem>>) target(%dma_start3A_277 : memref<8x8x128xf32, #tpu.memory_space<hbm>>) target_semaphore(%arg13 : memref<!tpu.dma_semaphore, #tpu.memory_space<semaphore_mem>>)
    %dma_wait3A_282 = arith.constant 0 : i32
    %dma_wait3A_283 = arith.constant 0 : i32
    %dma_wait3A_284 = tpu.memref_slice %arg6[%dma_wait3A_282, %dma_wait3A_283] : memref<64x513xi32, #tpu.memory_space<vmem>> -> memref<1x128xi32, #tpu.memory_space<vmem>>
    %dma_wait3A_285 = tpu.memref_squeeze %dma_wait3A_284 : memref<1x128xi32, #tpu.memory_space<vmem>> -> memref<128xi32, #tpu.memory_space<vmem>>
    %dma_wait3A_286 = arith.constant 0 : i32
    %dma_wait3A_287 = arith.constant 0 : i32
    %dma_wait3A_288 = tpu.memref_slice %arg3[%dma_wait3A_286, %dma_wait3A_287] : memref<1000000x64xf32, #tpu.memory_space<hbm>> -> memref<1000000x64xf32, #tpu.memory_space<hbm>>
    tpu.wait_indirect_dma semaphore(%arg12 : memref<!tpu.dma_semaphore, #tpu.memory_space<semaphore_mem>>) src(%dma_wait3A_288 : memref<1000000x64xf32, #tpu.memory_space<hbm>>) dst(%arg8 : memref<128x64xf32, #tpu.memory_space<vmem>>)
    %dma_start3A_289 = arith.constant 0 : i32
    %dma_start3A_290 = arith.constant 256 : i32
    %dma_start3A_291 = tpu.memref_slice %arg6[%dma_start3A_289, %dma_start3A_290] : memref<64x513xi32, #tpu.memory_space<vmem>> -> memref<1x128xi32, #tpu.memory_space<vmem>>
    %dma_start3A_292 = tpu.memref_squeeze %dma_start3A_291 : memref<1x128xi32, #tpu.memory_space<vmem>> -> memref<128xi32, #tpu.memory_space<vmem>>
    %dma_start3A_293 = arith.constant 0 : i32
    %dma_start3A_294 = arith.constant 0 : i32
    %dma_start3A_295 = tpu.memref_slice %arg3[%dma_start3A_293, %dma_start3A_294] : memref<1000000x64xf32, #tpu.memory_space<hbm>> -> memref<1000000x64xf32, #tpu.memory_space<hbm>>
    tpu.enqueue_indirect_dma source(%dma_start3A_295 : memref<1000000x64xf32, #tpu.memory_space<hbm>>) target(%arg7 : memref<128x64xf32, #tpu.memory_space<vmem>>) offsets(%dma_start3A_292 : memref<128xi32, #tpu.memory_space<vmem>>) semaphore(%arg11 : memref<!tpu.dma_semaphore, #tpu.memory_space<semaphore_mem>>)
    %scan3A_296 = arith.constant 0 : i32
    %scan3A_297 = arith.constant 0 : i32
    %scan3A_298 = arith.constant 16 : i32
    %scan3A_299 = arith.addi %scan3A_297, %scan3A_298 : i32
    %scan3A_300 = arith.constant 1 : i32
    scf.for %scan3A_378 = %scan3A_297 to %scan3A_299 step %scan3A_300  : i32 {
      %mul3A_379 = arith.constant 8 : i32
      %mul3A_380 = arith.muli %scan3A_378, %mul3A_379 : i32
      %add3A_381 = arith.constant 0 : i32
      %add3A_382 = arith.addi %mul3A_380, %add3A_381 : i32
      %broadcast_in_dim3A = vector.broadcast %add3A_382 : i32 to vector<16xi32>
      %get3A = arith.index_cast %add3A_382 : i32 to index
      %get3A_383 = arith.constant 0 : index
      %get3A_384 = tpu.vector_load %arg8[%get3A, %get3A_383] {strides = array<i32>} : memref<128x64xf32, #tpu.memory_space<vmem>>, vector<16xf32>,
      tpu.vector_store_idx %arg10[%select_n3A, %select_n3A_158, %broadcast_in_dim3A], %get3A_384 : memref<8x8x129xf32, #tpu.memory_space<vmem>>[vector<16xi32>, vector<16xi32>, vector<16xi32>], vector<16xf32>,
      %get3A_385 = arith.index_cast %add3A_382 : i32 to index
      %get3A_386 = arith.constant 16 : index
      %get3A_387 = tpu.vector_load %arg8[%get3A_385, %get3A_386] {strides = array<i32>} : memref<128x64xf32, #tpu.memory_space<vmem>>, vector<16xf32>,
      tpu.vector_store_idx %arg10[%select_n3A_67, %select_n3A_183, %broadcast_in_dim3A], %get3A_387 : memref<8x8x129xf32, #tpu.memory_space<vmem>>[vector<16xi32>, vector<16xi32>, vector<16xi32>], vector<16xf32>,
      %get3A_388 = arith.index_cast %add3A_382 : i32 to index
      %get3A_389 = arith.constant 32 : index
      %get3A_390 = tpu.vector_load %arg8[%get3A_388, %get3A_389] {strides = array<i32>} : memref<128x64xf32, #tpu.memory_space<vmem>>, vector<16xf32>,
      tpu.vector_store_idx %arg10[%select_n3A_101, %select_n3A_208, %broadcast_in_dim3A], %get3A_390 : memref<8x8x129xf32, #tpu.memory_space<vmem>>[vector<16xi32>, vector<16xi32>, vector<16xi32>], vector<16xf32>,
      %get3A_391 = arith.index_cast %add3A_382 : i32 to index
      %get3A_392 = arith.constant 48 : index
      %get3A_393 = tpu.vector_load %arg8[%get3A_391, %get3A_392] {strides = array<i32>} : memref<128x64xf32, #tpu.memory_space<vmem>>, vector<16xf32>,
      tpu.vector_store_idx %arg10[%select_n3A_135, %select_n3A_233, %broadcast_in_dim3A], %get3A_393 : memref<8x8x129xf32, #tpu.memory_space<vmem>>[vector<16xi32>, vector<16xi32>, vector<16xi32>], vector<16xf32>,
      %mul3A_394 = arith.constant 8 : i32
      %mul3A_395 = arith.muli %scan3A_378, %mul3A_394 : i32
      %add3A_396 = arith.constant 1 : i32
      %add3A_397 = arith.addi %mul3A_395, %add3A_396 : i32
      %broadcast_in_dim3A_398 = vector.broadcast %add3A_397 : i32 to vector<16xi32>
      %get3A_399 = arith.index_cast %add3A_397 : i32 to index
      %get3A_400 = arith.constant 0 : index
      %get3A_401 = tpu.vector_load %arg8[%get3A_399, %get3A_400] {strides = array<i32>} : memref<128x64xf32, #tpu.memory_space<vmem>>, vector<16xf32>,
      tpu.vector_store_idx %arg10[%select_n3A, %select_n3A_158, %broadcast_in_dim3A_398], %get3A_401 : memref<8x8x129xf32, #tpu.memory_space<vmem>>[vector<16xi32>, vector<16xi32>, vector<16xi32>], vector<16xf32>,
      %get3A_402 = arith.index_cast %add3A_397 : i32 to index
      %get3A_403 = arith.constant 16 : index
      %get3A_404 = tpu.vector_load %arg8[%get3A_402, %get3A_403] {strides = array<i32>} : memref<128x64xf32, #tpu.memory_space<vmem>>, vector<16xf32>,
      tpu.vector_store_idx %arg10[%select_n3A_67, %select_n3A_183, %broadcast_in_dim3A_398], %get3A_404 : memref<8x8x129xf32, #tpu.memory_space<vmem>>[vector<16xi32>, vector<16xi32>, vector<16xi32>], vector<16xf32>,
      %get3A_405 = arith.index_cast %add3A_397 : i32 to index
      %get3A_406 = arith.constant 32 : index
      %get3A_407 = tpu.vector_load %arg8[%get3A_405, %get3A_406] {strides = array<i32>} : memref<128x64xf32, #tpu.memory_space<vmem>>, vector<16xf32>,
      tpu.vector_store_idx %arg10[%select_n3A_101, %select_n3A_208, %broadcast_in_dim3A_398], %get3A_407 : memref<8x8x129xf32, #tpu.memory_space<vmem>>[vector<16xi32>, vector<16xi32>, vector<16xi32>], vector<16xf32>,
      %get3A_408 = arith.index_cast %add3A_397 : i32 to index
      %get3A_409 = arith.constant 48 : index
      %get3A_410 = tpu.vector_load %arg8[%get3A_408, %get3A_409] {strides = array<i32>} : memref<128x64xf32, #tpu.memory_space<vmem>>, vector<16xf32>,
      tpu.vector_store_idx %arg10[%select_n3A_135, %select_n3A_233, %broadcast_in_dim3A_398], %get3A_410 : memref<8x8x129xf32, #tpu.memory_space<vmem>>[vector<16xi32>, vector<16xi32>, vector<16xi32>], vector<16xf32>,
      %mul3A_411 = arith.constant 8 : i32
      %mul3A_412 = arith.muli %scan3A_378, %mul3A_411 : i32
      %add3A_413 = arith.constant 2 : i32
      %add3A_414 = arith.addi %mul3A_412, %add3A_413 : i32
      %broadcast_in_dim3A_415 = vector.broadcast %add3A_414 : i32 to vector<16xi32>
      %get3A_416 = arith.index_cast %add3A_414 : i32 to index
      %get3A_417 = arith.constant 0 : index
      %get3A_418 = tpu.vector_load %arg8[%get3A_416, %get3A_417] {strides = array<i32>} : memref<128x64xf32, #tpu.memory_space<vmem>>, vector<16xf32>,
      tpu.vector_store_idx %arg10[%select_n3A, %select_n3A_158, %broadcast_in_dim3A_415], %get3A_418 : memref<8x8x129xf32, #tpu.memory_space<vmem>>[vector<16xi32>, vector<16xi32>, vector<16xi32>], vector<16xf32>,
      %get3A_419 = arith.index_cast %add3A_414 : i32 to index
      %get3A_420 = arith.constant 16 : index
      %get3A_421 = tpu.vector_load %arg8[%get3A_419, %get3A_420] {strides = array<i32>} : memref<128x64xf32, #tpu.memory_space<vmem>>, vector<16xf32>,
      tpu.vector_store_idx %arg10[%select_n3A_67, %select_n3A_183, %broadcast_in_dim3A_415], %get3A_421 : memref<8x8x129xf32, #tpu.memory_space<vmem>>[vector<16xi32>, vector<16xi32>, vector<16xi32>], vector<16xf32>,
      %get3A_422 = arith.index_cast %add3A_414 : i32 to index
      %get3A_423 = arith.constant 32 : index
      %get3A_424 = tpu.vector_load %arg8[%get3A_422, %get3A_423] {strides = array<i32>} : memref<128x64xf32, #tpu.memory_space<vmem>>, vector<16xf32>,
      tpu.vector_store_idx %arg10[%select_n3A_101, %select_n3A_208, %broadcast_in_dim3A_415], %get3A_424 : memref<8x8x129xf32, #tpu.memory_space<vmem>>[vector<16xi32>, vector<16xi32>, vector<16xi32>], vector<16xf32>,
      %get3A_425 = arith.index_cast %add3A_414 : i32 to index
      %get3A_426 = arith.constant 48 : index
      %get3A_427 = tpu.vector_load %arg8[%get3A_425, %get3A_426] {strides = array<i32>} : memref<128x64xf32, #tpu.memory_space<vmem>>, vector<16xf32>,
      tpu.vector_store_idx %arg10[%select_n3A_135, %select_n3A_233, %broadcast_in_dim3A_415], %get3A_427 : memref<8x8x129xf32, #tpu.memory_space<vmem>>[vector<16xi32>, vector<16xi32>, vector<16xi32>], vector<16xf32>,
      %mul3A_428 = arith.constant 8 : i32
      %mul3A_429 = arith.muli %scan3A_378, %mul3A_428 : i32
      %add3A_430 = arith.constant 3 : i32
      %add3A_431 = arith.addi %mul3A_429, %add3A_430 : i32
      %broadcast_in_dim3A_432 = vector.broadcast %add3A_431 : i32 to vector<16xi32>
      %get3A_433 = arith.index_cast %add3A_431 : i32 to index
      %get3A_434 = arith.constant 0 : index
      %get3A_435 = tpu.vector_load %arg8[%get3A_433, %get3A_434] {strides = array<i32>} : memref<128x64xf32, #tpu.memory_space<vmem>>, vector<16xf32>,
      tpu.vector_store_idx %arg10[%select_n3A, %select_n3A_158, %broadcast_in_dim3A_432], %get3A_435 : memref<8x8x129xf32, #tpu.memory_space<vmem>>[vector<16xi32>, vector<16xi32>, vector<16xi32>], vector<16xf32>,
      %get3A_436 = arith.index_cast %add3A_431 : i32 to index
      %get3A_437 = arith.constant 16 : index
      %get3A_438 = tpu.vector_load %arg8[%get3A_436, %get3A_437] {strides = array<i32>} : memref<128x64xf32, #tpu.memory_space<vmem>>, vector<16xf32>,
      tpu.vector_store_idx %arg10[%select_n3A_67, %select_n3A_183, %broadcast_in_dim3A_432], %get3A_438 : memref<8x8x129xf32, #tpu.memory_space<vmem>>[vector<16xi32>, vector<16xi32>, vector<16xi32>], vector<16xf32>,
      %get3A_439 = arith.index_cast %add3A_431 : i32 to index
      %get3A_440 = arith.constant 32 : index
      %get3A_441 = tpu.vector_load %arg8[%get3A_439, %get3A_440] {strides = array<i32>} : memref<128x64xf32, #tpu.memory_space<vmem>>, vector<16xf32>,
      tpu.vector_store_idx %arg10[%select_n3A_101, %select_n3A_208, %broadcast_in_dim3A_432], %get3A_441 : memref<8x8x129xf32, #tpu.memory_space<vmem>>[vector<16xi32>, vector<16xi32>, vector<16xi32>], vector<16xf32>,
      %get3A_442 = arith.index_cast %add3A_431 : i32 to index
      %get3A_443 = arith.constant 48 : index
      %get3A_444 = tpu.vector_load %arg8[%get3A_442, %get3A_443] {strides = array<i32>} : memref<128x64xf32, #tpu.memory_space<vmem>>, vector<16xf32>,
      tpu.vector_store_idx %arg10[%select_n3A_135, %select_n3A_233, %broadcast_in_dim3A_432], %get3A_444 : memref<8x8x129xf32, #tpu.memory_space<vmem>>[vector<16xi32>, vector<16xi32>, vector<16xi32>], vector<16xf32>,
      %mul3A_445 = arith.constant 8 : i32
      %mul3A_446 = arith.muli %scan3A_378, %mul3A_445 : i32
      %add3A_447 = arith.constant 4 : i32
      %add3A_448 = arith.addi %mul3A_446, %add3A_447 : i32
      %broadcast_in_dim3A_449 = vector.broadcast %add3A_448 : i32 to vector<16xi32>
      %get3A_450 = arith.index_cast %add3A_448 : i32 to index
      %get3A_451 = arith.constant 0 : index
      %get3A_452 = tpu.vector_load %arg8[%get3A_450, %get3A_451] {strides = array<i32>} : memref<128x64xf32, #tpu.memory_space<vmem>>, vector<16xf32>,
      tpu.vector_store_idx %arg10[%select_n3A, %select_n3A_158, %broadcast_in_dim3A_449], %get3A_452 : memref<8x8x129xf32, #tpu.memory_space<vmem>>[vector<16xi32>, vector<16xi32>, vector<16xi32>], vector<16xf32>,
      %get3A_453 = arith.index_cast %add3A_448 : i32 to index
      %get3A_454 = arith.constant 16 : index
      %get3A_455 = tpu.vector_load %arg8[%get3A_453, %get3A_454] {strides = array<i32>} : memref<128x64xf32, #tpu.memory_space<vmem>>, vector<16xf32>,
      tpu.vector_store_idx %arg10[%select_n3A_67, %select_n3A_183, %broadcast_in_dim3A_449], %get3A_455 : memref<8x8x129xf32, #tpu.memory_space<vmem>>[vector<16xi32>, vector<16xi32>, vector<16xi32>], vector<16xf32>,
      %get3A_456 = arith.index_cast %add3A_448 : i32 to index
      %get3A_457 = arith.constant 32 : index
      %get3A_458 = tpu.vector_load %arg8[%get3A_456, %get3A_457] {strides = array<i32>} : memref<128x64xf32, #tpu.memory_space<vmem>>, vector<16xf32>,
      tpu.vector_store_idx %arg10[%select_n3A_101, %select_n3A_208, %broadcast_in_dim3A_449], %get3A_458 : memref<8x8x129xf32, #tpu.memory_space<vmem>>[vector<16xi32>, vector<16xi32>, vector<16xi32>], vector<16xf32>,
      %get3A_459 = arith.index_cast %add3A_448 : i32 to index
      %get3A_460 = arith.constant 48 : index
      %get3A_461 = tpu.vector_load %arg8[%get3A_459, %get3A_460] {strides = array<i32>} : memref<128x64xf32, #tpu.memory_space<vmem>>, vector<16xf32>,
      tpu.vector_store_idx %arg10[%select_n3A_135, %select_n3A_233, %broadcast_in_dim3A_449], %get3A_461 : memref<8x8x129xf32, #tpu.memory_space<vmem>>[vector<16xi32>, vector<16xi32>, vector<16xi32>], vector<16xf32>,
      %mul3A_462 = arith.constant 8 : i32
      %mul3A_463 = arith.muli %scan3A_378, %mul3A_462 : i32
      %add3A_464 = arith.constant 5 : i32
      %add3A_465 = arith.addi %mul3A_463, %add3A_464 : i32
      %broadcast_in_dim3A_466 = vector.broadcast %add3A_465 : i32 to vector<16xi32>
      %get3A_467 = arith.index_cast %add3A_465 : i32 to index
      %get3A_468 = arith.constant 0 : index
      %get3A_469 = tpu.vector_load %arg8[%get3A_467, %get3A_468] {strides = array<i32>} : memref<128x64xf32, #tpu.memory_space<vmem>>, vector<16xf32>,
      tpu.vector_store_idx %arg10[%select_n3A, %select_n3A_158, %broadcast_in_dim3A_466], %get3A_469 : memref<8x8x129xf32, #tpu.memory_space<vmem>>[vector<16xi32>, vector<16xi32>, vector<16xi32>], vector<16xf32>,
      %get3A_470 = arith.index_cast %add3A_465 : i32 to index
      %get3A_471 = arith.constant 16 : index
      %get3A_472 = tpu.vector_load %arg8[%get3A_470, %get3A_471] {strides = array<i32>} : memref<128x64xf32, #tpu.memory_space<vmem>>, vector<16xf32>,
      tpu.vector_store_idx %arg10[%select_n3A_67, %select_n3A_183, %broadcast_in_dim3A_466], %get3A_472 : memref<8x8x129xf32, #tpu.memory_space<vmem>>[vector<16xi32>, vector<16xi32>, vector<16xi32>], vector<16xf32>,
      %get3A_473 = arith.index_cast %add3A_465 : i32 to index
      %get3A_474 = arith.constant 32 : index
      %get3A_475 = tpu.vector_load %arg8[%get3A_473, %get3A_474] {strides = array<i32>} : memref<128x64xf32, #tpu.memory_space<vmem>>, vector<16xf32>,
      tpu.vector_store_idx %arg10[%select_n3A_101, %select_n3A_208, %broadcast_in_dim3A_466], %get3A_475 : memref<8x8x129xf32, #tpu.memory_space<vmem>>[vector<16xi32>, vector<16xi32>, vector<16xi32>], vector<16xf32>,
      %get3A_476 = arith.index_cast %add3A_465 : i32 to index
      %get3A_477 = arith.constant 48 : index
      %get3A_478 = tpu.vector_load %arg8[%get3A_476, %get3A_477] {strides = array<i32>} : memref<128x64xf32, #tpu.memory_space<vmem>>, vector<16xf32>,
      tpu.vector_store_idx %arg10[%select_n3A_135, %select_n3A_233, %broadcast_in_dim3A_466], %get3A_478 : memref<8x8x129xf32, #tpu.memory_space<vmem>>[vector<16xi32>, vector<16xi32>, vector<16xi32>], vector<16xf32>,
      %mul3A_479 = arith.constant 8 : i32
      %mul3A_480 = arith.muli %scan3A_378, %mul3A_479 : i32
      %add3A_481 = arith.constant 6 : i32
      %add3A_482 = arith.addi %mul3A_480, %add3A_481 : i32
      %broadcast_in_dim3A_483 = vector.broadcast %add3A_482 : i32 to vector<16xi32>
      %get3A_484 = arith.index_cast %add3A_482 : i32 to index
      %get3A_485 = arith.constant 0 : index
      %get3A_486 = tpu.vector_load %arg8[%get3A_484, %get3A_485] {strides = array<i32>} : memref<128x64xf32, #tpu.memory_space<vmem>>, vector<16xf32>,
      tpu.vector_store_idx %arg10[%select_n3A, %select_n3A_158, %broadcast_in_dim3A_483], %get3A_486 : memref<8x8x129xf32, #tpu.memory_space<vmem>>[vector<16xi32>, vector<16xi32>, vector<16xi32>], vector<16xf32>,
      %get3A_487 = arith.index_cast %add3A_482 : i32 to index
      %get3A_488 = arith.constant 16 : index
      %get3A_489 = tpu.vector_load %arg8[%get3A_487, %get3A_488] {strides = array<i32>} : memref<128x64xf32, #tpu.memory_space<vmem>>, vector<16xf32>,
      tpu.vector_store_idx %arg10[%select_n3A_67, %select_n3A_183, %broadcast_in_dim3A_483], %get3A_489 : memref<8x8x129xf32, #tpu.memory_space<vmem>>[vector<16xi32>, vector<16xi32>, vector<16xi32>], vector<16xf32>,
      %get3A_490 = arith.index_cast %add3A_482 : i32 to index
      %get3A_491 = arith.constant 32 : index
      %get3A_492 = tpu.vector_load %arg8[%get3A_490, %get3A_491] {strides = array<i32>} : memref<128x64xf32, #tpu.memory_space<vmem>>, vector<16xf32>,
      tpu.vector_store_idx %arg10[%select_n3A_101, %select_n3A_208, %broadcast_in_dim3A_483], %get3A_492 : memref<8x8x129xf32, #tpu.memory_space<vmem>>[vector<16xi32>, vector<16xi32>, vector<16xi32>], vector<16xf32>,
      %get3A_493 = arith.index_cast %add3A_482 : i32 to index
      %get3A_494 = arith.constant 48 : index
      %get3A_495 = tpu.vector_load %arg8[%get3A_493, %get3A_494] {strides = array<i32>} : memref<128x64xf32, #tpu.memory_space<vmem>>, vector<16xf32>,
      tpu.vector_store_idx %arg10[%select_n3A_135, %select_n3A_233, %broadcast_in_dim3A_483], %get3A_495 : memref<8x8x129xf32, #tpu.memory_space<vmem>>[vector<16xi32>, vector<16xi32>, vector<16xi32>], vector<16xf32>,
      %mul3A_496 = arith.constant 8 : i32
      %mul3A_497 = arith.muli %scan3A_378, %mul3A_496 : i32
      %add3A_498 = arith.constant 7 : i32
      %add3A_499 = arith.addi %mul3A_497, %add3A_498 : i32
      %broadcast_in_dim3A_500 = vector.broadcast %add3A_499 : i32 to vector<16xi32>
      %get3A_501 = arith.index_cast %add3A_499 : i32 to index
      %get3A_502 = arith.constant 0 : index
      %get3A_503 = tpu.vector_load %arg8[%get3A_501, %get3A_502] {strides = array<i32>} : memref<128x64xf32, #tpu.memory_space<vmem>>, vector<16xf32>,
      tpu.vector_store_idx %arg10[%select_n3A, %select_n3A_158, %broadcast_in_dim3A_500], %get3A_503 : memref<8x8x129xf32, #tpu.memory_space<vmem>>[vector<16xi32>, vector<16xi32>, vector<16xi32>], vector<16xf32>,
      %get3A_504 = arith.index_cast %add3A_499 : i32 to index
      %get3A_505 = arith.constant 16 : index
      %get3A_506 = tpu.vector_load %arg8[%get3A_504, %get3A_505] {strides = array<i32>} : memref<128x64xf32, #tpu.memory_space<vmem>>, vector<16xf32>,
      tpu.vector_store_idx %arg10[%select_n3A_67, %select_n3A_183, %broadcast_in_dim3A_500], %get3A_506 : memref<8x8x129xf32, #tpu.memory_space<vmem>>[vector<16xi32>, vector<16xi32>, vector<16xi32>], vector<16xf32>,
      %get3A_507 = arith.index_cast %add3A_499 : i32 to index
      %get3A_508 = arith.constant 32 : index
      %get3A_509 = tpu.vector_load %arg8[%get3A_507, %get3A_508] {strides = array<i32>} : memref<128x64xf32, #tpu.memory_space<vmem>>, vector<16xf32>,
      tpu.vector_store_idx %arg10[%select_n3A_101, %select_n3A_208, %broadcast_in_dim3A_500], %get3A_509 : memref<8x8x129xf32, #tpu.memory_space<vmem>>[vector<16xi32>, vector<16xi32>, vector<16xi32>], vector<16xf32>,
      %get3A_510 = arith.index_cast %add3A_499 : i32 to index
      %get3A_511 = arith.constant 48 : index
      %get3A_512 = tpu.vector_load %arg8[%get3A_510, %get3A_511] {strides = array<i32>} : memref<128x64xf32, #tpu.memory_space<vmem>>, vector<16xf32>,
      tpu.vector_store_idx %arg10[%select_n3A_135, %select_n3A_233, %broadcast_in_dim3A_500], %get3A_512 : memref<8x8x129xf32, #tpu.memory_space<vmem>>[vector<16xi32>, vector<16xi32>, vector<16xi32>], vector<16xf32>,
    }
    %scan3A_301 = arith.constant 16 : i32
    %mul3A_302 = arith.constant 4 : i32
    %mul3A_303 = arith.muli %add3A, %mul3A_302 : i32
    %add3A_304 = arith.constant 1 : i32
    %add3A_305 = arith.addi %mul3A_303, %add3A_304 : i32
    %dma_start3A_306 = arith.constant 0 : i32
    %dma_start3A_307 = arith.constant 0 : i32
    %dma_start3A_308 = arith.constant 0 : i32
    %dma_start3A_309 = arith.constant 0 : i32
    %dma_start3A_310 = tpu.memref_slice %arg10[%dma_start3A_307, %dma_start3A_308, %dma_start3A_309] : memref<8x8x129xf32, #tpu.memory_space<vmem>> -> memref<8x8x128xf32, #tpu.memory_space<vmem>>
    %dma_start3A_311 = arith.constant 0 : i32
    %dma_start3A_312 = arith.constant 0 : i32
    %dma_start3A_313 = arith.constant 0 : i32
    %dma_start3A_314 = tpu.memref_slice %arg4[%dma_start3A_306, %dma_start3A_311, %add3A_305, %dma_start3A_312, %dma_start3A_313] : memref<50x8x128x8x128xf32, #tpu.memory_space<hbm>> -> memref<1x8x1x8x128xf32, #tpu.memory_space<hbm>>
    %dma_start3A_315 = tpu.memref_squeeze %dma_start3A_314 : memref<1x8x1x8x128xf32, #tpu.memory_space<hbm>> -> memref<8x8x128xf32, #tpu.memory_space<hbm>>
    %dma_start3A_316 = arith.constant 0 : i32
    %dma_start3A_317 = arith.constant 0 : i32
    %dma_start3A_318 = arith.constant 0 : i32
    %dma_start3A_319 = tpu.memref_slice %arg4[%dma_start3A_306, %dma_start3A_316, %add3A_305, %dma_start3A_317, %dma_start3A_318] : memref<50x8x128x8x128xf32, #tpu.memory_space<hbm>> -> memref<1x8x1x8x128xf32, #tpu.memory_space<hbm>>
    %dma_start3A_320 = tpu.memref_squeeze %dma_start3A_319 : memref<1x8x1x8x128xf32, #tpu.memory_space<hbm>> -> memref<8x8x128xf32, #tpu.memory_space<hbm>>
    %dma_start3A_321 = arith.constant 0 : i32
    %dma_start3A_322 = arith.constant 0 : i32
    %dma_start3A_323 = arith.constant 0 : i32
    %dma_start3A_324 = tpu.memref_slice %arg10[%dma_start3A_321, %dma_start3A_322, %dma_start3A_323] : memref<8x8x129xf32, #tpu.memory_space<vmem>> -> memref<8x8x128xf32, #tpu.memory_space<vmem>>
    tpu.enqueue_dma source(%dma_start3A_324 : memref<8x8x128xf32, #tpu.memory_space<vmem>>) target(%dma_start3A_320 : memref<8x8x128xf32, #tpu.memory_space<hbm>>) target_semaphore(%arg14 : memref<!tpu.dma_semaphore, #tpu.memory_space<semaphore_mem>>)
    %scan3A_325 = arith.constant 0 : i32
    %scan3A_326 = arith.constant 1 : i32
    %scan3A_327 = arith.constant 99 : i32
    %scan3A_328 = arith.addi %scan3A_326, %scan3A_327 : i32
    %scan3A_329 = arith.constant 1 : i32
    scf.for %scan3A_378 = %scan3A_326 to %scan3A_328 step %scan3A_329  : i32 {
      %mul3A_379 = arith.constant 2 : i32
      %mul3A_380 = arith.muli %mul3A_379, %scan3A_378 : i32
      %dma_wait3A_381 = arith.constant 0 : i32
      %dma_wait3A_382 = arith.constant 0 : i32
      %dma_wait3A_383 = tpu.memref_slice %arg6[%dma_wait3A_381, %dma_wait3A_382] : memref<64x513xi32, #tpu.memory_space<vmem>> -> memref<1x128xi32, #tpu.memory_space<vmem>>
      %dma_wait3A_384 = tpu.memref_squeeze %dma_wait3A_383 : memref<1x128xi32, #tpu.memory_space<vmem>> -> memref<128xi32, #tpu.memory_space<vmem>>
      %dma_wait3A_385 = arith.constant 0 : i32
      %dma_wait3A_386 = arith.constant 0 : i32
      %dma_wait3A_387 = tpu.memref_slice %arg3[%dma_wait3A_385, %dma_wait3A_386] : memref<1000000x64xf32, #tpu.memory_space<hbm>> -> memref<1000000x64xf32, #tpu.memory_space<hbm>>
      tpu.wait_indirect_dma semaphore(%arg11 : memref<!tpu.dma_semaphore, #tpu.memory_space<semaphore_mem>>) src(%dma_wait3A_387 : memref<1000000x64xf32, #tpu.memory_space<hbm>>) dst(%arg7 : memref<128x64xf32, #tpu.memory_space<vmem>>)
      %add3A_388 = arith.constant 1 : i32
      %add3A_389 = arith.addi %mul3A_380, %add3A_388 : i32
      %jit3A_390 = arith.constant 4 : i32
      %div3A_391 = arith.divsi %add3A_389, %jit3A_390 : i32
      %sign3A_392 = arith.constant 0 : i32
      %sign3A_393 = arith.cmpi sgt, %add3A_389, %sign3A_392 : i32
      %sign3A_394 = arith.extui %sign3A_393 : i1 to i32
      %sign3A_395 = arith.constant 0 : i32
      %sign3A_396 = arith.cmpi slt, %add3A_389, %sign3A_395 : i32
      %sign3A_397 = arith.extui %sign3A_396 : i1 to i32
      %sign3A_398 = arith.subi %sign3A_394, %sign3A_397 : i32
      %sign3A_399 = arith.constant 0 : i32
      %sign3A_400 = arith.cmpi sgt, %jit3A_390, %sign3A_399 : i32
      %sign3A_401 = arith.extui %sign3A_400 : i1 to i32
      %sign3A_402 = arith.constant 0 : i32
      %sign3A_403 = arith.cmpi slt, %jit3A_390, %sign3A_402 : i32
      %sign3A_404 = arith.extui %sign3A_403 : i1 to i32
      %sign3A_405 = arith.subi %sign3A_401, %sign3A_404 : i32
      %ne3A_406 = arith.cmpi ne, %sign3A_398, %sign3A_405 : i32
      %rem3A_407 = arith.remsi %add3A_389, %jit3A_390 : i32
      %ne3A_408 = arith.constant 0 : i32
      %ne3A_409 = arith.cmpi ne, %rem3A_407, %ne3A_408 : i32
      %and3A_410 = arith.andi %ne3A_406, %ne3A_409 : i1
      %sub3A_411 = arith.constant 1 : i32
      %sub3A_412 = arith.subi %div3A_391, %sub3A_411 : i32
      %select_n3A_413 = arith.select %and3A_410, %sub3A_412, %div3A_391 : i32
      %jit3A_414 = arith.constant 4 : i32
      %eq3A_415 = arith.constant 0 : i32
      %eq3A_416 = arith.cmpi eq, %jit3A_414, %eq3A_415 : i32
      %jit3A_417 = arith.constant 1 : i32
      %select_n3A_418 = arith.select %eq3A_416, %jit3A_417, %jit3A_414 : i32
      %rem3A_419 = arith.remsi %add3A_389, %select_n3A_418 : i32
      %ne3A_420 = arith.constant 0 : i32
      %ne3A_421 = arith.cmpi ne, %rem3A_419, %ne3A_420 : i32
      %lt3A_422 = arith.constant 0 : i32
      %lt3A_423 = arith.cmpi slt, %rem3A_419, %lt3A_422 : i32
      %lt3A_424 = arith.constant 0 : i32
      %lt3A_425 = arith.cmpi slt, %select_n3A_418, %lt3A_424 : i32
      %ne3A_426 = arith.xori %lt3A_423, %lt3A_425 : i1
      %and3A_427 = arith.andi %ne3A_426, %ne3A_421 : i1
      %add3A_428 = arith.addi %rem3A_419, %select_n3A_418 : i32
      %select_n3A_429 = arith.select %and3A_427, %add3A_428, %rem3A_419 : i32
      %mul3A_430 = arith.constant 128 : i32
      %mul3A_431 = arith.muli %select_n3A_429, %mul3A_430 : i32
      %dma_start3A_432 = tpu.memref_slice %arg6[%select_n3A_413, %mul3A_431] : memref<64x513xi32, #tpu.memory_space<vmem>> -> memref<1x128xi32, #tpu.memory_space<vmem>>
      %dma_start3A_433 = tpu.memref_squeeze %dma_start3A_432 : memref<1x128xi32, #tpu.memory_space<vmem>> -> memref<128xi32, #tpu.memory_space<vmem>>
      %dma_start3A_434 = arith.constant 0 : i32
      %dma_start3A_435 = arith.constant 0 : i32
      %dma_start3A_436 = tpu.memref_slice %arg3[%dma_start3A_434, %dma_start3A_435] : memref<1000000x64xf32, #tpu.memory_space<hbm>> -> memref<1000000x64xf32, #tpu.memory_space<hbm>>
      tpu.enqueue_indirect_dma source(%dma_start3A_436 : memref<1000000x64xf32, #tpu.memory_space<hbm>>) target(%arg8 : memref<128x64xf32, #tpu.memory_space<vmem>>) offsets(%dma_start3A_433 : memref<128xi32, #tpu.memory_space<vmem>>) semaphore(%arg12 : memref<!tpu.dma_semaphore, #tpu.memory_space<semaphore_mem>>)
      %scan3A_437 = arith.constant 0 : i32
      %scan3A_438 = arith.constant 0 : i32
      %scan3A_439 = arith.constant 16 : i32
      %scan3A_440 = arith.addi %scan3A_438, %scan3A_439 : i32
      %scan3A_441 = arith.constant 1 : i32
      scf.for %scan3A_670 = %scan3A_438 to %scan3A_440 step %scan3A_441  : i32 {
        %mul3A_671 = arith.constant 8 : i32
        %mul3A_672 = arith.muli %scan3A_670, %mul3A_671 : i32
        %add3A_673 = arith.constant 0 : i32
        %add3A_674 = arith.addi %mul3A_672, %add3A_673 : i32
        %broadcast_in_dim3A = vector.broadcast %add3A_674 : i32 to vector<16xi32>
        %get3A = arith.index_cast %add3A_674 : i32 to index
        %get3A_675 = arith.constant 0 : index
        %get3A_676 = tpu.vector_load %arg7[%get3A, %get3A_675] {strides = array<i32>} : memref<128x64xf32, #tpu.memory_space<vmem>>, vector<16xf32>,
        tpu.vector_store_idx %arg9[%select_n3A, %select_n3A_158, %broadcast_in_dim3A], %get3A_676 : memref<8x8x129xf32, #tpu.memory_space<vmem>>[vector<16xi32>, vector<16xi32>, vector<16xi32>], vector<16xf32>,
        %get3A_677 = arith.index_cast %add3A_674 : i32 to index
        %get3A_678 = arith.constant 16 : index
        %get3A_679 = tpu.vector_load %arg7[%get3A_677, %get3A_678] {strides = array<i32>} : memref<128x64xf32, #tpu.memory_space<vmem>>, vector<16xf32>,
        tpu.vector_store_idx %arg9[%select_n3A_67, %select_n3A_183, %broadcast_in_dim3A], %get3A_679 : memref<8x8x129xf32, #tpu.memory_space<vmem>>[vector<16xi32>, vector<16xi32>, vector<16xi32>], vector<16xf32>,
        %get3A_680 = arith.index_cast %add3A_674 : i32 to index
        %get3A_681 = arith.constant 32 : index
        %get3A_682 = tpu.vector_load %arg7[%get3A_680, %get3A_681] {strides = array<i32>} : memref<128x64xf32, #tpu.memory_space<vmem>>, vector<16xf32>,
        tpu.vector_store_idx %arg9[%select_n3A_101, %select_n3A_208, %broadcast_in_dim3A], %get3A_682 : memref<8x8x129xf32, #tpu.memory_space<vmem>>[vector<16xi32>, vector<16xi32>, vector<16xi32>], vector<16xf32>,
        %get3A_683 = arith.index_cast %add3A_674 : i32 to index
        %get3A_684 = arith.constant 48 : index
        %get3A_685 = tpu.vector_load %arg7[%get3A_683, %get3A_684] {strides = array<i32>} : memref<128x64xf32, #tpu.memory_space<vmem>>, vector<16xf32>,
        tpu.vector_store_idx %arg9[%select_n3A_135, %select_n3A_233, %broadcast_in_dim3A], %get3A_685 : memref<8x8x129xf32, #tpu.memory_space<vmem>>[vector<16xi32>, vector<16xi32>, vector<16xi32>], vector<16xf32>,
        %mul3A_686 = arith.constant 8 : i32
        %mul3A_687 = arith.muli %scan3A_670, %mul3A_686 : i32
        %add3A_688 = arith.constant 1 : i32
        %add3A_689 = arith.addi %mul3A_687, %add3A_688 : i32
        %broadcast_in_dim3A_690 = vector.broadcast %add3A_689 : i32 to vector<16xi32>
        %get3A_691 = arith.index_cast %add3A_689 : i32 to index
        %get3A_692 = arith.constant 0 : index
        %get3A_693 = tpu.vector_load %arg7[%get3A_691, %get3A_692] {strides = array<i32>} : memref<128x64xf32, #tpu.memory_space<vmem>>, vector<16xf32>,
        tpu.vector_store_idx %arg9[%select_n3A, %select_n3A_158, %broadcast_in_dim3A_690], %get3A_693 : memref<8x8x129xf32, #tpu.memory_space<vmem>>[vector<16xi32>, vector<16xi32>, vector<16xi32>], vector<16xf32>,
        %get3A_694 = arith.index_cast %add3A_689 : i32 to index
        %get3A_695 = arith.constant 16 : index
        %get3A_696 = tpu.vector_load %arg7[%get3A_694, %get3A_695] {strides = array<i32>} : memref<128x64xf32, #tpu.memory_space<vmem>>, vector<16xf32>,
        tpu.vector_store_idx %arg9[%select_n3A_67, %select_n3A_183, %broadcast_in_dim3A_690], %get3A_696 : memref<8x8x129xf32, #tpu.memory_space<vmem>>[vector<16xi32>, vector<16xi32>, vector<16xi32>], vector<16xf32>,
        %get3A_697 = arith.index_cast %add3A_689 : i32 to index
        %get3A_698 = arith.constant 32 : index
        %get3A_699 = tpu.vector_load %arg7[%get3A_697, %get3A_698] {strides = array<i32>} : memref<128x64xf32, #tpu.memory_space<vmem>>, vector<16xf32>,
        tpu.vector_store_idx %arg9[%select_n3A_101, %select_n3A_208, %broadcast_in_dim3A_690], %get3A_699 : memref<8x8x129xf32, #tpu.memory_space<vmem>>[vector<16xi32>, vector<16xi32>, vector<16xi32>], vector<16xf32>,
        %get3A_700 = arith.index_cast %add3A_689 : i32 to index
        %get3A_701 = arith.constant 48 : index
        %get3A_702 = tpu.vector_load %arg7[%get3A_700, %get3A_701] {strides = array<i32>} : memref<128x64xf32, #tpu.memory_space<vmem>>, vector<16xf32>,
        tpu.vector_store_idx %arg9[%select_n3A_135, %select_n3A_233, %broadcast_in_dim3A_690], %get3A_702 : memref<8x8x129xf32, #tpu.memory_space<vmem>>[vector<16xi32>, vector<16xi32>, vector<16xi32>], vector<16xf32>,
        %mul3A_703 = arith.constant 8 : i32
        %mul3A_704 = arith.muli %scan3A_670, %mul3A_703 : i32
        %add3A_705 = arith.constant 2 : i32
        %add3A_706 = arith.addi %mul3A_704, %add3A_705 : i32
        %broadcast_in_dim3A_707 = vector.broadcast %add3A_706 : i32 to vector<16xi32>
        %get3A_708 = arith.index_cast %add3A_706 : i32 to index
        %get3A_709 = arith.constant 0 : index
        %get3A_710 = tpu.vector_load %arg7[%get3A_708, %get3A_709] {strides = array<i32>} : memref<128x64xf32, #tpu.memory_space<vmem>>, vector<16xf32>,
        tpu.vector_store_idx %arg9[%select_n3A, %select_n3A_158, %broadcast_in_dim3A_707], %get3A_710 : memref<8x8x129xf32, #tpu.memory_space<vmem>>[vector<16xi32>, vector<16xi32>, vector<16xi32>], vector<16xf32>,
        %get3A_711 = arith.index_cast %add3A_706 : i32 to index
        %get3A_712 = arith.constant 16 : index
        %get3A_713 = tpu.vector_load %arg7[%get3A_711, %get3A_712] {strides = array<i32>} : memref<128x64xf32, #tpu.memory_space<vmem>>, vector<16xf32>,
        tpu.vector_store_idx %arg9[%select_n3A_67, %select_n3A_183, %broadcast_in_dim3A_707], %get3A_713 : memref<8x8x129xf32, #tpu.memory_space<vmem>>[vector<16xi32>, vector<16xi32>, vector<16xi32>], vector<16xf32>,
        %get3A_714 = arith.index_cast %add3A_706 : i32 to index
        %get3A_715 = arith.constant 32 : index
        %get3A_716 = tpu.vector_load %arg7[%get3A_714, %get3A_715] {strides = array<i32>} : memref<128x64xf32, #tpu.memory_space<vmem>>, vector<16xf32>,
        tpu.vector_store_idx %arg9[%select_n3A_101, %select_n3A_208, %broadcast_in_dim3A_707], %get3A_716 : memref<8x8x129xf32, #tpu.memory_space<vmem>>[vector<16xi32>, vector<16xi32>, vector<16xi32>], vector<16xf32>,
        %get3A_717 = arith.index_cast %add3A_706 : i32 to index
        %get3A_718 = arith.constant 48 : index
        %get3A_719 = tpu.vector_load %arg7[%get3A_717, %get3A_718] {strides = array<i32>} : memref<128x64xf32, #tpu.memory_space<vmem>>, vector<16xf32>,
        tpu.vector_store_idx %arg9[%select_n3A_135, %select_n3A_233, %broadcast_in_dim3A_707], %get3A_719 : memref<8x8x129xf32, #tpu.memory_space<vmem>>[vector<16xi32>, vector<16xi32>, vector<16xi32>], vector<16xf32>,
        %mul3A_720 = arith.constant 8 : i32
        %mul3A_721 = arith.muli %scan3A_670, %mul3A_720 : i32
        %add3A_722 = arith.constant 3 : i32
        %add3A_723 = arith.addi %mul3A_721, %add3A_722 : i32
        %broadcast_in_dim3A_724 = vector.broadcast %add3A_723 : i32 to vector<16xi32>
        %get3A_725 = arith.index_cast %add3A_723 : i32 to index
        %get3A_726 = arith.constant 0 : index
        %get3A_727 = tpu.vector_load %arg7[%get3A_725, %get3A_726] {strides = array<i32>} : memref<128x64xf32, #tpu.memory_space<vmem>>, vector<16xf32>,
        tpu.vector_store_idx %arg9[%select_n3A, %select_n3A_158, %broadcast_in_dim3A_724], %get3A_727 : memref<8x8x129xf32, #tpu.memory_space<vmem>>[vector<16xi32>, vector<16xi32>, vector<16xi32>], vector<16xf32>,
        %get3A_728 = arith.index_cast %add3A_723 : i32 to index
        %get3A_729 = arith.constant 16 : index
        %get3A_730 = tpu.vector_load %arg7[%get3A_728, %get3A_729] {strides = array<i32>} : memref<128x64xf32, #tpu.memory_space<vmem>>, vector<16xf32>,
        tpu.vector_store_idx %arg9[%select_n3A_67, %select_n3A_183, %broadcast_in_dim3A_724], %get3A_730 : memref<8x8x129xf32, #tpu.memory_space<vmem>>[vector<16xi32>, vector<16xi32>, vector<16xi32>], vector<16xf32>,
        %get3A_731 = arith.index_cast %add3A_723 : i32 to index
        %get3A_732 = arith.constant 32 : index
        %get3A_733 = tpu.vector_load %arg7[%get3A_731, %get3A_732] {strides = array<i32>} : memref<128x64xf32, #tpu.memory_space<vmem>>, vector<16xf32>,
        tpu.vector_store_idx %arg9[%select_n3A_101, %select_n3A_208, %broadcast_in_dim3A_724], %get3A_733 : memref<8x8x129xf32, #tpu.memory_space<vmem>>[vector<16xi32>, vector<16xi32>, vector<16xi32>], vector<16xf32>,
        %get3A_734 = arith.index_cast %add3A_723 : i32 to index
        %get3A_735 = arith.constant 48 : index
        %get3A_736 = tpu.vector_load %arg7[%get3A_734, %get3A_735] {strides = array<i32>} : memref<128x64xf32, #tpu.memory_space<vmem>>, vector<16xf32>,
        tpu.vector_store_idx %arg9[%select_n3A_135, %select_n3A_233, %broadcast_in_dim3A_724], %get3A_736 : memref<8x8x129xf32, #tpu.memory_space<vmem>>[vector<16xi32>, vector<16xi32>, vector<16xi32>], vector<16xf32>,
        %mul3A_737 = arith.constant 8 : i32
        %mul3A_738 = arith.muli %scan3A_670, %mul3A_737 : i32
        %add3A_739 = arith.constant 4 : i32
        %add3A_740 = arith.addi %mul3A_738, %add3A_739 : i32
        %broadcast_in_dim3A_741 = vector.broadcast %add3A_740 : i32 to vector<16xi32>
        %get3A_742 = arith.index_cast %add3A_740 : i32 to index
        %get3A_743 = arith.constant 0 : index
        %get3A_744 = tpu.vector_load %arg7[%get3A_742, %get3A_743] {strides = array<i32>} : memref<128x64xf32, #tpu.memory_space<vmem>>, vector<16xf32>,
        tpu.vector_store_idx %arg9[%select_n3A, %select_n3A_158, %broadcast_in_dim3A_741], %get3A_744 : memref<8x8x129xf32, #tpu.memory_space<vmem>>[vector<16xi32>, vector<16xi32>, vector<16xi32>], vector<16xf32>,
        %get3A_745 = arith.index_cast %add3A_740 : i32 to index
        %get3A_746 = arith.constant 16 : index
        %get3A_747 = tpu.vector_load %arg7[%get3A_745, %get3A_746] {strides = array<i32>} : memref<128x64xf32, #tpu.memory_space<vmem>>, vector<16xf32>,
        tpu.vector_store_idx %arg9[%select_n3A_67, %select_n3A_183, %broadcast_in_dim3A_741], %get3A_747 : memref<8x8x129xf32, #tpu.memory_space<vmem>>[vector<16xi32>, vector<16xi32>, vector<16xi32>], vector<16xf32>,
        %get3A_748 = arith.index_cast %add3A_740 : i32 to index
        %get3A_749 = arith.constant 32 : index
        %get3A_750 = tpu.vector_load %arg7[%get3A_748, %get3A_749] {strides = array<i32>} : memref<128x64xf32, #tpu.memory_space<vmem>>, vector<16xf32>,
        tpu.vector_store_idx %arg9[%select_n3A_101, %select_n3A_208, %broadcast_in_dim3A_741], %get3A_750 : memref<8x8x129xf32, #tpu.memory_space<vmem>>[vector<16xi32>, vector<16xi32>, vector<16xi32>], vector<16xf32>,
        %get3A_751 = arith.index_cast %add3A_740 : i32 to index
        %get3A_752 = arith.constant 48 : index
        %get3A_753 = tpu.vector_load %arg7[%get3A_751, %get3A_752] {strides = array<i32>} : memref<128x64xf32, #tpu.memory_space<vmem>>, vector<16xf32>,
        tpu.vector_store_idx %arg9[%select_n3A_135, %select_n3A_233, %broadcast_in_dim3A_741], %get3A_753 : memref<8x8x129xf32, #tpu.memory_space<vmem>>[vector<16xi32>, vector<16xi32>, vector<16xi32>], vector<16xf32>,
        %mul3A_754 = arith.constant 8 : i32
        %mul3A_755 = arith.muli %scan3A_670, %mul3A_754 : i32
        %add3A_756 = arith.constant 5 : i32
        %add3A_757 = arith.addi %mul3A_755, %add3A_756 : i32
        %broadcast_in_dim3A_758 = vector.broadcast %add3A_757 : i32 to vector<16xi32>
        %get3A_759 = arith.index_cast %add3A_757 : i32 to index
        %get3A_760 = arith.constant 0 : index
        %get3A_761 = tpu.vector_load %arg7[%get3A_759, %get3A_760] {strides = array<i32>} : memref<128x64xf32, #tpu.memory_space<vmem>>, vector<16xf32>,
        tpu.vector_store_idx %arg9[%select_n3A, %select_n3A_158, %broadcast_in_dim3A_758], %get3A_761 : memref<8x8x129xf32, #tpu.memory_space<vmem>>[vector<16xi32>, vector<16xi32>, vector<16xi32>], vector<16xf32>,
        %get3A_762 = arith.index_cast %add3A_757 : i32 to index
        %get3A_763 = arith.constant 16 : index
        %get3A_764 = tpu.vector_load %arg7[%get3A_762, %get3A_763] {strides = array<i32>} : memref<128x64xf32, #tpu.memory_space<vmem>>, vector<16xf32>,
        tpu.vector_store_idx %arg9[%select_n3A_67, %select_n3A_183, %broadcast_in_dim3A_758], %get3A_764 : memref<8x8x129xf32, #tpu.memory_space<vmem>>[vector<16xi32>, vector<16xi32>, vector<16xi32>], vector<16xf32>,
        %get3A_765 = arith.index_cast %add3A_757 : i32 to index
        %get3A_766 = arith.constant 32 : index
        %get3A_767 = tpu.vector_load %arg7[%get3A_765, %get3A_766] {strides = array<i32>} : memref<128x64xf32, #tpu.memory_space<vmem>>, vector<16xf32>,
        tpu.vector_store_idx %arg9[%select_n3A_101, %select_n3A_208, %broadcast_in_dim3A_758], %get3A_767 : memref<8x8x129xf32, #tpu.memory_space<vmem>>[vector<16xi32>, vector<16xi32>, vector<16xi32>], vector<16xf32>,
        %get3A_768 = arith.index_cast %add3A_757 : i32 to index
        %get3A_769 = arith.constant 48 : index
        %get3A_770 = tpu.vector_load %arg7[%get3A_768, %get3A_769] {strides = array<i32>} : memref<128x64xf32, #tpu.memory_space<vmem>>, vector<16xf32>,
        tpu.vector_store_idx %arg9[%select_n3A_135, %select_n3A_233, %broadcast_in_dim3A_758], %get3A_770 : memref<8x8x129xf32, #tpu.memory_space<vmem>>[vector<16xi32>, vector<16xi32>, vector<16xi32>], vector<16xf32>,
        %mul3A_771 = arith.constant 8 : i32
        %mul3A_772 = arith.muli %scan3A_670, %mul3A_771 : i32
        %add3A_773 = arith.constant 6 : i32
        %add3A_774 = arith.addi %mul3A_772, %add3A_773 : i32
        %broadcast_in_dim3A_775 = vector.broadcast %add3A_774 : i32 to vector<16xi32>
        %get3A_776 = arith.index_cast %add3A_774 : i32 to index
        %get3A_777 = arith.constant 0 : index
        %get3A_778 = tpu.vector_load %arg7[%get3A_776, %get3A_777] {strides = array<i32>} : memref<128x64xf32, #tpu.memory_space<vmem>>, vector<16xf32>,
        tpu.vector_store_idx %arg9[%select_n3A, %select_n3A_158, %broadcast_in_dim3A_775], %get3A_778 : memref<8x8x129xf32, #tpu.memory_space<vmem>>[vector<16xi32>, vector<16xi32>, vector<16xi32>], vector<16xf32>,
        %get3A_779 = arith.index_cast %add3A_774 : i32 to index
        %get3A_780 = arith.constant 16 : index
        %get3A_781 = tpu.vector_load %arg7[%get3A_779, %get3A_780] {strides = array<i32>} : memref<128x64xf32, #tpu.memory_space<vmem>>, vector<16xf32>,
        tpu.vector_store_idx %arg9[%select_n3A_67, %select_n3A_183, %broadcast_in_dim3A_775], %get3A_781 : memref<8x8x129xf32, #tpu.memory_space<vmem>>[vector<16xi32>, vector<16xi32>, vector<16xi32>], vector<16xf32>,
        %get3A_782 = arith.index_cast %add3A_774 : i32 to index
        %get3A_783 = arith.constant 32 : index
        %get3A_784 = tpu.vector_load %arg7[%get3A_782, %get3A_783] {strides = array<i32>} : memref<128x64xf32, #tpu.memory_space<vmem>>, vector<16xf32>,
        tpu.vector_store_idx %arg9[%select_n3A_101, %select_n3A_208, %broadcast_in_dim3A_775], %get3A_784 : memref<8x8x129xf32, #tpu.memory_space<vmem>>[vector<16xi32>, vector<16xi32>, vector<16xi32>], vector<16xf32>,
        %get3A_785 = arith.index_cast %add3A_774 : i32 to index
        %get3A_786 = arith.constant 48 : index
        %get3A_787 = tpu.vector_load %arg7[%get3A_785, %get3A_786] {strides = array<i32>} : memref<128x64xf32, #tpu.memory_space<vmem>>, vector<16xf32>,
        tpu.vector_store_idx %arg9[%select_n3A_135, %select_n3A_233, %broadcast_in_dim3A_775], %get3A_787 : memref<8x8x129xf32, #tpu.memory_space<vmem>>[vector<16xi32>, vector<16xi32>, vector<16xi32>], vector<16xf32>,
        %mul3A_788 = arith.constant 8 : i32
        %mul3A_789 = arith.muli %scan3A_670, %mul3A_788 : i32
        %add3A_790 = arith.constant 7 : i32
        %add3A_791 = arith.addi %mul3A_789, %add3A_790 : i32
        %broadcast_in_dim3A_792 = vector.broadcast %add3A_791 : i32 to vector<16xi32>
        %get3A_793 = arith.index_cast %add3A_791 : i32 to index
        %get3A_794 = arith.constant 0 : index
        %get3A_795 = tpu.vector_load %arg7[%get3A_793, %get3A_794] {strides = array<i32>} : memref<128x64xf32, #tpu.memory_space<vmem>>, vector<16xf32>,
        tpu.vector_store_idx %arg9[%select_n3A, %select_n3A_158, %broadcast_in_dim3A_792], %get3A_795 : memref<8x8x129xf32, #tpu.memory_space<vmem>>[vector<16xi32>, vector<16xi32>, vector<16xi32>], vector<16xf32>,
        %get3A_796 = arith.index_cast %add3A_791 : i32 to index
        %get3A_797 = arith.constant 16 : index
        %get3A_798 = tpu.vector_load %arg7[%get3A_796, %get3A_797] {strides = array<i32>} : memref<128x64xf32, #tpu.memory_space<vmem>>, vector<16xf32>,
        tpu.vector_store_idx %arg9[%select_n3A_67, %select_n3A_183, %broadcast_in_dim3A_792], %get3A_798 : memref<8x8x129xf32, #tpu.memory_space<vmem>>[vector<16xi32>, vector<16xi32>, vector<16xi32>], vector<16xf32>,
        %get3A_799 = arith.index_cast %add3A_791 : i32 to index
        %get3A_800 = arith.constant 32 : index
        %get3A_801 = tpu.vector_load %arg7[%get3A_799, %get3A_800] {strides = array<i32>} : memref<128x64xf32, #tpu.memory_space<vmem>>, vector<16xf32>,
        tpu.vector_store_idx %arg9[%select_n3A_101, %select_n3A_208, %broadcast_in_dim3A_792], %get3A_801 : memref<8x8x129xf32, #tpu.memory_space<vmem>>[vector<16xi32>, vector<16xi32>, vector<16xi32>], vector<16xf32>,
        %get3A_802 = arith.index_cast %add3A_791 : i32 to index
        %get3A_803 = arith.constant 48 : index
        %get3A_804 = tpu.vector_load %arg7[%get3A_802, %get3A_803] {strides = array<i32>} : memref<128x64xf32, #tpu.memory_space<vmem>>, vector<16xf32>,
        tpu.vector_store_idx %arg9[%select_n3A_135, %select_n3A_233, %broadcast_in_dim3A_792], %get3A_804 : memref<8x8x129xf32, #tpu.memory_space<vmem>>[vector<16xi32>, vector<16xi32>, vector<16xi32>], vector<16xf32>,
      }
      %scan3A_442 = arith.constant 16 : i32
      %dma_wait3A_443 = arith.constant 0 : i32
      %dma_wait3A_444 = arith.constant 0 : i32
      %dma_wait3A_445 = arith.constant 0 : i32
      %dma_wait3A_446 = arith.constant 0 : i32
      %dma_wait3A_447 = arith.constant 0 : i32
      %dma_wait3A_448 = tpu.memref_slice %arg9[%dma_wait3A_445, %dma_wait3A_446, %dma_wait3A_447] : memref<8x8x129xf32, #tpu.memory_space<vmem>> -> memref<8x8x128xf32, #tpu.memory_space<vmem>>
      %dma_wait3A_449 = arith.constant 0 : i32
      %dma_wait3A_450 = arith.constant 0 : i32
      %dma_wait3A_451 = arith.constant 0 : i32
      %dma_wait3A_452 = tpu.memref_slice %arg4[%dma_wait3A_443, %dma_wait3A_449, %dma_wait3A_444, %dma_wait3A_450, %dma_wait3A_451] : memref<50x8x128x8x128xf32, #tpu.memory_space<hbm>> -> memref<1x8x1x8x128xf32, #tpu.memory_space<hbm>>
      %dma_wait3A_453 = tpu.memref_squeeze %dma_wait3A_452 : memref<1x8x1x8x128xf32, #tpu.memory_space<hbm>> -> memref<8x8x128xf32, #tpu.memory_space<hbm>>
      %dma_wait3A_454 = arith.constant 0 : i32
      %dma_wait3A_455 = arith.constant 0 : i32
      %dma_wait3A_456 = arith.constant 0 : i32
      %dma_wait3A_457 = tpu.memref_slice %arg4[%dma_wait3A_443, %dma_wait3A_454, %dma_wait3A_444, %dma_wait3A_455, %dma_wait3A_456] : memref<50x8x128x8x128xf32, #tpu.memory_space<hbm>> -> memref<1x8x1x8x128xf32, #tpu.memory_space<hbm>>
      %dma_wait3A_458 = tpu.memref_squeeze %dma_wait3A_457 : memref<1x8x1x8x128xf32, #tpu.memory_space<hbm>> -> memref<8x8x128xf32, #tpu.memory_space<hbm>>
      %dma_wait3A_459 = arith.constant 0 : i32
      %dma_wait3A_460 = arith.constant 0 : i32
      %dma_wait3A_461 = arith.constant 0 : i32
      %dma_wait3A_462 = tpu.memref_slice %arg9[%dma_wait3A_459, %dma_wait3A_460, %dma_wait3A_461] : memref<8x8x129xf32, #tpu.memory_space<vmem>> -> memref<8x8x128xf32, #tpu.memory_space<vmem>>
      tpu.wait_dma2 semaphore(%arg13 : memref<!tpu.dma_semaphore, #tpu.memory_space<semaphore_mem>>) src(%dma_wait3A_462 : memref<8x8x128xf32, #tpu.memory_space<vmem>>) dst(%dma_wait3A_458 : memref<8x8x128xf32, #tpu.memory_space<hbm>>)
      %jit3A_463 = arith.constant 4 : i32
      %div3A_464 = arith.divsi %mul3A_380, %jit3A_463 : i32
      %sign3A_465 = arith.constant 0 : i32
      %sign3A_466 = arith.cmpi sgt, %mul3A_380, %sign3A_465 : i32
      %sign3A_467 = arith.extui %sign3A_466 : i1 to i32
      %sign3A_468 = arith.constant 0 : i32
      %sign3A_469 = arith.cmpi slt, %mul3A_380, %sign3A_468 : i32
      %sign3A_470 = arith.extui %sign3A_469 : i1 to i32
      %sign3A_471 = arith.subi %sign3A_467, %sign3A_470 : i32
      %sign3A_472 = arith.constant 0 : i32
      %sign3A_473 = arith.cmpi sgt, %jit3A_463, %sign3A_472 : i32
      %sign3A_474 = arith.extui %sign3A_473 : i1 to i32
      %sign3A_475 = arith.constant 0 : i32
      %sign3A_476 = arith.cmpi slt, %jit3A_463, %sign3A_475 : i32
      %sign3A_477 = arith.extui %sign3A_476 : i1 to i32
      %sign3A_478 = arith.subi %sign3A_474, %sign3A_477 : i32
      %ne3A_479 = arith.cmpi ne, %sign3A_471, %sign3A_478 : i32
      %rem3A_480 = arith.remsi %mul3A_380, %jit3A_463 : i32
      %ne3A_481 = arith.constant 0 : i32
      %ne3A_482 = arith.cmpi ne, %rem3A_480, %ne3A_481 : i32
      %and3A_483 = arith.andi %ne3A_479, %ne3A_482 : i1
      %sub3A_484 = arith.constant 1 : i32
      %sub3A_485 = arith.subi %div3A_464, %sub3A_484 : i32
      %select_n3A_486 = arith.select %and3A_483, %sub3A_485, %div3A_464 : i32
      %jit3A_487 = arith.constant 4 : i32
      %eq3A_488 = arith.constant 0 : i32
      %eq3A_489 = arith.cmpi eq, %jit3A_487, %eq3A_488 : i32
      %jit3A_490 = arith.constant 1 : i32
      %select_n3A_491 = arith.select %eq3A_489, %jit3A_490, %jit3A_487 : i32
      %rem3A_492 = arith.remsi %mul3A_380, %select_n3A_491 : i32
      %ne3A_493 = arith.constant 0 : i32
      %ne3A_494 = arith.cmpi ne, %rem3A_492, %ne3A_493 : i32
      %lt3A_495 = arith.constant 0 : i32
      %lt3A_496 = arith.cmpi slt, %rem3A_492, %lt3A_495 : i32
      %lt3A_497 = arith.constant 0 : i32
      %lt3A_498 = arith.cmpi slt, %select_n3A_491, %lt3A_497 : i32
      %ne3A_499 = arith.xori %lt3A_496, %lt3A_498 : i1
      %and3A_500 = arith.andi %ne3A_499, %ne3A_494 : i1
      %add3A_501 = arith.addi %rem3A_492, %select_n3A_491 : i32
      %select_n3A_502 = arith.select %and3A_500, %add3A_501, %rem3A_492 : i32
      %mul3A_503 = arith.constant 4 : i32
      %mul3A_504 = arith.muli %add3A, %mul3A_503 : i32
      %add3A_505 = arith.addi %mul3A_504, %select_n3A_502 : i32
      %dma_start3A_506 = arith.constant 0 : i32
      %dma_start3A_507 = arith.constant 0 : i32
      %dma_start3A_508 = arith.constant 0 : i32
      %dma_start3A_509 = tpu.memref_slice %arg9[%dma_start3A_506, %dma_start3A_507, %dma_start3A_508] : memref<8x8x129xf32, #tpu.memory_space<vmem>> -> memref<8x8x128xf32, #tpu.memory_space<vmem>>
      %dma_start3A_510 = arith.constant 0 : i32
      %dma_start3A_511 = arith.constant 0 : i32
      %dma_start3A_512 = arith.constant 0 : i32
      %dma_start3A_513 = tpu.memref_slice %arg4[%select_n3A_486, %dma_start3A_510, %add3A_505, %dma_start3A_511, %dma_start3A_512] : memref<50x8x128x8x128xf32, #tpu.memory_space<hbm>> -> memref<1x8x1x8x128xf32, #tpu.memory_space<hbm>>
      %dma_start3A_514 = tpu.memref_squeeze %dma_start3A_513 : memref<1x8x1x8x128xf32, #tpu.memory_space<hbm>> -> memref<8x8x128xf32, #tpu.memory_space<hbm>>
      %dma_start3A_515 = arith.constant 0 : i32
      %dma_start3A_516 = arith.constant 0 : i32
      %dma_start3A_517 = arith.constant 0 : i32
      %dma_start3A_518 = tpu.memref_slice %arg4[%select_n3A_486, %dma_start3A_515, %add3A_505, %dma_start3A_516, %dma_start3A_517] : memref<50x8x128x8x128xf32, #tpu.memory_space<hbm>> -> memref<1x8x1x8x128xf32, #tpu.memory_space<hbm>>
      %dma_start3A_519 = tpu.memref_squeeze %dma_start3A_518 : memref<1x8x1x8x128xf32, #tpu.memory_space<hbm>> -> memref<8x8x128xf32, #tpu.memory_space<hbm>>
      %dma_start3A_520 = arith.constant 0 : i32
      %dma_start3A_521 = arith.constant 0 : i32
      %dma_start3A_522 = arith.constant 0 : i32
      %dma_start3A_523 = tpu.memref_slice %arg9[%dma_start3A_520, %dma_start3A_521, %dma_start3A_522] : memref<8x8x129xf32, #tpu.memory_space<vmem>> -> memref<8x8x128xf32, #tpu.memory_space<vmem>>
      tpu.enqueue_dma source(%dma_start3A_523 : memref<8x8x128xf32, #tpu.memory_space<vmem>>) target(%dma_start3A_519 : memref<8x8x128xf32, #tpu.memory_space<hbm>>) target_semaphore(%arg13 : memref<!tpu.dma_semaphore, #tpu.memory_space<semaphore_mem>>)
      %dma_wait3A_524 = arith.constant 0 : i32
      %dma_wait3A_525 = arith.constant 0 : i32
      %dma_wait3A_526 = tpu.memref_slice %arg6[%dma_wait3A_524, %dma_wait3A_525] : memref<64x513xi32, #tpu.memory_space<vmem>> -> memref<1x128xi32, #tpu.memory_space<vmem>>
      %dma_wait3A_527 = tpu.memref_squeeze %dma_wait3A_526 : memref<1x128xi32, #tpu.memory_space<vmem>> -> memref<128xi32, #tpu.memory_space<vmem>>
      %dma_wait3A_528 = arith.constant 0 : i32
      %dma_wait3A_529 = arith.constant 0 : i32
      %dma_wait3A_530 = tpu.memref_slice %arg3[%dma_wait3A_528, %dma_wait3A_529] : memref<1000000x64xf32, #tpu.memory_space<hbm>> -> memref<1000000x64xf32, #tpu.memory_space<hbm>>
      tpu.wait_indirect_dma semaphore(%arg12 : memref<!tpu.dma_semaphore, #tpu.memory_space<semaphore_mem>>) src(%dma_wait3A_530 : memref<1000000x64xf32, #tpu.memory_space<hbm>>) dst(%arg8 : memref<128x64xf32, #tpu.memory_space<vmem>>)
      %add3A_531 = arith.constant 2 : i32
      %add3A_532 = arith.addi %mul3A_380, %add3A_531 : i32
      %min3A = arith.constant 199 : i32
      %min3A_533 = arith.minsi %add3A_532, %min3A : i32
      %jit3A_534 = arith.constant 4 : i32
      %div3A_535 = arith.divsi %min3A_533, %jit3A_534 : i32
      %sign3A_536 = arith.constant 0 : i32
      %sign3A_537 = arith.cmpi sgt, %min3A_533, %sign3A_536 : i32
      %sign3A_538 = arith.extui %sign3A_537 : i1 to i32
      %sign3A_539 = arith.constant 0 : i32
      %sign3A_540 = arith.cmpi slt, %min3A_533, %sign3A_539 : i32
      %sign3A_541 = arith.extui %sign3A_540 : i1 to i32
      %sign3A_542 = arith.subi %sign3A_538, %sign3A_541 : i32
      %sign3A_543 = arith.constant 0 : i32
      %sign3A_544 = arith.cmpi sgt, %jit3A_534, %sign3A_543 : i32
      %sign3A_545 = arith.extui %sign3A_544 : i1 to i32
      %sign3A_546 = arith.constant 0 : i32
      %sign3A_547 = arith.cmpi slt, %jit3A_534, %sign3A_546 : i32
      %sign3A_548 = arith.extui %sign3A_547 : i1 to i32
      %sign3A_549 = arith.subi %sign3A_545, %sign3A_548 : i32
      %ne3A_550 = arith.cmpi ne, %sign3A_542, %sign3A_549 : i32
      %rem3A_551 = arith.remsi %min3A_533, %jit3A_534 : i32
      %ne3A_552 = arith.constant 0 : i32
      %ne3A_553 = arith.cmpi ne, %rem3A_551, %ne3A_552 : i32
      %and3A_554 = arith.andi %ne3A_550, %ne3A_553 : i1
      %sub3A_555 = arith.constant 1 : i32
      %sub3A_556 = arith.subi %div3A_535, %sub3A_555 : i32
      %select_n3A_557 = arith.select %and3A_554, %sub3A_556, %div3A_535 : i32
      %jit3A_558 = arith.constant 4 : i32
      %eq3A_559 = arith.constant 0 : i32
      %eq3A_560 = arith.cmpi eq, %jit3A_558, %eq3A_559 : i32
      %jit3A_561 = arith.constant 1 : i32
      %select_n3A_562 = arith.select %eq3A_560, %jit3A_561, %jit3A_558 : i32
      %rem3A_563 = arith.remsi %min3A_533, %select_n3A_562 : i32
      %ne3A_564 = arith.constant 0 : i32
      %ne3A_565 = arith.cmpi ne, %rem3A_563, %ne3A_564 : i32
      %lt3A_566 = arith.constant 0 : i32
      %lt3A_567 = arith.cmpi slt, %rem3A_563, %lt3A_566 : i32
      %lt3A_568 = arith.constant 0 : i32
      %lt3A_569 = arith.cmpi slt, %select_n3A_562, %lt3A_568 : i32
      %ne3A_570 = arith.xori %lt3A_567, %lt3A_569 : i1
      %and3A_571 = arith.andi %ne3A_570, %ne3A_565 : i1
      %add3A_572 = arith.addi %rem3A_563, %select_n3A_562 : i32
      %select_n3A_573 = arith.select %and3A_571, %add3A_572, %rem3A_563 : i32
      %mul3A_574 = arith.constant 128 : i32
      %mul3A_575 = arith.muli %select_n3A_573, %mul3A_574 : i32
      %dma_start3A_576 = tpu.memref_slice %arg6[%select_n3A_557, %mul3A_575] : memref<64x513xi32, #tpu.memory_space<vmem>> -> memref<1x128xi32, #tpu.memory_space<vmem>>
      %dma_start3A_577 = tpu.memref_squeeze %dma_start3A_576 : memref<1x128xi32, #tpu.memory_space<vmem>> -> memref<128xi32, #tpu.memory_space<vmem>>
      %dma_start3A_578 = arith.constant 0 : i32
      %dma_start3A_579 = arith.constant 0 : i32
      %dma_start3A_580 = tpu.memref_slice %arg3[%dma_start3A_578, %dma_start3A_579] : memref<1000000x64xf32, #tpu.memory_space<hbm>> -> memref<1000000x64xf32, #tpu.memory_space<hbm>>
      tpu.enqueue_indirect_dma source(%dma_start3A_580 : memref<1000000x64xf32, #tpu.memory_space<hbm>>) target(%arg7 : memref<128x64xf32, #tpu.memory_space<vmem>>) offsets(%dma_start3A_577 : memref<128xi32, #tpu.memory_space<vmem>>) semaphore(%arg11 : memref<!tpu.dma_semaphore, #tpu.memory_space<semaphore_mem>>)
      %scan3A_581 = arith.constant 0 : i32
      %scan3A_582 = arith.constant 0 : i32
      %scan3A_583 = arith.constant 16 : i32
      %scan3A_584 = arith.addi %scan3A_582, %scan3A_583 : i32
      %scan3A_585 = arith.constant 1 : i32
      scf.for %scan3A_670 = %scan3A_582 to %scan3A_584 step %scan3A_585  : i32 {
        %mul3A_671 = arith.constant 8 : i32
        %mul3A_672 = arith.muli %scan3A_670, %mul3A_671 : i32
        %add3A_673 = arith.constant 0 : i32
        %add3A_674 = arith.addi %mul3A_672, %add3A_673 : i32
        %broadcast_in_dim3A = vector.broadcast %add3A_674 : i32 to vector<16xi32>
        %get3A = arith.index_cast %add3A_674 : i32 to index
        %get3A_675 = arith.constant 0 : index
        %get3A_676 = tpu.vector_load %arg8[%get3A, %get3A_675] {strides = array<i32>} : memref<128x64xf32, #tpu.memory_space<vmem>>, vector<16xf32>,
        tpu.vector_store_idx %arg10[%select_n3A, %select_n3A_158, %broadcast_in_dim3A], %get3A_676 : memref<8x8x129xf32, #tpu.memory_space<vmem>>[vector<16xi32>, vector<16xi32>, vector<16xi32>], vector<16xf32>,
        %get3A_677 = arith.index_cast %add3A_674 : i32 to index
        %get3A_678 = arith.constant 16 : index
        %get3A_679 = tpu.vector_load %arg8[%get3A_677, %get3A_678] {strides = array<i32>} : memref<128x64xf32, #tpu.memory_space<vmem>>, vector<16xf32>,
        tpu.vector_store_idx %arg10[%select_n3A_67, %select_n3A_183, %broadcast_in_dim3A], %get3A_679 : memref<8x8x129xf32, #tpu.memory_space<vmem>>[vector<16xi32>, vector<16xi32>, vector<16xi32>], vector<16xf32>,
        %get3A_680 = arith.index_cast %add3A_674 : i32 to index
        %get3A_681 = arith.constant 32 : index
        %get3A_682 = tpu.vector_load %arg8[%get3A_680, %get3A_681] {strides = array<i32>} : memref<128x64xf32, #tpu.memory_space<vmem>>, vector<16xf32>,
        tpu.vector_store_idx %arg10[%select_n3A_101, %select_n3A_208, %broadcast_in_dim3A], %get3A_682 : memref<8x8x129xf32, #tpu.memory_space<vmem>>[vector<16xi32>, vector<16xi32>, vector<16xi32>], vector<16xf32>,
        %get3A_683 = arith.index_cast %add3A_674 : i32 to index
        %get3A_684 = arith.constant 48 : index
        %get3A_685 = tpu.vector_load %arg8[%get3A_683, %get3A_684] {strides = array<i32>} : memref<128x64xf32, #tpu.memory_space<vmem>>, vector<16xf32>,
        tpu.vector_store_idx %arg10[%select_n3A_135, %select_n3A_233, %broadcast_in_dim3A], %get3A_685 : memref<8x8x129xf32, #tpu.memory_space<vmem>>[vector<16xi32>, vector<16xi32>, vector<16xi32>], vector<16xf32>,
        %mul3A_686 = arith.constant 8 : i32
        %mul3A_687 = arith.muli %scan3A_670, %mul3A_686 : i32
        %add3A_688 = arith.constant 1 : i32
        %add3A_689 = arith.addi %mul3A_687, %add3A_688 : i32
        %broadcast_in_dim3A_690 = vector.broadcast %add3A_689 : i32 to vector<16xi32>
        %get3A_691 = arith.index_cast %add3A_689 : i32 to index
        %get3A_692 = arith.constant 0 : index
        %get3A_693 = tpu.vector_load %arg8[%get3A_691, %get3A_692] {strides = array<i32>} : memref<128x64xf32, #tpu.memory_space<vmem>>, vector<16xf32>,
        tpu.vector_store_idx %arg10[%select_n3A, %select_n3A_158, %broadcast_in_dim3A_690], %get3A_693 : memref<8x8x129xf32, #tpu.memory_space<vmem>>[vector<16xi32>, vector<16xi32>, vector<16xi32>], vector<16xf32>,
        %get3A_694 = arith.index_cast %add3A_689 : i32 to index
        %get3A_695 = arith.constant 16 : index
        %get3A_696 = tpu.vector_load %arg8[%get3A_694, %get3A_695] {strides = array<i32>} : memref<128x64xf32, #tpu.memory_space<vmem>>, vector<16xf32>,
        tpu.vector_store_idx %arg10[%select_n3A_67, %select_n3A_183, %broadcast_in_dim3A_690], %get3A_696 : memref<8x8x129xf32, #tpu.memory_space<vmem>>[vector<16xi32>, vector<16xi32>, vector<16xi32>], vector<16xf32>,
        %get3A_697 = arith.index_cast %add3A_689 : i32 to index
        %get3A_698 = arith.constant 32 : index
        %get3A_699 = tpu.vector_load %arg8[%get3A_697, %get3A_698] {strides = array<i32>} : memref<128x64xf32, #tpu.memory_space<vmem>>, vector<16xf32>,
        tpu.vector_store_idx %arg10[%select_n3A_101, %select_n3A_208, %broadcast_in_dim3A_690], %get3A_699 : memref<8x8x129xf32, #tpu.memory_space<vmem>>[vector<16xi32>, vector<16xi32>, vector<16xi32>], vector<16xf32>,
        %get3A_700 = arith.index_cast %add3A_689 : i32 to index
        %get3A_701 = arith.constant 48 : index
        %get3A_702 = tpu.vector_load %arg8[%get3A_700, %get3A_701] {strides = array<i32>} : memref<128x64xf32, #tpu.memory_space<vmem>>, vector<16xf32>,
        tpu.vector_store_idx %arg10[%select_n3A_135, %select_n3A_233, %broadcast_in_dim3A_690], %get3A_702 : memref<8x8x129xf32, #tpu.memory_space<vmem>>[vector<16xi32>, vector<16xi32>, vector<16xi32>], vector<16xf32>,
        %mul3A_703 = arith.constant 8 : i32
        %mul3A_704 = arith.muli %scan3A_670, %mul3A_703 : i32
        %add3A_705 = arith.constant 2 : i32
        %add3A_706 = arith.addi %mul3A_704, %add3A_705 : i32
        %broadcast_in_dim3A_707 = vector.broadcast %add3A_706 : i32 to vector<16xi32>
        %get3A_708 = arith.index_cast %add3A_706 : i32 to index
        %get3A_709 = arith.constant 0 : index
        %get3A_710 = tpu.vector_load %arg8[%get3A_708, %get3A_709] {strides = array<i32>} : memref<128x64xf32, #tpu.memory_space<vmem>>, vector<16xf32>,
        tpu.vector_store_idx %arg10[%select_n3A, %select_n3A_158, %broadcast_in_dim3A_707], %get3A_710 : memref<8x8x129xf32, #tpu.memory_space<vmem>>[vector<16xi32>, vector<16xi32>, vector<16xi32>], vector<16xf32>,
        %get3A_711 = arith.index_cast %add3A_706 : i32 to index
        %get3A_712 = arith.constant 16 : index
        %get3A_713 = tpu.vector_load %arg8[%get3A_711, %get3A_712] {strides = array<i32>} : memref<128x64xf32, #tpu.memory_space<vmem>>, vector<16xf32>,
        tpu.vector_store_idx %arg10[%select_n3A_67, %select_n3A_183, %broadcast_in_dim3A_707], %get3A_713 : memref<8x8x129xf32, #tpu.memory_space<vmem>>[vector<16xi32>, vector<16xi32>, vector<16xi32>], vector<16xf32>,
        %get3A_714 = arith.index_cast %add3A_706 : i32 to index
        %get3A_715 = arith.constant 32 : index
        %get3A_716 = tpu.vector_load %arg8[%get3A_714, %get3A_715] {strides = array<i32>} : memref<128x64xf32, #tpu.memory_space<vmem>>, vector<16xf32>,
        tpu.vector_store_idx %arg10[%select_n3A_101, %select_n3A_208, %broadcast_in_dim3A_707], %get3A_716 : memref<8x8x129xf32, #tpu.memory_space<vmem>>[vector<16xi32>, vector<16xi32>, vector<16xi32>], vector<16xf32>,
        %get3A_717 = arith.index_cast %add3A_706 : i32 to index
        %get3A_718 = arith.constant 48 : index
        %get3A_719 = tpu.vector_load %arg8[%get3A_717, %get3A_718] {strides = array<i32>} : memref<128x64xf32, #tpu.memory_space<vmem>>, vector<16xf32>,
        tpu.vector_store_idx %arg10[%select_n3A_135, %select_n3A_233, %broadcast_in_dim3A_707], %get3A_719 : memref<8x8x129xf32, #tpu.memory_space<vmem>>[vector<16xi32>, vector<16xi32>, vector<16xi32>], vector<16xf32>,
        %mul3A_720 = arith.constant 8 : i32
        %mul3A_721 = arith.muli %scan3A_670, %mul3A_720 : i32
        %add3A_722 = arith.constant 3 : i32
        %add3A_723 = arith.addi %mul3A_721, %add3A_722 : i32
        %broadcast_in_dim3A_724 = vector.broadcast %add3A_723 : i32 to vector<16xi32>
        %get3A_725 = arith.index_cast %add3A_723 : i32 to index
        %get3A_726 = arith.constant 0 : index
        %get3A_727 = tpu.vector_load %arg8[%get3A_725, %get3A_726] {strides = array<i32>} : memref<128x64xf32, #tpu.memory_space<vmem>>, vector<16xf32>,
        tpu.vector_store_idx %arg10[%select_n3A, %select_n3A_158, %broadcast_in_dim3A_724], %get3A_727 : memref<8x8x129xf32, #tpu.memory_space<vmem>>[vector<16xi32>, vector<16xi32>, vector<16xi32>], vector<16xf32>,
        %get3A_728 = arith.index_cast %add3A_723 : i32 to index
        %get3A_729 = arith.constant 16 : index
        %get3A_730 = tpu.vector_load %arg8[%get3A_728, %get3A_729] {strides = array<i32>} : memref<128x64xf32, #tpu.memory_space<vmem>>, vector<16xf32>,
        tpu.vector_store_idx %arg10[%select_n3A_67, %select_n3A_183, %broadcast_in_dim3A_724], %get3A_730 : memref<8x8x129xf32, #tpu.memory_space<vmem>>[vector<16xi32>, vector<16xi32>, vector<16xi32>], vector<16xf32>,
        %get3A_731 = arith.index_cast %add3A_723 : i32 to index
        %get3A_732 = arith.constant 32 : index
        %get3A_733 = tpu.vector_load %arg8[%get3A_731, %get3A_732] {strides = array<i32>} : memref<128x64xf32, #tpu.memory_space<vmem>>, vector<16xf32>,
        tpu.vector_store_idx %arg10[%select_n3A_101, %select_n3A_208, %broadcast_in_dim3A_724], %get3A_733 : memref<8x8x129xf32, #tpu.memory_space<vmem>>[vector<16xi32>, vector<16xi32>, vector<16xi32>], vector<16xf32>,
        %get3A_734 = arith.index_cast %add3A_723 : i32 to index
        %get3A_735 = arith.constant 48 : index
        %get3A_736 = tpu.vector_load %arg8[%get3A_734, %get3A_735] {strides = array<i32>} : memref<128x64xf32, #tpu.memory_space<vmem>>, vector<16xf32>,
        tpu.vector_store_idx %arg10[%select_n3A_135, %select_n3A_233, %broadcast_in_dim3A_724], %get3A_736 : memref<8x8x129xf32, #tpu.memory_space<vmem>>[vector<16xi32>, vector<16xi32>, vector<16xi32>], vector<16xf32>,
        %mul3A_737 = arith.constant 8 : i32
        %mul3A_738 = arith.muli %scan3A_670, %mul3A_737 : i32
        %add3A_739 = arith.constant 4 : i32
        %add3A_740 = arith.addi %mul3A_738, %add3A_739 : i32
        %broadcast_in_dim3A_741 = vector.broadcast %add3A_740 : i32 to vector<16xi32>
        %get3A_742 = arith.index_cast %add3A_740 : i32 to index
        %get3A_743 = arith.constant 0 : index
        %get3A_744 = tpu.vector_load %arg8[%get3A_742, %get3A_743] {strides = array<i32>} : memref<128x64xf32, #tpu.memory_space<vmem>>, vector<16xf32>,
        tpu.vector_store_idx %arg10[%select_n3A, %select_n3A_158, %broadcast_in_dim3A_741], %get3A_744 : memref<8x8x129xf32, #tpu.memory_space<vmem>>[vector<16xi32>, vector<16xi32>, vector<16xi32>], vector<16xf32>,
        %get3A_745 = arith.index_cast %add3A_740 : i32 to index
        %get3A_746 = arith.constant 16 : index
        %get3A_747 = tpu.vector_load %arg8[%get3A_745, %get3A_746] {strides = array<i32>} : memref<128x64xf32, #tpu.memory_space<vmem>>, vector<16xf32>,
        tpu.vector_store_idx %arg10[%select_n3A_67, %select_n3A_183, %broadcast_in_dim3A_741], %get3A_747 : memref<8x8x129xf32, #tpu.memory_space<vmem>>[vector<16xi32>, vector<16xi32>, vector<16xi32>], vector<16xf32>,
        %get3A_748 = arith.index_cast %add3A_740 : i32 to index
        %get3A_749 = arith.constant 32 : index
        %get3A_750 = tpu.vector_load %arg8[%get3A_748, %get3A_749] {strides = array<i32>} : memref<128x64xf32, #tpu.memory_space<vmem>>, vector<16xf32>,
        tpu.vector_store_idx %arg10[%select_n3A_101, %select_n3A_208, %broadcast_in_dim3A_741], %get3A_750 : memref<8x8x129xf32, #tpu.memory_space<vmem>>[vector<16xi32>, vector<16xi32>, vector<16xi32>], vector<16xf32>,
        %get3A_751 = arith.index_cast %add3A_740 : i32 to index
        %get3A_752 = arith.constant 48 : index
        %get3A_753 = tpu.vector_load %arg8[%get3A_751, %get3A_752] {strides = array<i32>} : memref<128x64xf32, #tpu.memory_space<vmem>>, vector<16xf32>,
        tpu.vector_store_idx %arg10[%select_n3A_135, %select_n3A_233, %broadcast_in_dim3A_741], %get3A_753 : memref<8x8x129xf32, #tpu.memory_space<vmem>>[vector<16xi32>, vector<16xi32>, vector<16xi32>], vector<16xf32>,
        %mul3A_754 = arith.constant 8 : i32
        %mul3A_755 = arith.muli %scan3A_670, %mul3A_754 : i32
        %add3A_756 = arith.constant 5 : i32
        %add3A_757 = arith.addi %mul3A_755, %add3A_756 : i32
        %broadcast_in_dim3A_758 = vector.broadcast %add3A_757 : i32 to vector<16xi32>
        %get3A_759 = arith.index_cast %add3A_757 : i32 to index
        %get3A_760 = arith.constant 0 : index
        %get3A_761 = tpu.vector_load %arg8[%get3A_759, %get3A_760] {strides = array<i32>} : memref<128x64xf32, #tpu.memory_space<vmem>>, vector<16xf32>,
        tpu.vector_store_idx %arg10[%select_n3A, %select_n3A_158, %broadcast_in_dim3A_758], %get3A_761 : memref<8x8x129xf32, #tpu.memory_space<vmem>>[vector<16xi32>, vector<16xi32>, vector<16xi32>], vector<16xf32>,
        %get3A_762 = arith.index_cast %add3A_757 : i32 to index
        %get3A_763 = arith.constant 16 : index
        %get3A_764 = tpu.vector_load %arg8[%get3A_762, %get3A_763] {strides = array<i32>} : memref<128x64xf32, #tpu.memory_space<vmem>>, vector<16xf32>,
        tpu.vector_store_idx %arg10[%select_n3A_67, %select_n3A_183, %broadcast_in_dim3A_758], %get3A_764 : memref<8x8x129xf32, #tpu.memory_space<vmem>>[vector<16xi32>, vector<16xi32>, vector<16xi32>], vector<16xf32>,
        %get3A_765 = arith.index_cast %add3A_757 : i32 to index
        %get3A_766 = arith.constant 32 : index
        %get3A_767 = tpu.vector_load %arg8[%get3A_765, %get3A_766] {strides = array<i32>} : memref<128x64xf32, #tpu.memory_space<vmem>>, vector<16xf32>,
        tpu.vector_store_idx %arg10[%select_n3A_101, %select_n3A_208, %broadcast_in_dim3A_758], %get3A_767 : memref<8x8x129xf32, #tpu.memory_space<vmem>>[vector<16xi32>, vector<16xi32>, vector<16xi32>], vector<16xf32>,
        %get3A_768 = arith.index_cast %add3A_757 : i32 to index
        %get3A_769 = arith.constant 48 : index
        %get3A_770 = tpu.vector_load %arg8[%get3A_768, %get3A_769] {strides = array<i32>} : memref<128x64xf32, #tpu.memory_space<vmem>>, vector<16xf32>,
        tpu.vector_store_idx %arg10[%select_n3A_135, %select_n3A_233, %broadcast_in_dim3A_758], %get3A_770 : memref<8x8x129xf32, #tpu.memory_space<vmem>>[vector<16xi32>, vector<16xi32>, vector<16xi32>], vector<16xf32>,
        %mul3A_771 = arith.constant 8 : i32
        %mul3A_772 = arith.muli %scan3A_670, %mul3A_771 : i32
        %add3A_773 = arith.constant 6 : i32
        %add3A_774 = arith.addi %mul3A_772, %add3A_773 : i32
        %broadcast_in_dim3A_775 = vector.broadcast %add3A_774 : i32 to vector<16xi32>
        %get3A_776 = arith.index_cast %add3A_774 : i32 to index
        %get3A_777 = arith.constant 0 : index
        %get3A_778 = tpu.vector_load %arg8[%get3A_776, %get3A_777] {strides = array<i32>} : memref<128x64xf32, #tpu.memory_space<vmem>>, vector<16xf32>,
        tpu.vector_store_idx %arg10[%select_n3A, %select_n3A_158, %broadcast_in_dim3A_775], %get3A_778 : memref<8x8x129xf32, #tpu.memory_space<vmem>>[vector<16xi32>, vector<16xi32>, vector<16xi32>], vector<16xf32>,
        %get3A_779 = arith.index_cast %add3A_774 : i32 to index
        %get3A_780 = arith.constant 16 : index
        %get3A_781 = tpu.vector_load %arg8[%get3A_779, %get3A_780] {strides = array<i32>} : memref<128x64xf32, #tpu.memory_space<vmem>>, vector<16xf32>,
        tpu.vector_store_idx %arg10[%select_n3A_67, %select_n3A_183, %broadcast_in_dim3A_775], %get3A_781 : memref<8x8x129xf32, #tpu.memory_space<vmem>>[vector<16xi32>, vector<16xi32>, vector<16xi32>], vector<16xf32>,
        %get3A_782 = arith.index_cast %add3A_774 : i32 to index
        %get3A_783 = arith.constant 32 : index
        %get3A_784 = tpu.vector_load %arg8[%get3A_782, %get3A_783] {strides = array<i32>} : memref<128x64xf32, #tpu.memory_space<vmem>>, vector<16xf32>,
        tpu.vector_store_idx %arg10[%select_n3A_101, %select_n3A_208, %broadcast_in_dim3A_775], %get3A_784 : memref<8x8x129xf32, #tpu.memory_space<vmem>>[vector<16xi32>, vector<16xi32>, vector<16xi32>], vector<16xf32>,
        %get3A_785 = arith.index_cast %add3A_774 : i32 to index
        %get3A_786 = arith.constant 48 : index
        %get3A_787 = tpu.vector_load %arg8[%get3A_785, %get3A_786] {strides = array<i32>} : memref<128x64xf32, #tpu.memory_space<vmem>>, vector<16xf32>,
        tpu.vector_store_idx %arg10[%select_n3A_135, %select_n3A_233, %broadcast_in_dim3A_775], %get3A_787 : memref<8x8x129xf32, #tpu.memory_space<vmem>>[vector<16xi32>, vector<16xi32>, vector<16xi32>], vector<16xf32>,
        %mul3A_788 = arith.constant 8 : i32
        %mul3A_789 = arith.muli %scan3A_670, %mul3A_788 : i32
        %add3A_790 = arith.constant 7 : i32
        %add3A_791 = arith.addi %mul3A_789, %add3A_790 : i32
        %broadcast_in_dim3A_792 = vector.broadcast %add3A_791 : i32 to vector<16xi32>
        %get3A_793 = arith.index_cast %add3A_791 : i32 to index
        %get3A_794 = arith.constant 0 : index
        %get3A_795 = tpu.vector_load %arg8[%get3A_793, %get3A_794] {strides = array<i32>} : memref<128x64xf32, #tpu.memory_space<vmem>>, vector<16xf32>,
        tpu.vector_store_idx %arg10[%select_n3A, %select_n3A_158, %broadcast_in_dim3A_792], %get3A_795 : memref<8x8x129xf32, #tpu.memory_space<vmem>>[vector<16xi32>, vector<16xi32>, vector<16xi32>], vector<16xf32>,
        %get3A_796 = arith.index_cast %add3A_791 : i32 to index
        %get3A_797 = arith.constant 16 : index
        %get3A_798 = tpu.vector_load %arg8[%get3A_796, %get3A_797] {strides = array<i32>} : memref<128x64xf32, #tpu.memory_space<vmem>>, vector<16xf32>,
        tpu.vector_store_idx %arg10[%select_n3A_67, %select_n3A_183, %broadcast_in_dim3A_792], %get3A_798 : memref<8x8x129xf32, #tpu.memory_space<vmem>>[vector<16xi32>, vector<16xi32>, vector<16xi32>], vector<16xf32>,
        %get3A_799 = arith.index_cast %add3A_791 : i32 to index
        %get3A_800 = arith.constant 32 : index
        %get3A_801 = tpu.vector_load %arg8[%get3A_799, %get3A_800] {strides = array<i32>} : memref<128x64xf32, #tpu.memory_space<vmem>>, vector<16xf32>,
        tpu.vector_store_idx %arg10[%select_n3A_101, %select_n3A_208, %broadcast_in_dim3A_792], %get3A_801 : memref<8x8x129xf32, #tpu.memory_space<vmem>>[vector<16xi32>, vector<16xi32>, vector<16xi32>], vector<16xf32>,
        %get3A_802 = arith.index_cast %add3A_791 : i32 to index
        %get3A_803 = arith.constant 48 : index
        %get3A_804 = tpu.vector_load %arg8[%get3A_802, %get3A_803] {strides = array<i32>} : memref<128x64xf32, #tpu.memory_space<vmem>>, vector<16xf32>,
        tpu.vector_store_idx %arg10[%select_n3A_135, %select_n3A_233, %broadcast_in_dim3A_792], %get3A_804 : memref<8x8x129xf32, #tpu.memory_space<vmem>>[vector<16xi32>, vector<16xi32>, vector<16xi32>], vector<16xf32>,
      }
      %scan3A_586 = arith.constant 16 : i32
      %dma_wait3A_587 = arith.constant 0 : i32
      %dma_wait3A_588 = arith.constant 0 : i32
      %dma_wait3A_589 = arith.constant 0 : i32
      %dma_wait3A_590 = arith.constant 0 : i32
      %dma_wait3A_591 = arith.constant 0 : i32
      %dma_wait3A_592 = tpu.memref_slice %arg10[%dma_wait3A_589, %dma_wait3A_590, %dma_wait3A_591] : memref<8x8x129xf32, #tpu.memory_space<vmem>> -> memref<8x8x128xf32, #tpu.memory_space<vmem>>
      %dma_wait3A_593 = arith.constant 0 : i32
      %dma_wait3A_594 = arith.constant 0 : i32
      %dma_wait3A_595 = arith.constant 0 : i32
      %dma_wait3A_596 = tpu.memref_slice %arg4[%dma_wait3A_587, %dma_wait3A_593, %dma_wait3A_588, %dma_wait3A_594, %dma_wait3A_595] : memref<50x8x128x8x128xf32, #tpu.memory_space<hbm>> -> memref<1x8x1x8x128xf32, #tpu.memory_space<hbm>>
      %dma_wait3A_597 = tpu.memref_squeeze %dma_wait3A_596 : memref<1x8x1x8x128xf32, #tpu.memory_space<hbm>> -> memref<8x8x128xf32, #tpu.memory_space<hbm>>
      %dma_wait3A_598 = arith.constant 0 : i32
      %dma_wait3A_599 = arith.constant 0 : i32
      %dma_wait3A_600 = arith.constant 0 : i32
      %dma_wait3A_601 = tpu.memref_slice %arg4[%dma_wait3A_587, %dma_wait3A_598, %dma_wait3A_588, %dma_wait3A_599, %dma_wait3A_600] : memref<50x8x128x8x128xf32, #tpu.memory_space<hbm>> -> memref<1x8x1x8x128xf32, #tpu.memory_space<hbm>>
      %dma_wait3A_602 = tpu.memref_squeeze %dma_wait3A_601 : memref<1x8x1x8x128xf32, #tpu.memory_space<hbm>> -> memref<8x8x128xf32, #tpu.memory_space<hbm>>
      %dma_wait3A_603 = arith.constant 0 : i32
      %dma_wait3A_604 = arith.constant 0 : i32
      %dma_wait3A_605 = arith.constant 0 : i32
      %dma_wait3A_606 = tpu.memref_slice %arg10[%dma_wait3A_603, %dma_wait3A_604, %dma_wait3A_605] : memref<8x8x129xf32, #tpu.memory_space<vmem>> -> memref<8x8x128xf32, #tpu.memory_space<vmem>>
      tpu.wait_dma2 semaphore(%arg14 : memref<!tpu.dma_semaphore, #tpu.memory_space<semaphore_mem>>) src(%dma_wait3A_606 : memref<8x8x128xf32, #tpu.memory_space<vmem>>) dst(%dma_wait3A_602 : memref<8x8x128xf32, #tpu.memory_space<hbm>>)
      %add3A_607 = arith.constant 1 : i32
      %add3A_608 = arith.addi %mul3A_380, %add3A_607 : i32
      %jit3A_609 = arith.constant 4 : i32
      %div3A_610 = arith.divsi %add3A_608, %jit3A_609 : i32
      %sign3A_611 = arith.constant 0 : i32
      %sign3A_612 = arith.cmpi sgt, %add3A_608, %sign3A_611 : i32
      %sign3A_613 = arith.extui %sign3A_612 : i1 to i32
      %sign3A_614 = arith.constant 0 : i32
      %sign3A_615 = arith.cmpi slt, %add3A_608, %sign3A_614 : i32
      %sign3A_616 = arith.extui %sign3A_615 : i1 to i32
      %sign3A_617 = arith.subi %sign3A_613, %sign3A_616 : i32
      %sign3A_618 = arith.constant 0 : i32
      %sign3A_619 = arith.cmpi sgt, %jit3A_609, %sign3A_618 : i32
      %sign3A_620 = arith.extui %sign3A_619 : i1 to i32
      %sign3A_621 = arith.constant 0 : i32
      %sign3A_622 = arith.cmpi slt, %jit3A_609, %sign3A_621 : i32
      %sign3A_623 = arith.extui %sign3A_622 : i1 to i32
      %sign3A_624 = arith.subi %sign3A_620, %sign3A_623 : i32
      %ne3A_625 = arith.cmpi ne, %sign3A_617, %sign3A_624 : i32
      %rem3A_626 = arith.remsi %add3A_608, %jit3A_609 : i32
      %ne3A_627 = arith.constant 0 : i32
      %ne3A_628 = arith.cmpi ne, %rem3A_626, %ne3A_627 : i32
      %and3A_629 = arith.andi %ne3A_625, %ne3A_628 : i1
      %sub3A_630 = arith.constant 1 : i32
      %sub3A_631 = arith.subi %div3A_610, %sub3A_630 : i32
      %select_n3A_632 = arith.select %and3A_629, %sub3A_631, %div3A_610 : i32
      %jit3A_633 = arith.constant 4 : i32
      %eq3A_634 = arith.constant 0 : i32
      %eq3A_635 = arith.cmpi eq, %jit3A_633, %eq3A_634 : i32
      %jit3A_636 = arith.constant 1 : i32
      %select_n3A_637 = arith.select %eq3A_635, %jit3A_636, %jit3A_633 : i32
      %rem3A_638 = arith.remsi %add3A_608, %select_n3A_637 : i32
      %ne3A_639 = arith.constant 0 : i32
      %ne3A_640 = arith.cmpi ne, %rem3A_638, %ne3A_639 : i32
      %lt3A_641 = arith.constant 0 : i32
      %lt3A_642 = arith.cmpi slt, %rem3A_638, %lt3A_641 : i32
      %lt3A_643 = arith.constant 0 : i32
      %lt3A_644 = arith.cmpi slt, %select_n3A_637, %lt3A_643 : i32
      %ne3A_645 = arith.xori %lt3A_642, %lt3A_644 : i1
      %and3A_646 = arith.andi %ne3A_645, %ne3A_640 : i1
      %add3A_647 = arith.addi %rem3A_638, %select_n3A_637 : i32
      %select_n3A_648 = arith.select %and3A_646, %add3A_647, %rem3A_638 : i32
      %mul3A_649 = arith.constant 4 : i32
      %mul3A_650 = arith.muli %add3A, %mul3A_649 : i32
      %add3A_651 = arith.addi %mul3A_650, %select_n3A_648 : i32
      %dma_start3A_652 = arith.constant 0 : i32
      %dma_start3A_653 = arith.constant 0 : i32
      %dma_start3A_654 = arith.constant 0 : i32
      %dma_start3A_655 = tpu.memref_slice %arg10[%dma_start3A_652, %dma_start3A_653, %dma_start3A_654] : memref<8x8x129xf32, #tpu.memory_space<vmem>> -> memref<8x8x128xf32, #tpu.memory_space<vmem>>
      %dma_start3A_656 = arith.constant 0 : i32
      %dma_start3A_657 = arith.constant 0 : i32
      %dma_start3A_658 = arith.constant 0 : i32
      %dma_start3A_659 = tpu.memref_slice %arg4[%select_n3A_632, %dma_start3A_656, %add3A_651, %dma_start3A_657, %dma_start3A_658] : memref<50x8x128x8x128xf32, #tpu.memory_space<hbm>> -> memref<1x8x1x8x128xf32, #tpu.memory_space<hbm>>
      %dma_start3A_660 = tpu.memref_squeeze %dma_start3A_659 : memref<1x8x1x8x128xf32, #tpu.memory_space<hbm>> -> memref<8x8x128xf32, #tpu.memory_space<hbm>>
      %dma_start3A_661 = arith.constant 0 : i32
      %dma_start3A_662 = arith.constant 0 : i32
      %dma_start3A_663 = arith.constant 0 : i32
      %dma_start3A_664 = tpu.memref_slice %arg4[%select_n3A_632, %dma_start3A_661, %add3A_651, %dma_start3A_662, %dma_start3A_663] : memref<50x8x128x8x128xf32, #tpu.memory_space<hbm>> -> memref<1x8x1x8x128xf32, #tpu.memory_space<hbm>>
      %dma_start3A_665 = tpu.memref_squeeze %dma_start3A_664 : memref<1x8x1x8x128xf32, #tpu.memory_space<hbm>> -> memref<8x8x128xf32, #tpu.memory_space<hbm>>
      %dma_start3A_666 = arith.constant 0 : i32
      %dma_start3A_667 = arith.constant 0 : i32
      %dma_start3A_668 = arith.constant 0 : i32
      %dma_start3A_669 = tpu.memref_slice %arg10[%dma_start3A_666, %dma_start3A_667, %dma_start3A_668] : memref<8x8x129xf32, #tpu.memory_space<vmem>> -> memref<8x8x128xf32, #tpu.memory_space<vmem>>
      tpu.enqueue_dma source(%dma_start3A_669 : memref<8x8x128xf32, #tpu.memory_space<vmem>>) target(%dma_start3A_665 : memref<8x8x128xf32, #tpu.memory_space<hbm>>) target_semaphore(%arg14 : memref<!tpu.dma_semaphore, #tpu.memory_space<semaphore_mem>>)
    }
    %scan3A_330 = arith.constant 99 : i32
    %dma_wait3A_331 = arith.constant 0 : i32
    %dma_wait3A_332 = arith.constant 0 : i32
    %dma_wait3A_333 = tpu.memref_slice %arg6[%dma_wait3A_331, %dma_wait3A_332] : memref<64x513xi32, #tpu.memory_space<vmem>> -> memref<1x128xi32, #tpu.memory_space<vmem>>
    %dma_wait3A_334 = tpu.memref_squeeze %dma_wait3A_333 : memref<1x128xi32, #tpu.memory_space<vmem>> -> memref<128xi32, #tpu.memory_space<vmem>>
    %dma_wait3A_335 = arith.constant 0 : i32
    %dma_wait3A_336 = arith.constant 0 : i32
    %dma_wait3A_337 = tpu.memref_slice %arg3[%dma_wait3A_335, %dma_wait3A_336] : memref<1000000x64xf32, #tpu.memory_space<hbm>> -> memref<1000000x64xf32, #tpu.memory_space<hbm>>
    tpu.wait_indirect_dma semaphore(%arg11 : memref<!tpu.dma_semaphore, #tpu.memory_space<semaphore_mem>>) src(%dma_wait3A_337 : memref<1000000x64xf32, #tpu.memory_space<hbm>>) dst(%arg7 : memref<128x64xf32, #tpu.memory_space<vmem>>)
    %dma_wait3A_338 = arith.constant 0 : i32
    %dma_wait3A_339 = arith.constant 0 : i32
    %dma_wait3A_340 = arith.constant 0 : i32
    %dma_wait3A_341 = arith.constant 0 : i32
    %dma_wait3A_342 = arith.constant 0 : i32
    %dma_wait3A_343 = tpu.memref_slice %arg9[%dma_wait3A_340, %dma_wait3A_341, %dma_wait3A_342] : memref<8x8x129xf32, #tpu.memory_space<vmem>> -> memref<8x8x128xf32, #tpu.memory_space<vmem>>
    %dma_wait3A_344 = arith.constant 0 : i32
    %dma_wait3A_345 = arith.constant 0 : i32
    %dma_wait3A_346 = arith.constant 0 : i32
    %dma_wait3A_347 = tpu.memref_slice %arg4[%dma_wait3A_338, %dma_wait3A_344, %dma_wait3A_339, %dma_wait3A_345, %dma_wait3A_346] : memref<50x8x128x8x128xf32, #tpu.memory_space<hbm>> -> memref<1x8x1x8x128xf32, #tpu.memory_space<hbm>>
    %dma_wait3A_348 = tpu.memref_squeeze %dma_wait3A_347 : memref<1x8x1x8x128xf32, #tpu.memory_space<hbm>> -> memref<8x8x128xf32, #tpu.memory_space<hbm>>
    %dma_wait3A_349 = arith.constant 0 : i32
    %dma_wait3A_350 = arith.constant 0 : i32
    %dma_wait3A_351 = arith.constant 0 : i32
    %dma_wait3A_352 = tpu.memref_slice %arg4[%dma_wait3A_338, %dma_wait3A_349, %dma_wait3A_339, %dma_wait3A_350, %dma_wait3A_351] : memref<50x8x128x8x128xf32, #tpu.memory_space<hbm>> -> memref<1x8x1x8x128xf32, #tpu.memory_space<hbm>>
    %dma_wait3A_353 = tpu.memref_squeeze %dma_wait3A_352 : memref<1x8x1x8x128xf32, #tpu.memory_space<hbm>> -> memref<8x8x128xf32, #tpu.memory_space<hbm>>
    %dma_wait3A_354 = arith.constant 0 : i32
    %dma_wait3A_355 = arith.constant 0 : i32
    %dma_wait3A_356 = arith.constant 0 : i32
    %dma_wait3A_357 = tpu.memref_slice %arg9[%dma_wait3A_354, %dma_wait3A_355, %dma_wait3A_356] : memref<8x8x129xf32, #tpu.memory_space<vmem>> -> memref<8x8x128xf32, #tpu.memory_space<vmem>>
    tpu.wait_dma2 semaphore(%arg13 : memref<!tpu.dma_semaphore, #tpu.memory_space<semaphore_mem>>) src(%dma_wait3A_357 : memref<8x8x128xf32, #tpu.memory_space<vmem>>) dst(%dma_wait3A_353 : memref<8x8x128xf32, #tpu.memory_space<hbm>>)
    %dma_wait3A_358 = arith.constant 0 : i32
    %dma_wait3A_359 = arith.constant 0 : i32
    %dma_wait3A_360 = arith.constant 0 : i32
    %dma_wait3A_361 = arith.constant 0 : i32
    %dma_wait3A_362 = arith.constant 0 : i32
    %dma_wait3A_363 = tpu.memref_slice %arg10[%dma_wait3A_360, %dma_wait3A_361, %dma_wait3A_362] : memref<8x8x129xf32, #tpu.memory_space<vmem>> -> memref<8x8x128xf32, #tpu.memory_space<vmem>>
    %dma_wait3A_364 = arith.constant 0 : i32
    %dma_wait3A_365 = arith.constant 0 : i32
    %dma_wait3A_366 = arith.constant 0 : i32
    %dma_wait3A_367 = tpu.memref_slice %arg4[%dma_wait3A_358, %dma_wait3A_364, %dma_wait3A_359, %dma_wait3A_365, %dma_wait3A_366] : memref<50x8x128x8x128xf32, #tpu.memory_space<hbm>> -> memref<1x8x1x8x128xf32, #tpu.memory_space<hbm>>
    %dma_wait3A_368 = tpu.memref_squeeze %dma_wait3A_367 : memref<1x8x1x8x128xf32, #tpu.memory_space<hbm>> -> memref<8x8x128xf32, #tpu.memory_space<hbm>>
    %dma_wait3A_369 = arith.constant 0 : i32
    %dma_wait3A_370 = arith.constant 0 : i32
    %dma_wait3A_371 = arith.constant 0 : i32
    %dma_wait3A_372 = tpu.memref_slice %arg4[%dma_wait3A_358, %dma_wait3A_369, %dma_wait3A_359, %dma_wait3A_370, %dma_wait3A_371] : memref<50x8x128x8x128xf32, #tpu.memory_space<hbm>> -> memref<1x8x1x8x128xf32, #tpu.memory_space<hbm>>
    %dma_wait3A_373 = tpu.memref_squeeze %dma_wait3A_372 : memref<1x8x1x8x128xf32, #tpu.memory_space<hbm>> -> memref<8x8x128xf32, #tpu.memory_space<hbm>>
    %dma_wait3A_374 = arith.constant 0 : i32
    %dma_wait3A_375 = arith.constant 0 : i32
    %dma_wait3A_376 = arith.constant 0 : i32
    %dma_wait3A_377 = tpu.memref_slice %arg10[%dma_wait3A_374, %dma_wait3A_375, %dma_wait3A_376] : memref<8x8x129xf32, #tpu.memory_space<vmem>> -> memref<8x8x128xf32, #tpu.memory_space<vmem>>
    tpu.wait_dma2 semaphore(%arg14 : memref<!tpu.dma_semaphore, #tpu.memory_space<semaphore_mem>>) src(%dma_wait3A_377 : memref<8x8x128xf32, #tpu.memory_space<vmem>>) dst(%dma_wait3A_373 : memref<8x8x128xf32, #tpu.memory_space<hbm>>)
    return
  }
}

</mosaic_0001>

<sc_bundles>
// kernel: kernel.3.cloned.1.call-start
scs
__scs_entry_jumppad:
0x0: {  	(pc) =	sbr.rel $0x88, $3  }
0x1: {  	(tag) =	ssettag $0x0;
	lr =	simm.s32 $0x1  }
0x2: {  	[smem:$0x3F9F] =	sst lr;
	_ =	strace $0xD0000000  }
0x3: {  	_ = 	snop  }
0x4: {  	_ = 	snop  }
0x5: {  	_ = 	snop  }
0x6: {  	_ = 	snop  }
0x7: {  	_ = 	snop  }
__scs_overlays_trampoline_lowered:
0x8: {  	[smem:$0x3FAE] =	sst s0  }
0x9: {  	[smem:$0x3FAF] =	sst s1  }
0xa: {  	[smem:$0x3FB0] =	sst s2  }
0xb: {  	[smem:$0x3FB1] =	sst s3  }
0xc: {  	[smem:$0x3FB2] =	sst s4  }
0xd: {  	[smem:$0x3FB3] =	sst s5  }
0xe: {  	[smem:$0x3FB4] =	sst s6  }
0xf: {  	[smem:$0x3FB5] =	sst s7  }
0x10: {  	[smem:$0x3FB6] =	sst s8  }
0x11: {  	[smem:$0x3FB7] =	sst s9;
	s0 =	simm.s32 @!p0 $0x0  }
0x12: {  	s1 =	sld [smem:$0x3F9D];
	s0 =	simm.s32 @p0 $0x1  }
0x13: {  	[smem:$0x3FB8] =	sst s0;
	s0 =	simm.s32 @!p1 $0x0  }
0x14: {  	s2 =	sld [smem:$0x3F9C];
	s0 =	simm.s32 @p1 $0x1  }
0x15: {  	[smem:$0x3FB9] =	sst s0;
	s0 =	simm.s32 @!p2 $0x0  }
0x16: {  	s3 =	sld [smem:$0x3FDB];
	s0 =	simm.s32 @p2 $0x1  }
0x17: {  	s4 =	simm.s32 $0x1BF5;
	[smem:$0x3FBB] =	sst s0  }
0x18: {  	s0 =	sld [smem:$0x3F9E];
	_ =	swait.ge [sflag:s4], $0x0  }
0x19: {  	s7 =	sld [smem:$0x3F9F]  }
0x1a: {  	s8 =	sadd.s32 $0xFFFFE003, lr  }
0x1b: {  	s9 =	sadd.s32 $0xFFFFFEF7, lr;
	s5 =	simm.s32 $0xFFFFFFFF;
	p2 =	slt.u32 s8, $0xFFFFF086  }
0x1c: {  	p1 =	slt.u32 s9, $0xF7A;
	s5 =	simm.s32 @!p2 $0x0  }
0x1d: {  	s5 =	simm.s32 @p1 $0x1;
	p0 =	seq.s32 s7, s2  }
0x1e: {  	s7 =	smul.u32 @!p0 $0xF7A, s2;
	p2 =	seq.s32 @!p0 s5, $0x0  }
0x1f: {  	s9 =	smul.u32 $0xF7A, s1;
	s8 =	simm.s32 @!p0 $0x1BF5;
	p2 =	por !p2, p0  }
0x20: {  	[sflag:s8] =	ssyncset.s32 @!p0 $0xFFFFF086;
	s6 =	sadd.s32 @!p0 s3, s7;
	s7 =	simm.s32 @!p0 $0x108  }
0x21: {  	s3 =	sadd.s32 s3, s9;
	s6 =	sadd.s32 @!p0 $0x88, s6;
	s7 =	simm.s32 @p2 $0x1082  }
0x22: {  	[simem:s7], [sflag:s8] =	dma.local @!p0 [hbm:s6], $0xF7A  }
0x23: {  	s9 =	sor.u32 $0xD0000000, s2;
	s6 =	simm.s32 $0x108;
	_ =	swait.ge @!p0 [sflag:s8], $0x0  }
0x24: {  	s3 =	sadd.s32 $0x88, s3;
	s6 =	simm.s32 @!p1 $0x1082;
	[sflag:s4] =	ssyncset.s32 $0xFFFFF086  }
0x25: {  	[simem:s6], [sflag:s4] =	dma.local [hbm:s3], $0xF7A  }
0x26: {  	[smem:$0x3F9F] =	sst s1;
	(tag) =	ssettag s2;
	_ =	strace s9  }
0x27: {  	s1 =	sld [smem:$0x3FAF]  }
0x28: {  	s2 =	sld [smem:$0x3FB0]  }
0x29: {  	s4 =	sld [smem:$0x3FB2]  }
0x2a: {  	p0 =	seq.s32 s5, $0x0;
	s5 =	sld [smem:$0x3FB3]  }
0x2b: {  	s6 =	sld [smem:$0x3FB4]  }
0x2c: {  	s7 =	sld [smem:$0x3FB5]  }
0x2d: {  	s3 =	simm.s32 $0x108;
	s8 =	sld [smem:$0x3FB6]  }
0x2e: {  	s3 =	simm.s32 @!p0 $0x1082;
	s9 =	sld [smem:$0x3FB7]  }
0x2f: {  	lr =	sadd.s32 s0, s3;
	s0 =	sld [smem:$0x3FAE]  }
0x30: {  	s3 =	sld [smem:$0x3FB1]  }
0x31: {  	[smem:$0x3FBA] =	sst s10  }
0x32: {  	s10 =	sld [smem:$0x3FB8];
	_ =	sdelay $0x3  }
0x33: {  	p0 =	seq.s32 s10, $0x1;
	s10 =	sld [smem:$0x3FBA];
	_ =	sdelay $0x3  }
0x34: {  	[smem:$0x3FBA] =	sst s10  }
0x35: {  	s10 =	sld [smem:$0x3FB9];
	_ =	sdelay $0x3  }
0x36: {  	p1 =	seq.s32 s10, $0x1;
	s10 =	sld [smem:$0x3FBA];
	_ =	sdelay $0x3  }
0x37: {  	[smem:$0x3FBA] =	sst s10  }
0x38: {  	s10 =	sld [smem:$0x3FBB]  }
0x39: {  	_ = 	snop;
	(pc) =	sbr.ind lr, $3  }
0x3a: {  	_ = 	snop  }
0x3b: {  	_ = 	snop  }
0x3c: {  	p2 =	seq.s32 s10, $0x1;
	s10 =	sld [smem:$0x3FBA]  }
0x3d: {  	_ =	shalt  }
0x3e: {  	_ =	shalt  }
0x3f: {  	_ =	shalt  }
0x40: {  	_ =	shalt  }
0x41: {  	_ =	shalt  }
0x42: {  	_ =	shalt  }
0x43: {  	_ =	shalt  }
0x44: {  	_ =	shalt  }
0x45: {  	_ =	shalt  }
0x46: {  	_ =	shalt  }
0x47: {  	_ =	shalt  }
0x48: {  	_ =	shalt  }
0x49: {  	_ =	shalt  }
0x4a: {  	_ =	shalt  }
0x4b: {  	_ =	shalt  }
0x4c: {  	_ =	shalt  }
0x4d: {  	_ =	shalt  }
0x4e: {  	_ =	shalt  }
0x4f: {  	_ =	shalt  }
0x50: {  	_ =	shalt  }
0x51: {  	_ =	shalt  }
0x52: {  	_ =	shalt  }
0x53: {  	_ =	shalt  }
0x54: {  	_ =	shalt  }
0x55: {  	_ =	shalt  }
0x56: {  	_ =	shalt  }
0x57: {  	_ =	shalt  }
0x58: {  	_ =	shalt  }
0x59: {  	_ =	shalt  }
0x5a: {  	_ =	shalt  }
0x5b: {  	_ =	shalt  }
0x5c: {  	_ =	shalt  }
0x5d: {  	_ =	shalt  }
0x5e: {  	_ =	shalt  }
0x5f: {  	_ =	shalt  }
0x60: {  	_ =	shalt  }
0x61: {  	_ =	shalt  }
0x62: {  	_ =	shalt  }
0x63: {  	_ =	shalt  }
0x64: {  	_ =	shalt  }
0x65: {  	_ =	shalt  }
0x66: {  	_ =	shalt  }
0x67: {  	_ =	shalt  }
0x68: {  	_ =	shalt  }
0x69: {  	_ =	shalt  }
0x6a: {  	_ =	shalt  }
0x6b: {  	_ =	shalt  }
0x6c: {  	_ =	shalt  }
0x6d: {  	_ =	shalt  }
0x6e: {  	_ =	shalt  }
0x6f: {  	_ =	shalt  }
0x70: {  	_ =	shalt  }
0x71: {  	_ =	shalt  }
0x72: {  	_ =	shalt  }
0x73: {  	_ =	shalt  }
0x74: {  	_ =	shalt  }
0x75: {  	_ =	shalt  }
0x76: {  	_ =	shalt  }
0x77: {  	_ =	shalt  }
0x78: {  	_ =	shalt  }
0x79: {  	_ =	shalt  }
0x7a: {  	_ =	shalt  }
0x7b: {  	_ =	shalt  }
0x7c: {  	_ =	shalt  }
0x7d: {  	_ =	shalt  }
0x7e: {  	_ =	shalt  }
0x7f: {  	_ =	shalt  }
0x80: {  	_ =	shalt  }
0x81: {  	_ =	shalt  }
0x82: {  	_ =	shalt  }
0x83: {  	_ =	shalt  }
0x84: {  	_ =	shalt  }
0x85: {  	_ =	shalt  }
0x86: {  	_ =	shalt  }
0x87: {  	_ =	shalt  }
.Lfunc_end0:
.L_simem_size_0:
called_computation_lowered:
.L_overlay_start_0:
0x88: {  	s2 =	sld [smem:$0x3FD9]  }
0x89: {  	s3 =	sld [smem:$0x3FFE];
	_ =	sdelay $0x1  }
0x8a: {  	s1 =	srdreg.scid  }
0x8b: {  	s0 =	sand.u32 $0x1, s1  }
0x8c: {  	s17 =	sshll.u32 s0, $0xA;
	s2 =	sadd.s32 s3, s2  }
0x8d: {  	s2 =	sadd.s32 s2, s17  }
0x8e: {  	[smem:$0x3FC6] =	sst s2  }
0x8f: {  	_ = 	snop  }
0x90: {  	s2 =	sld [smem:$0x3FD0];
	(tm) =	ssettm $0x1  }
0x91: {  	s18 =	sld [smem:$0x3FFB];
	_ =	sdelay $0x3  }
0x92: {  	_ =	strace s18  }
0x93: {  	s3 =	sld [smem:$0x3FFC];
	_ =	sdelay $0x3  }
0x94: {  	_ =	strace s3  }
0x95: {  	s3 =	sld [smem:$0x3FFD];
	_ =	sdelay $0x3  }
0x96: {  	_ =	strace s3  }
0x97: {  	_ =	strace $0x8FFFFFFF  }
0x98: {  	s19 =	sld [smem:$0x3FDB];
	_ =	sdelay $0x1  }
0x99: {  	s4 =	simm.s32 $_scs_section_size  }
0x9a: {  	s5 =	simm.s32 $_size__tile_overlayer_lowered;
	s6 =	simm.s32 $_tile_overlayer_lowered  }
0x9b: {  	s22 =	simm.s32 $0x1BFF;
	s21 =	sshll.u32 s6, $0x1;
	s3 =	sadd.s32 s4, s19  }
0x9c: {  	s7 =	simm.s32 $0x0;
	s20 =	sshll.u32 s5, $0x1;
	s5 =	sadd.s32 s21, s3  }
0x9d: {  	[timem:s7], [sflag:s22] =	dma.local [hbm:s5], s20  }
0x9e: {  	_ =	swait.ge [sflag:s22], s20  }
0x9f: {  	s4 =	ssub.s32 $0x0, s20;
	[sflag:s22] =	ssyncset.done $0x0  }
0xa0: {  	[sflag:s22] =	ssyncadd.s32 s4;
	_ =	sdelay $0x1  }
0xa1: {  	s23 =	simm.s32 $0x1B8B  }
0xa2: {  	_ =	swait.ge [sflag:s23], $0x1  }
0xa3: {  	[sflag:s23] =	ssyncset.done $0x0  }
0xa4: {  	s25 =	simm.s32 $0x1B8E;
	s24 =	sld [smem:$0x3FFE];
	[sflag:s23] =	ssyncadd.s32 $0xFFFFFFFF  }
0xa5: {  	s26 =	simm.s32 $execute0_lowered;
	[smem:$0x3FD2] =	sst s25  }
0xa6: {  	s5 =	sshll.u32 s26, $0x1;
	_ =	strace $0x80000046;
	[dreg:$0x1] =	wrdreg $0xFFFFFFFF  }
0xa7: {  	s28 =	simm.s32 $_size_execute0_lowered;
	s3 =	sadd.s32 s3, s5;
	[dreg:$0x0] =	wrdreg $0x0  }
0xa8: {  	s5 =	sshll.u32 s28, $0x1;
	[dreg:$0x2] =	wrdreg s3  }
0xa9: {  	[dreg:$0x3] =	wrdreg s5  }
0xaa: {  	[dreg:$0x4] =	wrdreg $0xC0  }
0xab: {  	_ =	task [dreg:s7], $0x5FFFF  }
0xac: {  	[dreg:$0x1] =	wrdreg $0xFFFFFFFF  }
0xad: {  	[dreg:$0x0] =	wrdreg $0x60  }
0xae: {  	[dreg:$0x2] =	wrdreg s24  }
0xaf: {  	[dreg:$0x3] =	wrdreg s2  }
0xb0: {  	[dreg:$0x4] =	wrdreg $0x9  }
0xb1: {  	_ =	task.clear_ibuf [dreg:s7], $0x5FFFF;
	_ =	strace $0x90000046  }
0xb2: {  	s29 =	simm.s32 $0x9;
	_ =	strace $0x80000048  }
0xb3: {  	_ =	swait.ge [sflag:s29], $0x1  }
0xb4: {  	[sflag:s29] =	ssyncadd.s32 $0xFFFFFFFF  }
0xb5: {  	_ =	strace $0x90000048  }
0xb6: {  	_ =	sfence  }
0xb7: {  	s30 =	sld [smem:$0x0];
	_ =	sdelay $0x2  }
0xb8: {  	s31 =	sshll.u32 s1, $0xD;
	s1 =	sshrl.u32 s1, $0x2  }
0xb9: {  	s3 =	sand.u32 $0x4000, s31;
	s1 =	sadd.s32 s1, s30  }
0xba: {  	s0 =	sor.u32 s3, s0;
	s1 =	sshll.u32 s1, $0x11  }
0xbb: {  	s0 =	sor.u32 s1, s0  }
0xbc: {  	s0 =	sadd.s32 $0x8F2B, s0  }
0xbd: {  	[sflag:s0] =	ssyncadd.remote.s32 $0x1  }
0xbe: {  	_ =	sfence.sel $0xFFFF  }
0xbf: {  	[dreg:$0x0] =	wrdreg $0xFFFFFFFF;
	(pc) =	sbr.abs _section_cstart, $3  }
0xc0: {  	[dreg:$0x1] =	wrdreg $0xFFFFFFFF  }
0xc1: {  	_ =	task.clear_ibuf [dreg:s7], $0x2FFFF;
	_ =	strace $0x9FFFFFFF  }
0xc2: {  	(tm) =	ssettm $0x7FFFFFFF  }
0xc3: {  	_ =	shalt  }
tec
execute0_lowered:
.L_overlay_start_1:
0x0: {  	(tag) =	ssettag $0x1  }
0x1: {  	v2 =	vlaneseq.u32  }
0x2: {  	v0 =	vmul.u32 $0x208, v2  }
0x3: {  	v5 =	vimm.s32 $0x0;
	vm0 =	vcmask $0x300;
	v2 =	vmul.u32 $0x88, v2  }
0x4: {  	s0 =	rddreg [dreg:$0x0];
	s1 =	srdreg.scid;
	v5 =	vsel vm0, $0x3, v5;
	v1 =	vadd.s32 $0x2080, v0  }
0x5: {  	s3 =	stileid.u32;
	s2 =	rddreg [dreg:$0x1];
	s10 =	simm.s32 $0x5;
	v3 =	vadd.s32 $0x4100, v0;
	v4 =	vadd.s32 $0x4510, v0;
	v6 =	vadd.s32 $0x880, v2  }
0x6: {  	s11 =	simm.s32 $0x7000;
	s12 =	simm.s32 $0x80;
	s13 =	simm.s32 $0xF200;
	v7 =	vadd.s32 $0x1100, v2;
	v8 =	vadd.s32 $0x1980, v2;
	v9 =	vor.u32 $0x1, v2  }
0x7: {  	s14 =	simm.s32 $0x1;
	s16 =	simm.s32 $0x11200;
	s17 =	simm.s32 $0x13200;
	v10 =	vadd.s32 $0x881, v2;
	v11 =	vadd.s32 $0x1101, v2;
	v12 =	vadd.s32 $0x1981, v2  }
0x8: {  	s18 =	simm.s32 $0x2;
	s19 =	simm.s32 $0x7100;
	s20 =	simm.s32 $0x15400;
	v13 =	vor.u32 $0x2, v2;
	v14 =	vadd.s32 $0x882, v2;
	v15 =	vadd.s32 $0x1102, v2  }
0x9: {  	s21 =	simm.s32 $0x3;
	s22 =	simm.s32 $0x4;
	s23 =	simm.s32 $0x0;
	v16 =	vadd.s32 $0x1982, v2;
	v17 =	vor.u32 $0x3, v2;
	v18 =	vadd.s32 $0x883, v2  }
0xa: {  	s1 =	sand.u32 $0x1, s1;
	s4 =	sshll.u32 s3, $0x1;
	s3 =	simm.s32 $0x0;
	v19 =	vadd.s32 $0x1103, v2;
	v20 =	vadd.s32 $0x1983, v2;
	v21 =	vor.u32 $0x4, v2  }
0xb: {  	s7 =	sor.u32 s1, s4;
	[smem:$0x7FF] =	sst s3;
	s1 =	ssub.s32 $0x2, s1;
	v22 =	vadd.s32 $0x884, v2;
	v23 =	vadd.s32 $0x1104, v2;
	v24 =	vadd.s32 $0x1984, v2  }
0xc: {  	s4 =	smul.u32 $0xE00, s7;
	_ =	strace $0x80000047;
	s5 =	sshrl.u32 s1, $0x1;
	v25 =	vor.u32 $0x5, v2;
	v26 =	vadd.s32 $0x885, v2;
	v27 =	vadd.s32 $0x1105, v2  }
0xd: {  	s8 =	sshll.u32 s7, $0x9;
	s7 =	sshll.u32 s7, $0x2;
	v28 =	vadd.s32 $0x1985, v2;
	v29 =	vor.u32 $0x6, v2;
	v30 =	vadd.s32 $0x886, v2;
	s31 =	ssub.s32 s1, s5  }
0xe: {  	v31 =	vadd.s32 $0x1106, v2;
	v32 =	vadd.s32 $0x1986, v2;
	v33 =	vor.u32 $0x7, v2;
	s5 =	sadd.s32 s2, s8;
	s6 =	sadd.s32 s4, s0;
	s4 =	sadd.s32 $0xF42A00, s0  }
0xf: {  	v34 =	vadd.s32 $0x887, v2;
	v35 =	vadd.s32 $0x1107, v2;
	v36 =	vadd.s32 $0x1987, v2;
	s8 =	sadd.s32 $0x80, s5;
	s9 =	smax.u32 s31, $0x1;
	s6 =	sadd.s32 $0x600, s6  }
.LBB2_1:
0x10: {  	[tilespmem:s3], [sflag:$0x5] =	stream.linear.gather [hbm4b:s6+s3], $0x7000, $0x38;
	[tilespmem:$0x17600] =	vst v63  }
0x11: {  	_ =	swait.ge [sflag:s10], $0x7000  }
0x12: {  	v37 =	vmov s3;
	[sflag:s10] =	ssyncset.done $0x0  }
0x13: {  	s1 =	simm.s32 $0x20;
	v38 =	vand.u32 $0x1FF, v37;
	[sflag:s10] =	ssyncadd.s32 $0xFFFF9000  }
0x14: {  	v39 =	vadd.s32 v0, v38;
	v61 =	vld [tilespmem:s1+$0xFFFFFFE0];
	_ =	sdelay $0x4  }
0x15: {  	[tilespmem:v39+s11+$0x0] =	vst.idx.msk $0xffff, v61  }
0x16: {  	v62 =	vadd.s32 v1, v38;
	v37 =	vld [tilespmem:s1+$0xFFFFFFF0];
	_ =	sdelay $0x4  }
0x17: {  	[tilespmem:v62+s11+$0x0] =	vst.idx.msk $0xffff, v37  }
0x18: {  	v63 =	vadd.s32 v3, v38;
	v37 =	vld [tilespmem:s1+$0x0];
	_ =	sdelay $0x4  }
0x19: {  	[tilespmem:v63+s11+$0x0] =	vst.idx.msk $0xffff, v37  }
0x1a: {  	v38 =	vadd.s32 v4, v38;
	v37 =	vld [tilespmem:s1+$0x2];
	_ =	sdelay $0x2  }
0x1b: {  	s0 =	simm.s32 $0x1  }
0x1c: {  	s24 =	simm.s32 $0x2;
	v39 =	vmov s0  }
.LBB2_2:
0x1d: {  	p0 =	sne.s32 s24, $0x1FF;
	v39 =	vand.u32 $0x1FF, v39;
	[tilespmem:v38+s11+$0x0] =	vst.idx.msk $0xffff, v37;
	s1 =	sadd.s32 $0x38, s1  }
0x1e: {  	v37 =	vld [tilespmem:s1+$0xFFFFFFE0];
	v38 =	vadd.s32 v0, v39;
	_ =	sdelay $0x4  }
0x1f: {  	[tilespmem:v38+s11+$0x0] =	vst.idx.msk $0xffff, v37  }
0x20: {  	v38 =	vadd.s32 v1, v39;
	v37 =	vld [tilespmem:s1+$0xFFFFFFF0];
	_ =	sdelay $0x4  }
0x21: {  	[tilespmem:v38+s11+$0x0] =	vst.idx.msk $0xffff, v37  }
0x22: {  	v38 =	vadd.s32 v3, v39;
	v37 =	vld [tilespmem:s1+$0x0];
	_ =	sdelay $0x4  }
0x23: {  	[tilespmem:v38+s11+$0x0] =	vst.idx.msk $0xffff, v37  }
.Ltmp0:
0x24: {  	v38 =	vadd.s32 v4, v39;
	v37 =	vld [tilespmem:s1+$0x2];
	(pc) =	sbr.rel @p0 .LBB2_2-.Ltmp0, $2  }
0x25: {  	_ =	sdelay $0x2  }
0x26: {  	v39 =	vmov s24;
	s24 =	sadd.s32 $0x1, s24  }
0x27: {  	_ =	sdelay $0x3  }
0x28: {  	v39 =	vand.u32 $0x1FF, v39;
	[tilespmem:v38+s11+$0x0] =	vst.idx.msk $0xffff, v37;
	s0 =	sadd.s32 $0x38, s1  }
0x29: {  	v37 =	vld [tilespmem:s0+$0xFFFFFFE0];
	v44 =	vadd.s32 v0, v39;
	_ =	sdelay $0x4  }
0x2a: {  	[tilespmem:v44+s11+$0x0] =	vst.idx.msk $0xffff, v37  }
0x2b: {  	v45 =	vadd.s32 v1, v39;
	v37 =	vld [tilespmem:s0+$0xFFFFFFF0];
	_ =	sdelay $0x4  }
0x2c: {  	[tilespmem:v45+s11+$0x0] =	vst.idx.msk $0xffff, v37  }
0x2d: {  	v46 =	vadd.s32 v3, v39;
	v37 =	vld [tilespmem:s0+$0x0];
	_ =	sdelay $0x4  }
0x2e: {  	[tilespmem:v46+s11+$0x0] =	vst.idx.msk $0xffff, v37  }
0x2f: {  	v47 =	vadd.s32 v4, v39;
	v37 =	vld [tilespmem:s0+$0x2];
	_ =	sdelay $0x4  }
0x30: {  	s31 =	simm.s32 $0x0;
	[tilespmem:v47+s11+$0x0] =	vst.idx.msk $0xffff, v37  }
0x31: {  	v48 =	vmov s31;
	[tilespmem:s13], [sflag:$0x1] =	stream.indirect.gather [hbm4b:s4+s12], $0x40, s11, s12, $0xb8;
	[tilespmem:$0x17600] =	vst v63  }
0x32: {  	v37 =	vshrl.u32 v48, $0x3;
	_ =	swait.ge [sflag:s14], $0x2000  }
0x33: {  	v37 =	vshll.u32 v37, v5;
	[sflag:s14] =	ssyncset.done $0x0  }
0x34: {  	s1 =	simm.s32 $0x7080;
	s24 =	simm.s32 $0xF300;
	v37 =	vbroadcast v37, $0x0;
	[sflag:s14] =	ssyncadd.s32 $0xFFFFE000  }
0x35: {  	[tilespmem:s16], [sflag:$0x2] =	stream.indirect.gather [hbm4b:s4+s12], $0x40, s1, s12, $0xb8;
	[tilespmem:$0x17600] =	vst v63  }
0x36: {  	v50 =	vadd.s32 v2, v37;
	v49 =	vld [tilespmem:s24+$0xFFFFFF00];
	_ =	sdelay $0x4  }
0x37: {  	[tilespmem:v50+s17+$0x0] =	vst.idx.msk $0xffff, v49  }
0x38: {  	v51 =	vadd.s32 v6, v37;
	v38 =	vld [tilespmem:s24+$0xFFFFFF10];
	_ =	sdelay $0x4  }
0x39: {  	[tilespmem:v51+s17+$0x0] =	vst.idx.msk $0xffff, v38  }
0x3a: {  	v52 =	vadd.s32 v7, v37;
	v38 =	vld [tilespmem:s24+$0xFFFFFF20];
	_ =	sdelay $0x4  }
0x3b: {  	[tilespmem:v52+s17+$0x0] =	vst.idx.msk $0xffff, v38  }
0x3c: {  	s15 =	simm.s32 $0x1;
	v37 =	vadd.s32 v8, v37;
	v38 =	vld [tilespmem:s24+$0xFFFFFF30]  }
0x3d: {  	v53 =	vmov s15  }
0x3e: {  	v39 =	vshrl.u32 v53, $0x3  }
0x3f: {  	v39 =	vshll.u32 v39, v5  }
0x40: {  	v39 =	vbroadcast v39, $0x0  }
0x41: {  	[tilespmem:v37+s17+$0x0] =	vst.idx.msk $0xffff, v38  }
0x42: {  	v54 =	vadd.s32 v9, v39;
	v37 =	vld [tilespmem:s24+$0xFFFFFF40];
	_ =	sdelay $0x4  }
0x43: {  	[tilespmem:v54+s17+$0x0] =	vst.idx.msk $0xffff, v37  }
0x44: {  	v55 =	vadd.s32 v10, v39;
	v37 =	vld [tilespmem:s24+$0xFFFFFF50];
	_ =	sdelay $0x4  }
0x45: {  	[tilespmem:v55+s17+$0x0] =	vst.idx.msk $0xffff, v37  }
0x46: {  	v56 =	vadd.s32 v11, v39;
	v37 =	vld [tilespmem:s24+$0xFFFFFF60];
	_ =	sdelay $0x4  }
0x47: {  	[tilespmem:v56+s17+$0x0] =	vst.idx.msk $0xffff, v37  }
0x48: {  	s25 =	simm.s32 $0x2;
	v57 =	vadd.s32 v12, v39;
	v37 =	vld [tilespmem:s24+$0xFFFFFF70]  }
0x49: {  	v58 =	vmov s25  }
0x4a: {  	v39 =	vshrl.u32 v58, $0x3  }
0x4b: {  	v39 =	vshll.u32 v39, v5  }
0x4c: {  	v39 =	vbroadcast v39, $0x0  }
0x4d: {  	[tilespmem:v57+s17+$0x0] =	vst.idx.msk $0xffff, v37  }
0x4e: {  	v59 =	vadd.s32 v13, v39;
	v37 =	vld [tilespmem:s24+$0xFFFFFF80];
	_ =	sdelay $0x4  }
0x4f: {  	[tilespmem:v59+s17+$0x0] =	vst.idx.msk $0xffff, v37  }
0x50: {  	v60 =	vadd.s32 v14, v39;
	v37 =	vld [tilespmem:s24+$0xFFFFFF90];
	_ =	sdelay $0x4  }
0x51: {  	[tilespmem:v60+s17+$0x0] =	vst.idx.msk $0xffff, v37  }
0x52: {  	v61 =	vadd.s32 v15, v39;
	v37 =	vld [tilespmem:s24+$0xFFFFFFA0];
	_ =	sdelay $0x4  }
0x53: {  	[tilespmem:v61+s17+$0x0] =	vst.idx.msk $0xffff, v37  }
0x54: {  	s26 =	simm.s32 $0x3;
	v62 =	vadd.s32 v16, v39;
	v37 =	vld [tilespmem:s24+$0xFFFFFFB0]  }
0x55: {  	v63 =	vmov s26  }
0x56: {  	v39 =	vshrl.u32 v63, $0x3  }
0x57: {  	v39 =	vshll.u32 v39, v5  }
0x58: {  	v39 =	vbroadcast v39, $0x0  }
0x59: {  	[tilespmem:v62+s17+$0x0] =	vst.idx.msk $0xffff, v37  }
0x5a: {  	v41 =	vadd.s32 v17, v39;
	v37 =	vld [tilespmem:s24+$0xFFFFFFC0];
	_ =	sdelay $0x4  }
0x5b: {  	[tilespmem:v41+s17+$0x0] =	vst.idx.msk $0xffff, v37  }
0x5c: {  	v42 =	vadd.s32 v18, v39;
	v37 =	vld [tilespmem:s24+$0xFFFFFFD0];
	_ =	sdelay $0x4  }
0x5d: {  	[tilespmem:v42+s17+$0x0] =	vst.idx.msk $0xffff, v37  }
0x5e: {  	v43 =	vadd.s32 v19, v39;
	v37 =	vld [tilespmem:s24+$0xFFFFFFE0];
	_ =	sdelay $0x4  }
0x5f: {  	[tilespmem:v43+s17+$0x0] =	vst.idx.msk $0xffff, v37  }
0x60: {  	s28 =	simm.s32 $0x4;
	v44 =	vadd.s32 v20, v39;
	v37 =	vld [tilespmem:s24+$0xFFFFFFF0]  }
0x61: {  	v45 =	vmov s28  }
0x62: {  	v39 =	vshrl.u32 v45, $0x3  }
0x63: {  	v39 =	vshll.u32 v39, v5  }
0x64: {  	v39 =	vbroadcast v39, $0x0  }
0x65: {  	[tilespmem:v44+s17+$0x0] =	vst.idx.msk $0xffff, v37  }
0x66: {  	v46 =	vadd.s32 v21, v39;
	v37 =	vld [tilespmem:s24+$0x0];
	_ =	sdelay $0x4  }
0x67: {  	[tilespmem:v46+s17+$0x0] =	vst.idx.msk $0xffff, v37  }
0x68: {  	v47 =	vadd.s32 v22, v39;
	v37 =	vld [tilespmem:s24+$0x10];
	_ =	sdelay $0x4  }
0x69: {  	[tilespmem:v47+s17+$0x0] =	vst.idx.msk $0xffff, v37  }
0x6a: {  	v48 =	vadd.s32 v23, v39;
	v37 =	vld [tilespmem:s24+$0x20];
	_ =	sdelay $0x4  }
0x6b: {  	[tilespmem:v48+s17+$0x0] =	vst.idx.msk $0xffff, v37  }
0x6c: {  	s29 =	simm.s32 $0x5;
	v49 =	vadd.s32 v24, v39;
	v37 =	vld [tilespmem:s24+$0x30]  }
0x6d: {  	v50 =	vmov s29  }
0x6e: {  	v39 =	vshrl.u32 v50, $0x3  }
0x6f: {  	v39 =	vshll.u32 v39, v5  }
0x70: {  	v39 =	vbroadcast v39, $0x0  }
0x71: {  	[tilespmem:v49+s17+$0x0] =	vst.idx.msk $0xffff, v37  }
0x72: {  	v51 =	vadd.s32 v25, v39;
	v37 =	vld [tilespmem:s24+$0x40];
	_ =	sdelay $0x4  }
0x73: {  	[tilespmem:v51+s17+$0x0] =	vst.idx.msk $0xffff, v37  }
0x74: {  	v52 =	vadd.s32 v26, v39;
	v37 =	vld [tilespmem:s24+$0x50];
	_ =	sdelay $0x4  }
0x75: {  	[tilespmem:v52+s17+$0x0] =	vst.idx.msk $0xffff, v37  }
0x76: {  	v53 =	vadd.s32 v27, v39;
	v37 =	vld [tilespmem:s24+$0x60];
	_ =	sdelay $0x4  }
0x77: {  	[tilespmem:v53+s17+$0x0] =	vst.idx.msk $0xffff, v37  }
0x78: {  	s30 =	simm.s32 $0x6;
	v54 =	vadd.s32 v28, v39;
	v37 =	vld [tilespmem:s24+$0x70]  }
0x79: {  	v55 =	vmov s30  }
0x7a: {  	v39 =	vshrl.u32 v55, $0x3  }
0x7b: {  	v39 =	vshll.u32 v39, v5  }
0x7c: {  	v39 =	vbroadcast v39, $0x0  }
0x7d: {  	[tilespmem:v54+s17+$0x0] =	vst.idx.msk $0xffff, v37  }
0x7e: {  	v56 =	vadd.s32 v29, v39;
	v37 =	vld [tilespmem:s24+$0x80];
	_ =	sdelay $0x4  }
0x7f: {  	[tilespmem:v56+s17+$0x0] =	vst.idx.msk $0xffff, v37  }
0x80: {  	v57 =	vadd.s32 v30, v39;
	v37 =	vld [tilespmem:s24+$0x90];
	_ =	sdelay $0x4  }
0x81: {  	[tilespmem:v57+s17+$0x0] =	vst.idx.msk $0xffff, v37  }
0x82: {  	v58 =	vadd.s32 v31, v39;
	v37 =	vld [tilespmem:s24+$0xA0];
	_ =	sdelay $0x4  }
0x83: {  	[tilespmem:v58+s17+$0x0] =	vst.idx.msk $0xffff, v37  }
0x84: {  	s31 =	simm.s32 $0x7;
	v59 =	vadd.s32 v32, v39;
	v37 =	vld [tilespmem:s24+$0xB0]  }
0x85: {  	v60 =	vmov s31  }
0x86: {  	v39 =	vshrl.u32 v60, $0x3  }
0x87: {  	v39 =	vshll.u32 v39, v5  }
0x88: {  	v39 =	vbroadcast v39, $0x0  }
0x89: {  	[tilespmem:v59+s17+$0x0] =	vst.idx.msk $0xffff, v37  }
0x8a: {  	v61 =	vadd.s32 v33, v39;
	v37 =	vld [tilespmem:s24+$0xC0];
	_ =	sdelay $0x4  }
0x8b: {  	[tilespmem:v61+s17+$0x0] =	vst.idx.msk $0xffff, v37  }
0x8c: {  	v62 =	vadd.s32 v34, v39;
	v37 =	vld [tilespmem:s24+$0xD0];
	_ =	sdelay $0x4  }
0x8d: {  	[tilespmem:v62+s17+$0x0] =	vst.idx.msk $0xffff, v37  }
0x8e: {  	v63 =	vadd.s32 v35, v39;
	v37 =	vld [tilespmem:s24+$0xE0];
	_ =	sdelay $0x4  }
0x8f: {  	[tilespmem:v63+s17+$0x0] =	vst.idx.msk $0xffff, v37  }
0x90: {  	s25 =	simm.s32 $0xF;
	s26 =	simm.s32 $0x17;
	s1 =	simm.s32 $0x8;
	v38 =	vadd.s32 v36, v39;
	v37 =	vld [tilespmem:s24+$0xF0]  }
.LBB2_4:
0x91: {  	p0 =	sne.s32 s26, $0x7F;
	v39 =	vmov s1  }
0x92: {  	v39 =	vshrl.u32 v39, $0x3  }
0x93: {  	v39 =	vshll.u32 v39, v5  }
0x94: {  	v39 =	vbroadcast v39, $0x0  }
0x95: {  	s24 =	sadd.s32 $0x200, s24;
	[tilespmem:v38+s17+$0x0] =	vst.idx.msk $0xffff, v37  }
0x96: {  	v37 =	vld [tilespmem:s24+$0xFFFFFF00];
	v38 =	vadd.s32 v2, v39;
	_ =	sdelay $0x4  }
0x97: {  	[tilespmem:v38+s17+$0x0] =	vst.idx.msk $0xffff, v37  }
0x98: {  	v38 =	vadd.s32 v6, v39;
	v37 =	vld [tilespmem:s24+$0xFFFFFF10];
	_ =	sdelay $0x4  }
0x99: {  	[tilespmem:v38+s17+$0x0] =	vst.idx.msk $0xffff, v37  }
0x9a: {  	v38 =	vadd.s32 v7, v39;
	v37 =	vld [tilespmem:s24+$0xFFFFFF20];
	_ =	sdelay $0x4  }
0x9b: {  	[tilespmem:v38+s17+$0x0] =	vst.idx.msk $0xffff, v37  }
0x9c: {  	s0 =	sadd.s32 $0xFFFFFFFA, s25;
	v38 =	vadd.s32 v8, v39;
	v37 =	vld [tilespmem:s24+$0xFFFFFF30]  }
0x9d: {  	v39 =	vmov s0  }
0x9e: {  	v39 =	vshrl.u32 v39, $0x3  }
0x9f: {  	v39 =	vshll.u32 v39, v5  }
0xa0: {  	v39 =	vbroadcast v39, $0x0  }
0xa1: {  	[tilespmem:v38+s17+$0x0] =	vst.idx.msk $0xffff, v37  }
0xa2: {  	v38 =	vadd.s32 v9, v39;
	v37 =	vld [tilespmem:s24+$0xFFFFFF40];
	_ =	sdelay $0x4  }
0xa3: {  	[tilespmem:v38+s17+$0x0] =	vst.idx.msk $0xffff, v37  }
0xa4: {  	v38 =	vadd.s32 v10, v39;
	v37 =	vld [tilespmem:s24+$0xFFFFFF50];
	_ =	sdelay $0x4  }
0xa5: {  	[tilespmem:v38+s17+$0x0] =	vst.idx.msk $0xffff, v37  }
0xa6: {  	v38 =	vadd.s32 v11, v39;
	v37 =	vld [tilespmem:s24+$0xFFFFFF60];
	_ =	sdelay $0x4  }
0xa7: {  	[tilespmem:v38+s17+$0x0] =	vst.idx.msk $0xffff, v37  }
0xa8: {  	s0 =	sadd.s32 $0xFFFFFFFB, s25;
	v38 =	vadd.s32 v12, v39;
	v37 =	vld [tilespmem:s24+$0xFFFFFF70]  }
0xa9: {  	v39 =	vmov s0  }
0xaa: {  	v39 =	vshrl.u32 v39, $0x3  }
0xab: {  	v39 =	vshll.u32 v39, v5  }
0xac: {  	v39 =	vbroadcast v39, $0x0  }
0xad: {  	[tilespmem:v38+s17+$0x0] =	vst.idx.msk $0xffff, v37  }
0xae: {  	v38 =	vadd.s32 v13, v39;
	v37 =	vld [tilespmem:s24+$0xFFFFFF80];
	_ =	sdelay $0x4  }
0xaf: {  	[tilespmem:v38+s17+$0x0] =	vst.idx.msk $0xffff, v37  }
0xb0: {  	v38 =	vadd.s32 v14, v39;
	v37 =	vld [tilespmem:s24+$0xFFFFFF90];
	_ =	sdelay $0x4  }
0xb1: {  	[tilespmem:v38+s17+$0x0] =	vst.idx.msk $0xffff, v37  }
0xb2: {  	v38 =	vadd.s32 v15, v39;
	v37 =	vld [tilespmem:s24+$0xFFFFFFA0];
	_ =	sdelay $0x4  }
0xb3: {  	[tilespmem:v38+s17+$0x0] =	vst.idx.msk $0xffff, v37  }
0xb4: {  	s0 =	sadd.s32 $0xFFFFFFFC, s25;
	v38 =	vadd.s32 v16, v39;
	v37 =	vld [tilespmem:s24+$0xFFFFFFB0]  }
0xb5: {  	v39 =	vmov s0  }
0xb6: {  	v39 =	vshrl.u32 v39, $0x3  }
0xb7: {  	v39 =	vshll.u32 v39, v5  }
0xb8: {  	v39 =	vbroadcast v39, $0x0  }
0xb9: {  	[tilespmem:v38+s17+$0x0] =	vst.idx.msk $0xffff, v37  }
0xba: {  	v38 =	vadd.s32 v17, v39;
	v37 =	vld [tilespmem:s24+$0xFFFFFFC0];
	_ =	sdelay $0x4  }
0xbb: {  	[tilespmem:v38+s17+$0x0] =	vst.idx.msk $0xffff, v37  }
0xbc: {  	v38 =	vadd.s32 v18, v39;
	v37 =	vld [tilespmem:s24+$0xFFFFFFD0];
	_ =	sdelay $0x4  }
0xbd: {  	[tilespmem:v38+s17+$0x0] =	vst.idx.msk $0xffff, v37  }
0xbe: {  	v38 =	vadd.s32 v19, v39;
	v37 =	vld [tilespmem:s24+$0xFFFFFFE0];
	_ =	sdelay $0x4  }
0xbf: {  	[tilespmem:v38+s17+$0x0] =	vst.idx.msk $0xffff, v37  }
0xc0: {  	s0 =	sadd.s32 $0xFFFFFFFD, s25;
	v38 =	vadd.s32 v20, v39;
	v37 =	vld [tilespmem:s24+$0xFFFFFFF0]  }
0xc1: {  	v39 =	vmov s0  }
0xc2: {  	v39 =	vshrl.u32 v39, $0x3  }
0xc3: {  	v39 =	vshll.u32 v39, v5  }
0xc4: {  	v39 =	vbroadcast v39, $0x0  }
0xc5: {  	[tilespmem:v38+s17+$0x0] =	vst.idx.msk $0xffff, v37  }
0xc6: {  	v38 =	vadd.s32 v21, v39;
	v37 =	vld [tilespmem:s24+$0x0];
	_ =	sdelay $0x4  }
0xc7: {  	[tilespmem:v38+s17+$0x0] =	vst.idx.msk $0xffff, v37  }
0xc8: {  	v38 =	vadd.s32 v22, v39;
	v37 =	vld [tilespmem:s24+$0x10];
	_ =	sdelay $0x4  }
0xc9: {  	[tilespmem:v38+s17+$0x0] =	vst.idx.msk $0xffff, v37  }
0xca: {  	v38 =	vadd.s32 v23, v39;
	v37 =	vld [tilespmem:s24+$0x20];
	_ =	sdelay $0x4  }
0xcb: {  	[tilespmem:v38+s17+$0x0] =	vst.idx.msk $0xffff, v37  }
0xcc: {  	s0 =	sadd.s32 $0xFFFFFFFE, s25;
	v38 =	vadd.s32 v24, v39;
	v37 =	vld [tilespmem:s24+$0x30]  }
0xcd: {  	v39 =	vmov s0  }
0xce: {  	v39 =	vshrl.u32 v39, $0x3  }
0xcf: {  	v39 =	vshll.u32 v39, v5  }
0xd0: {  	v39 =	vbroadcast v39, $0x0  }
0xd1: {  	[tilespmem:v38+s17+$0x0] =	vst.idx.msk $0xffff, v37  }
0xd2: {  	v38 =	vadd.s32 v25, v39;
	v37 =	vld [tilespmem:s24+$0x40];
	_ =	sdelay $0x4  }
0xd3: {  	[tilespmem:v38+s17+$0x0] =	vst.idx.msk $0xffff, v37  }
0xd4: {  	v38 =	vadd.s32 v26, v39;
	v37 =	vld [tilespmem:s24+$0x50];
	_ =	sdelay $0x4  }
0xd5: {  	[tilespmem:v38+s17+$0x0] =	vst.idx.msk $0xffff, v37  }
0xd6: {  	v38 =	vadd.s32 v27, v39;
	v37 =	vld [tilespmem:s24+$0x60];
	_ =	sdelay $0x4  }
0xd7: {  	[tilespmem:v38+s17+$0x0] =	vst.idx.msk $0xffff, v37  }
0xd8: {  	s0 =	sadd.s32 $0xFFFFFFFF, s25;
	v38 =	vadd.s32 v28, v39;
	v37 =	vld [tilespmem:s24+$0x70]  }
0xd9: {  	v39 =	vmov s0  }
0xda: {  	v39 =	vshrl.u32 v39, $0x3  }
0xdb: {  	v39 =	vshll.u32 v39, v5  }
0xdc: {  	v39 =	vbroadcast v39, $0x0  }
0xdd: {  	[tilespmem:v38+s17+$0x0] =	vst.idx.msk $0xffff, v37  }
0xde: {  	v38 =	vadd.s32 v29, v39;
	v37 =	vld [tilespmem:s24+$0x80];
	_ =	sdelay $0x4  }
0xdf: {  	[tilespmem:v38+s17+$0x0] =	vst.idx.msk $0xffff, v37  }
0xe0: {  	v38 =	vadd.s32 v30, v39;
	v37 =	vld [tilespmem:s24+$0x90];
	_ =	sdelay $0x4  }
0xe1: {  	[tilespmem:v38+s17+$0x0] =	vst.idx.msk $0xffff, v37  }
0xe2: {  	v38 =	vadd.s32 v31, v39;
	v37 =	vld [tilespmem:s24+$0xA0];
	_ =	sdelay $0x4  }
0xe3: {  	[tilespmem:v38+s17+$0x0] =	vst.idx.msk $0xffff, v37  }
0xe4: {  	v38 =	vadd.s32 v32, v39;
	v37 =	vld [tilespmem:s24+$0xB0]  }
0xe5: {  	v39 =	vmov s25;
	s25 =	smov.u32 s26  }
0xe6: {  	v39 =	vshrl.u32 v39, $0x3  }
0xe7: {  	v39 =	vshll.u32 v39, v5  }
0xe8: {  	v39 =	vbroadcast v39, $0x0  }
0xe9: {  	[tilespmem:v38+s17+$0x0] =	vst.idx.msk $0xffff, v37  }
0xea: {  	v38 =	vadd.s32 v33, v39;
	v37 =	vld [tilespmem:s24+$0xC0];
	_ =	sdelay $0x4  }
0xeb: {  	[tilespmem:v38+s17+$0x0] =	vst.idx.msk $0xffff, v37  }
0xec: {  	v38 =	vadd.s32 v34, v39;
	v37 =	vld [tilespmem:s24+$0xD0];
	_ =	sdelay $0x4  }
0xed: {  	[tilespmem:v38+s17+$0x0] =	vst.idx.msk $0xffff, v37  }
0xee: {  	v38 =	vadd.s32 v35, v39;
	v37 =	vld [tilespmem:s24+$0xE0];
	_ =	sdelay $0x1  }
.Ltmp1:
0xef: {  	(pc) =	sbr.rel @p0 .LBB2_4-.Ltmp1, $3  }
0xf0: {  	_ =	sdelay $0x1  }
0xf1: {  	[tilespmem:v38+s17+$0x0] =	vst.idx.msk $0xffff, v37  }
0xf2: {  	s26 =	sadd.s32 $0x8, s26;
	s1 =	sadd.s32 $0xFFFFFFF9, s25;
	v38 =	vadd.s32 v36, v39;
	v37 =	vld [tilespmem:s24+$0xF0]  }
0xf3: {  	v39 =	vmov s1  }
0xf4: {  	v39 =	vshrl.u32 v39, $0x3  }
0xf5: {  	v39 =	vshll.u32 v39, v5  }
0xf6: {  	v39 =	vbroadcast v39, $0x0  }
0xf7: {  	s28 =	sadd.s32 $0x200, s24;
	[tilespmem:v38+s17+$0x0] =	vst.idx.msk $0xffff, v37  }
0xf8: {  	v37 =	vld [tilespmem:s28+$0xFFFFFF00];
	v49 =	vadd.s32 v2, v39;
	_ =	sdelay $0x4  }
0xf9: {  	[tilespmem:v49+s17+$0x0] =	vst.idx.msk $0xffff, v37  }
0xfa: {  	v50 =	vadd.s32 v6, v39;
	v37 =	vld [tilespmem:s28+$0xFFFFFF10];
	_ =	sdelay $0x4  }
0xfb: {  	[tilespmem:v50+s17+$0x0] =	vst.idx.msk $0xffff, v37  }
0xfc: {  	v51 =	vadd.s32 v7, v39;
	v37 =	vld [tilespmem:s28+$0xFFFFFF20];
	_ =	sdelay $0x4  }
0xfd: {  	[tilespmem:v51+s17+$0x0] =	vst.idx.msk $0xffff, v37  }
0xfe: {  	s0 =	sadd.s32 $0xFFFFFFFA, s25;
	v52 =	vadd.s32 v8, v39;
	v37 =	vld [tilespmem:s28+$0xFFFFFF30]  }
0xff: {  	v53 =	vmov s0  }
0x100: {  	v39 =	vshrl.u32 v53, $0x3  }
0x101: {  	v39 =	vshll.u32 v39, v5  }
0x102: {  	v39 =	vbroadcast v39, $0x0  }
0x103: {  	[tilespmem:v52+s17+$0x0] =	vst.idx.msk $0xffff, v37  }
0x104: {  	v54 =	vadd.s32 v9, v39;
	v37 =	vld [tilespmem:s28+$0xFFFFFF40];
	_ =	sdelay $0x4  }
0x105: {  	[tilespmem:v54+s17+$0x0] =	vst.idx.msk $0xffff, v37  }
0x106: {  	v55 =	vadd.s32 v10, v39;
	v37 =	vld [tilespmem:s28+$0xFFFFFF50];
	_ =	sdelay $0x4  }
0x107: {  	[tilespmem:v55+s17+$0x0] =	vst.idx.msk $0xffff, v37  }
0x108: {  	v56 =	vadd.s32 v11, v39;
	v37 =	vld [tilespmem:s28+$0xFFFFFF60];
	_ =	sdelay $0x4  }
0x109: {  	[tilespmem:v56+s17+$0x0] =	vst.idx.msk $0xffff, v37  }
0x10a: {  	s29 =	sadd.s32 $0xFFFFFFFB, s25;
	v57 =	vadd.s32 v12, v39;
	v37 =	vld [tilespmem:s28+$0xFFFFFF70]  }
0x10b: {  	v58 =	vmov s29  }
0x10c: {  	v39 =	vshrl.u32 v58, $0x3  }
0x10d: {  	v39 =	vshll.u32 v39, v5  }
0x10e: {  	v39 =	vbroadcast v39, $0x0  }
0x10f: {  	[tilespmem:v57+s17+$0x0] =	vst.idx.msk $0xffff, v37  }
0x110: {  	v59 =	vadd.s32 v13, v39;
	v37 =	vld [tilespmem:s28+$0xFFFFFF80];
	_ =	sdelay $0x4  }
0x111: {  	[tilespmem:v59+s17+$0x0] =	vst.idx.msk $0xffff, v37  }
0x112: {  	v60 =	vadd.s32 v14, v39;
	v37 =	vld [tilespmem:s28+$0xFFFFFF90];
	_ =	sdelay $0x4  }
0x113: {  	[tilespmem:v60+s17+$0x0] =	vst.idx.msk $0xffff, v37  }
0x114: {  	v61 =	vadd.s32 v15, v39;
	v37 =	vld [tilespmem:s28+$0xFFFFFFA0];
	_ =	sdelay $0x4  }
0x115: {  	[tilespmem:v61+s17+$0x0] =	vst.idx.msk $0xffff, v37  }
0x116: {  	s30 =	sadd.s32 $0xFFFFFFFC, s25;
	v62 =	vadd.s32 v16, v39;
	v37 =	vld [tilespmem:s28+$0xFFFFFFB0]  }
0x117: {  	v63 =	vmov s30  }
0x118: {  	v39 =	vshrl.u32 v63, $0x3  }
0x119: {  	v39 =	vshll.u32 v39, v5  }
0x11a: {  	v39 =	vbroadcast v39, $0x0  }
0x11b: {  	[tilespmem:v62+s17+$0x0] =	vst.idx.msk $0xffff, v37  }
0x11c: {  	v40 =	vadd.s32 v17, v39;
	v37 =	vld [tilespmem:s28+$0xFFFFFFC0];
	_ =	sdelay $0x4  }
0x11d: {  	[tilespmem:v40+s17+$0x0] =	vst.idx.msk $0xffff, v37  }
0x11e: {  	v41 =	vadd.s32 v18, v39;
	v37 =	vld [tilespmem:s28+$0xFFFFFFD0];
	_ =	sdelay $0x4  }
0x11f: {  	[tilespmem:v41+s17+$0x0] =	vst.idx.msk $0xffff, v37  }
0x120: {  	v42 =	vadd.s32 v19, v39;
	v37 =	vld [tilespmem:s28+$0xFFFFFFE0];
	_ =	sdelay $0x4  }
0x121: {  	[tilespmem:v42+s17+$0x0] =	vst.idx.msk $0xffff, v37  }
0x122: {  	s31 =	sadd.s32 $0xFFFFFFFD, s25;
	v43 =	vadd.s32 v20, v39;
	v37 =	vld [tilespmem:s28+$0xFFFFFFF0]  }
0x123: {  	v44 =	vmov s31  }
0x124: {  	v39 =	vshrl.u32 v44, $0x3  }
0x125: {  	v39 =	vshll.u32 v39, v5  }
0x126: {  	v39 =	vbroadcast v39, $0x0  }
0x127: {  	[tilespmem:v43+s17+$0x0] =	vst.idx.msk $0xffff, v37  }
0x128: {  	v45 =	vadd.s32 v21, v39;
	v37 =	vld [tilespmem:s28+$0x0];
	_ =	sdelay $0x4  }
0x129: {  	[tilespmem:v45+s17+$0x0] =	vst.idx.msk $0xffff, v37  }
0x12a: {  	v46 =	vadd.s32 v22, v39;
	v37 =	vld [tilespmem:s28+$0x10];
	_ =	sdelay $0x4  }
0x12b: {  	[tilespmem:v46+s17+$0x0] =	vst.idx.msk $0xffff, v37  }
0x12c: {  	v47 =	vadd.s32 v23, v39;
	v37 =	vld [tilespmem:s28+$0x20];
	_ =	sdelay $0x4  }
0x12d: {  	[tilespmem:v47+s17+$0x0] =	vst.idx.msk $0xffff, v37  }
0x12e: {  	s15 =	sadd.s32 $0xFFFFFFFE, s25;
	v48 =	vadd.s32 v24, v39;
	v37 =	vld [tilespmem:s28+$0x30]  }
0x12f: {  	v49 =	vmov s15  }
0x130: {  	v39 =	vshrl.u32 v49, $0x3  }
0x131: {  	v39 =	vshll.u32 v39, v5  }
0x132: {  	v39 =	vbroadcast v39, $0x0  }
0x133: {  	[tilespmem:v48+s17+$0x0] =	vst.idx.msk $0xffff, v37  }
0x134: {  	v50 =	vadd.s32 v25, v39;
	v37 =	vld [tilespmem:s28+$0x40];
	_ =	sdelay $0x4  }
0x135: {  	[tilespmem:v50+s17+$0x0] =	vst.idx.msk $0xffff, v37  }
0x136: {  	v51 =	vadd.s32 v26, v39;
	v37 =	vld [tilespmem:s28+$0x50];
	_ =	sdelay $0x4  }
0x137: {  	[tilespmem:v51+s17+$0x0] =	vst.idx.msk $0xffff, v37  }
0x138: {  	v52 =	vadd.s32 v27, v39;
	v37 =	vld [tilespmem:s28+$0x60];
	_ =	sdelay $0x4  }
0x139: {  	[tilespmem:v52+s17+$0x0] =	vst.idx.msk $0xffff, v37  }
0x13a: {  	s24 =	sadd.s32 $0xFFFFFFFF, s25;
	v53 =	vadd.s32 v28, v39;
	v37 =	vld [tilespmem:s28+$0x70]  }
0x13b: {  	v54 =	vmov s24  }
0x13c: {  	v39 =	vshrl.u32 v54, $0x3  }
0x13d: {  	v39 =	vshll.u32 v39, v5  }
0x13e: {  	v39 =	vbroadcast v39, $0x0  }
0x13f: {  	[tilespmem:v53+s17+$0x0] =	vst.idx.msk $0xffff, v37  }
0x140: {  	v55 =	vadd.s32 v29, v39;
	v37 =	vld [tilespmem:s28+$0x80];
	_ =	sdelay $0x4  }
0x141: {  	[tilespmem:v55+s17+$0x0] =	vst.idx.msk $0xffff, v37  }
0x142: {  	v56 =	vadd.s32 v30, v39;
	v37 =	vld [tilespmem:s28+$0x90];
	_ =	sdelay $0x4  }
0x143: {  	[tilespmem:v56+s17+$0x0] =	vst.idx.msk $0xffff, v37  }
0x144: {  	v57 =	vadd.s32 v31, v39;
	v37 =	vld [tilespmem:s28+$0xA0];
	_ =	sdelay $0x4  }
0x145: {  	[tilespmem:v57+s17+$0x0] =	vst.idx.msk $0xffff, v37  }
0x146: {  	v58 =	vadd.s32 v32, v39;
	v37 =	vld [tilespmem:s28+$0xB0]  }
0x147: {  	v59 =	vmov s25  }
0x148: {  	v39 =	vshrl.u32 v59, $0x3  }
0x149: {  	v39 =	vshll.u32 v39, v5  }
0x14a: {  	v39 =	vbroadcast v39, $0x0  }
0x14b: {  	[tilespmem:v58+s17+$0x0] =	vst.idx.msk $0xffff, v37  }
0x14c: {  	v60 =	vadd.s32 v33, v39;
	v37 =	vld [tilespmem:s28+$0xC0];
	_ =	sdelay $0x4  }
0x14d: {  	[tilespmem:v60+s17+$0x0] =	vst.idx.msk $0xffff, v37  }
0x14e: {  	v61 =	vadd.s32 v34, v39;
	v37 =	vld [tilespmem:s28+$0xD0];
	_ =	sdelay $0x4  }
0x14f: {  	[tilespmem:v61+s17+$0x0] =	vst.idx.msk $0xffff, v37  }
0x150: {  	v62 =	vadd.s32 v35, v39;
	v37 =	vld [tilespmem:s28+$0xE0];
	_ =	sdelay $0x4  }
0x151: {  	[tilespmem:v62+s17+$0x0] =	vst.idx.msk $0xffff, v37  }
0x152: {  	v63 =	vadd.s32 v36, v39;
	v37 =	vld [tilespmem:s28+$0xF0];
	_ =	sdelay $0x4  }
0x153: {  	s26 =	simm.s32 $0x13200;
	[tilespmem:v63+s17+$0x0] =	vst.idx.msk $0xffff, v37  }
0x154: {  	[hbm4b:s5+s3] =	stream.linear.scatter [tilespmem:s26], [sflag:$0x3], $0x80, $0x38;
	[tilespmem:$0x17600] =	vst v63  }
0x155: {  	s29 =	sadd.s32 $0x10, s5;
	s28 =	simm.s32 $0x13288  }
0x156: {  	[hbm4b:s29+s3] =	stream.linear.scatter [tilespmem:s28], [sflag:$0x3], $0x80, $0x38;
	[tilespmem:$0x17600] =	vst v63  }
0x157: {  	s1 =	simm.s32 $0x440;
	s30 =	simm.s32 $0x13310;
	s31 =	sadd.s32 $0x20, s5  }
0x158: {  	[hbm4b:s31+s3] =	stream.linear.scatter [tilespmem:s30], [sflag:$0x3], $0x80, $0x38;
	[tilespmem:$0x17600] =	vst v63  }
0x159: {  	s0 =	simm.s32 $0x135B8;
	s15 =	simm.s32 $0x13398;
	s24 =	sadd.s32 $0x30, s5  }
0x15a: {  	[hbm4b:s24+s3] =	stream.linear.scatter [tilespmem:s15], [sflag:$0x3], $0x80, $0x38;
	[tilespmem:$0x17600] =	vst v63  }
0x15b: {  	s25 =	simm.s32 $0x13420;
	s26 =	sadd.s32 $0x40, s5;
	s28 =	simm.s32 $0x134A8  }
0x15c: {  	[hbm4b:s26+s3] =	stream.linear.scatter [tilespmem:s25], [sflag:$0x3], $0x80, $0x38;
	[tilespmem:$0x17600] =	vst v63  }
0x15d: {  	s29 =	sadd.s32 $0x50, s5;
	s30 =	simm.s32 $0x13530;
	s31 =	sadd.s32 $0x60, s5  }
0x15e: {  	[hbm4b:s29+s3] =	stream.linear.scatter [tilespmem:s28], [sflag:$0x3], $0x80, $0x38;
	[tilespmem:$0x17600] =	vst v63  }
0x15f: {  	s24 =	sadd.s32 $0x4000, s5;
	s25 =	simm.s32 $0x2200;
	s26 =	sadd.s32 $0x70, s5  }
0x160: {  	[hbm4b:s31+s3] =	stream.linear.scatter [tilespmem:s30], [sflag:$0x3], $0x80, $0x38;
	[tilespmem:$0x17600] =	vst v63  }
.LBB2_6:
0x161: {  	[hbm4b:s26+s3] =	stream.linear.scatter [tilespmem:s0], [sflag:$0x3], $0x80, $0x38;
	[tilespmem:$0x17600] =	vst v63  }
0x162: {  	s0 =	smov.u32 s1;
	s1 =	smov.u32 s25  }
0x163: {  	s28 =	sadd.s32 $0x1100, s25;
	s1 =	sshra.s32 s1, $0x2;
	s26 =	sadd.s32 $0x13200, s0  }
0x164: {  	[hbm4b:s24+s3] =	stream.linear.scatter [tilespmem:s26], [sflag:$0x3], $0x80, $0x38;
	[tilespmem:$0x17600] =	vst v63  }
0x165: {  	p0 =	sne.s32 s25, $0x7700;
	s25 =	sadd.s32 $0x13288, s0;
	s26 =	sadd.s32 $0x10, s24  }
0x166: {  	[hbm4b:s26+s3] =	stream.linear.scatter [tilespmem:s25], [sflag:$0x3], $0x80, $0x38;
	[tilespmem:$0x17600] =	vst v63  }
0x167: {  	s25 =	sadd.s32 $0x13310, s0;
	s26 =	sadd.s32 $0x20, s24  }
0x168: {  	[hbm4b:s26+s3] =	stream.linear.scatter [tilespmem:s25], [sflag:$0x3], $0x80, $0x38;
	[tilespmem:$0x17600] =	vst v63  }
0x169: {  	s25 =	sadd.s32 $0x13398, s0;
	s26 =	sadd.s32 $0x30, s24  }
0x16a: {  	[hbm4b:s26+s3] =	stream.linear.scatter [tilespmem:s25], [sflag:$0x3], $0x80, $0x38;
	[tilespmem:$0x17600] =	vst v63  }
0x16b: {  	s25 =	sadd.s32 $0x13420, s0;
	s26 =	sadd.s32 $0x40, s24  }
0x16c: {  	[hbm4b:s26+s3] =	stream.linear.scatter [tilespmem:s25], [sflag:$0x3], $0x80, $0x38;
	[tilespmem:$0x17600] =	vst v63  }
.Ltmp2:
0x16d: {  	s25 =	sadd.s32 $0x134A8, s0;
	s26 =	sadd.s32 $0x50, s24;
	(pc) =	sbr.rel @p0 .LBB2_6-.Ltmp2, $4  }
0x16e: {  	[hbm4b:s26+s3] =	stream.linear.scatter [tilespmem:s25], [sflag:$0x3], $0x80, $0x38;
	[tilespmem:$0x17600] =	vst v63  }
0x16f: {  	s25 =	sadd.s32 $0x13530, s0;
	s26 =	sadd.s32 $0x60, s24;
	s0 =	sadd.s32 $0x135B8, s0  }
0x170: {  	[hbm4b:s26+s3] =	stream.linear.scatter [tilespmem:s25], [sflag:$0x3], $0x80, $0x38;
	[tilespmem:$0x17600] =	vst v63  }
0x171: {  	s26 =	sadd.s32 $0x70, s24;
	s24 =	sadd.s32 $0x4000, s24;
	s25 =	smov.u32 s28  }
0x172: {  	[hbm4b:s26+s3] =	stream.linear.scatter [tilespmem:s0], [sflag:$0x3], $0x80, $0x38;
	[tilespmem:$0x17600] =	vst v63  }
0x173: {  	s31 =	sadd.s32 $0x13200, s1  }
0x174: {  	[hbm4b:s24+s3] =	stream.linear.scatter [tilespmem:s31], [sflag:$0x3], $0x80, $0x38;
	[tilespmem:$0x17600] =	vst v63  }
0x175: {  	s15 =	sadd.s32 $0x13288, s1;
	s25 =	sadd.s32 $0x10, s24  }
0x176: {  	[hbm4b:s25+s3] =	stream.linear.scatter [tilespmem:s15], [sflag:$0x3], $0x80, $0x38;
	[tilespmem:$0x17600] =	vst v63  }
0x177: {  	s26 =	sadd.s32 $0x13310, s1;
	s28 =	sadd.s32 $0x20, s24  }
0x178: {  	[hbm4b:s28+s3] =	stream.linear.scatter [tilespmem:s26], [sflag:$0x3], $0x80, $0x38;
	[tilespmem:$0x17600] =	vst v63  }
0x179: {  	s29 =	sadd.s32 $0x13398, s1;
	s30 =	sadd.s32 $0x30, s24  }
0x17a: {  	[hbm4b:s30+s3] =	stream.linear.scatter [tilespmem:s29], [sflag:$0x3], $0x80, $0x38;
	[tilespmem:$0x17600] =	vst v63  }
0x17b: {  	s31 =	sadd.s32 $0x13420, s1;
	s15 =	sadd.s32 $0x40, s24  }
0x17c: {  	[hbm4b:s15+s3] =	stream.linear.scatter [tilespmem:s31], [sflag:$0x3], $0x80, $0x38;
	[tilespmem:$0x17600] =	vst v63  }
0x17d: {  	s25 =	sadd.s32 $0x134A8, s1;
	s26 =	sadd.s32 $0x50, s24  }
0x17e: {  	[hbm4b:s26+s3] =	stream.linear.scatter [tilespmem:s25], [sflag:$0x3], $0x80, $0x38;
	[tilespmem:$0x17600] =	vst v63  }
0x17f: {  	s28 =	sadd.s32 $0x13530, s1;
	s29 =	sadd.s32 $0x60, s24  }
0x180: {  	[hbm4b:s29+s3] =	stream.linear.scatter [tilespmem:s28], [sflag:$0x3], $0x80, $0x38;
	[tilespmem:$0x17600] =	vst v63  }
0x181: {  	s30 =	sadd.s32 $0x135B8, s1;
	s1 =	simm.s32 $0x0;
	s31 =	sadd.s32 $0x70, s24  }
0x182: {  	v37 =	vmov s1;
	[hbm4b:s31+s3] =	stream.linear.scatter [tilespmem:s30], [sflag:$0x3], $0x80, $0x38;
	[tilespmem:$0x17600] =	vst v63  }
0x183: {  	v37 =	vshrl.u32 v37, $0x3;
	_ =	swait.ge [sflag:s18], $0x2000  }
0x184: {  	v37 =	vshll.u32 v37, v5;
	[sflag:s18] =	ssyncset.done $0x0  }
0x185: {  	s24 =	simm.s32 $0x11300;
	v37 =	vbroadcast v37, $0x0;
	[sflag:s18] =	ssyncadd.s32 $0xFFFFE000  }
0x186: {  	[tilespmem:s13], [sflag:$0x1] =	stream.indirect.gather [hbm4b:s4+s12], $0x40, s19, s12, $0xb8;
	[tilespmem:$0x17600] =	vst v63  }
0x187: {  	v39 =	vadd.s32 v2, v37;
	v38 =	vld [tilespmem:s24+$0xFFFFFF00];
	_ =	sdelay $0x4  }
0x188: {  	[tilespmem:v39+s20+$0x0] =	vst.idx.msk $0xffff, v38  }
0x189: {  	v51 =	vadd.s32 v6, v37;
	v38 =	vld [tilespmem:s24+$0xFFFFFF10];
	_ =	sdelay $0x4  }
0x18a: {  	[tilespmem:v51+s20+$0x0] =	vst.idx.msk $0xffff, v38  }
0x18b: {  	v52 =	vadd.s32 v7, v37;
	v38 =	vld [tilespmem:s24+$0xFFFFFF20];
	_ =	sdelay $0x4  }
0x18c: {  	[tilespmem:v52+s20+$0x0] =	vst.idx.msk $0xffff, v38  }
0x18d: {  	s15 =	simm.s32 $0x1;
	v37 =	vadd.s32 v8, v37;
	v38 =	vld [tilespmem:s24+$0xFFFFFF30]  }
0x18e: {  	v53 =	vmov s15  }
0x18f: {  	v39 =	vshrl.u32 v53, $0x3  }
0x190: {  	v39 =	vshll.u32 v39, v5  }
0x191: {  	v39 =	vbroadcast v39, $0x0  }
0x192: {  	[tilespmem:v37+s20+$0x0] =	vst.idx.msk $0xffff, v38  }
0x193: {  	v54 =	vadd.s32 v9, v39;
	v37 =	vld [tilespmem:s24+$0xFFFFFF40];
	_ =	sdelay $0x4  }
0x194: {  	[tilespmem:v54+s20+$0x0] =	vst.idx.msk $0xffff, v37  }
0x195: {  	v55 =	vadd.s32 v10, v39;
	v37 =	vld [tilespmem:s24+$0xFFFFFF50];
	_ =	sdelay $0x4  }
0x196: {  	[tilespmem:v55+s20+$0x0] =	vst.idx.msk $0xffff, v37  }
0x197: {  	v56 =	vadd.s32 v11, v39;
	v37 =	vld [tilespmem:s24+$0xFFFFFF60];
	_ =	sdelay $0x4  }
0x198: {  	[tilespmem:v56+s20+$0x0] =	vst.idx.msk $0xffff, v37  }
0x199: {  	s25 =	simm.s32 $0x2;
	v57 =	vadd.s32 v12, v39;
	v37 =	vld [tilespmem:s24+$0xFFFFFF70]  }
0x19a: {  	v58 =	vmov s25  }
0x19b: {  	v39 =	vshrl.u32 v58, $0x3  }
0x19c: {  	v39 =	vshll.u32 v39, v5  }
0x19d: {  	v39 =	vbroadcast v39, $0x0  }
0x19e: {  	[tilespmem:v57+s20+$0x0] =	vst.idx.msk $0xffff, v37  }
0x19f: {  	v59 =	vadd.s32 v13, v39;
	v37 =	vld [tilespmem:s24+$0xFFFFFF80];
	_ =	sdelay $0x4  }
0x1a0: {  	[tilespmem:v59+s20+$0x0] =	vst.idx.msk $0xffff, v37  }
0x1a1: {  	v60 =	vadd.s32 v14, v39;
	v37 =	vld [tilespmem:s24+$0xFFFFFF90];
	_ =	sdelay $0x4  }
0x1a2: {  	[tilespmem:v60+s20+$0x0] =	vst.idx.msk $0xffff, v37  }
0x1a3: {  	v61 =	vadd.s32 v15, v39;
	v37 =	vld [tilespmem:s24+$0xFFFFFFA0];
	_ =	sdelay $0x4  }
0x1a4: {  	[tilespmem:v61+s20+$0x0] =	vst.idx.msk $0xffff, v37  }
0x1a5: {  	s26 =	simm.s32 $0x3;
	v62 =	vadd.s32 v16, v39;
	v37 =	vld [tilespmem:s24+$0xFFFFFFB0]  }
0x1a6: {  	v63 =	vmov s26  }
0x1a7: {  	v39 =	vshrl.u32 v63, $0x3  }
0x1a8: {  	v39 =	vshll.u32 v39, v5  }
0x1a9: {  	v39 =	vbroadcast v39, $0x0  }
0x1aa: {  	[tilespmem:v62+s20+$0x0] =	vst.idx.msk $0xffff, v37  }
0x1ab: {  	v41 =	vadd.s32 v17, v39;
	v37 =	vld [tilespmem:s24+$0xFFFFFFC0];
	_ =	sdelay $0x4  }
0x1ac: {  	[tilespmem:v41+s20+$0x0] =	vst.idx.msk $0xffff, v37  }
0x1ad: {  	v42 =	vadd.s32 v18, v39;
	v37 =	vld [tilespmem:s24+$0xFFFFFFD0];
	_ =	sdelay $0x4  }
0x1ae: {  	[tilespmem:v42+s20+$0x0] =	vst.idx.msk $0xffff, v37  }
0x1af: {  	v43 =	vadd.s32 v19, v39;
	v37 =	vld [tilespmem:s24+$0xFFFFFFE0];
	_ =	sdelay $0x4  }
0x1b0: {  	[tilespmem:v43+s20+$0x0] =	vst.idx.msk $0xffff, v37  }
0x1b1: {  	s28 =	simm.s32 $0x4;
	v44 =	vadd.s32 v20, v39;
	v37 =	vld [tilespmem:s24+$0xFFFFFFF0]  }
0x1b2: {  	v45 =	vmov s28  }
0x1b3: {  	v39 =	vshrl.u32 v45, $0x3  }
0x1b4: {  	v39 =	vshll.u32 v39, v5  }
0x1b5: {  	v39 =	vbroadcast v39, $0x0  }
0x1b6: {  	[tilespmem:v44+s20+$0x0] =	vst.idx.msk $0xffff, v37  }
0x1b7: {  	v46 =	vadd.s32 v21, v39;
	v37 =	vld [tilespmem:s24+$0x0];
	_ =	sdelay $0x4  }
0x1b8: {  	[tilespmem:v46+s20+$0x0] =	vst.idx.msk $0xffff, v37  }
0x1b9: {  	v47 =	vadd.s32 v22, v39;
	v37 =	vld [tilespmem:s24+$0x10];
	_ =	sdelay $0x4  }
0x1ba: {  	[tilespmem:v47+s20+$0x0] =	vst.idx.msk $0xffff, v37  }
0x1bb: {  	v48 =	vadd.s32 v23, v39;
	v37 =	vld [tilespmem:s24+$0x20];
	_ =	sdelay $0x4  }
0x1bc: {  	[tilespmem:v48+s20+$0x0] =	vst.idx.msk $0xffff, v37  }
0x1bd: {  	s29 =	simm.s32 $0x5;
	v49 =	vadd.s32 v24, v39;
	v37 =	vld [tilespmem:s24+$0x30]  }
0x1be: {  	v50 =	vmov s29  }
0x1bf: {  	v39 =	vshrl.u32 v50, $0x3  }
0x1c0: {  	v39 =	vshll.u32 v39, v5  }
0x1c1: {  	v39 =	vbroadcast v39, $0x0  }
0x1c2: {  	[tilespmem:v49+s20+$0x0] =	vst.idx.msk $0xffff, v37  }
0x1c3: {  	v51 =	vadd.s32 v25, v39;
	v37 =	vld [tilespmem:s24+$0x40];
	_ =	sdelay $0x4  }
0x1c4: {  	[tilespmem:v51+s20+$0x0] =	vst.idx.msk $0xffff, v37  }
0x1c5: {  	v52 =	vadd.s32 v26, v39;
	v37 =	vld [tilespmem:s24+$0x50];
	_ =	sdelay $0x4  }
0x1c6: {  	[tilespmem:v52+s20+$0x0] =	vst.idx.msk $0xffff, v37  }
0x1c7: {  	v53 =	vadd.s32 v27, v39;
	v37 =	vld [tilespmem:s24+$0x60];
	_ =	sdelay $0x4  }
0x1c8: {  	[tilespmem:v53+s20+$0x0] =	vst.idx.msk $0xffff, v37  }
0x1c9: {  	s30 =	simm.s32 $0x6;
	v54 =	vadd.s32 v28, v39;
	v37 =	vld [tilespmem:s24+$0x70]  }
0x1ca: {  	v55 =	vmov s30  }
0x1cb: {  	v39 =	vshrl.u32 v55, $0x3  }
0x1cc: {  	v39 =	vshll.u32 v39, v5  }
0x1cd: {  	v39 =	vbroadcast v39, $0x0  }
0x1ce: {  	[tilespmem:v54+s20+$0x0] =	vst.idx.msk $0xffff, v37  }
0x1cf: {  	v56 =	vadd.s32 v29, v39;
	v37 =	vld [tilespmem:s24+$0x80];
	_ =	sdelay $0x4  }
0x1d0: {  	[tilespmem:v56+s20+$0x0] =	vst.idx.msk $0xffff, v37  }
0x1d1: {  	v57 =	vadd.s32 v30, v39;
	v37 =	vld [tilespmem:s24+$0x90];
	_ =	sdelay $0x4  }
0x1d2: {  	[tilespmem:v57+s20+$0x0] =	vst.idx.msk $0xffff, v37  }
0x1d3: {  	v58 =	vadd.s32 v31, v39;
	v37 =	vld [tilespmem:s24+$0xA0];
	_ =	sdelay $0x4  }
0x1d4: {  	[tilespmem:v58+s20+$0x0] =	vst.idx.msk $0xffff, v37  }
0x1d5: {  	s31 =	simm.s32 $0x7;
	v59 =	vadd.s32 v32, v39;
	v37 =	vld [tilespmem:s24+$0xB0]  }
0x1d6: {  	v60 =	vmov s31  }
0x1d7: {  	v39 =	vshrl.u32 v60, $0x3  }
0x1d8: {  	v39 =	vshll.u32 v39, v5  }
0x1d9: {  	v39 =	vbroadcast v39, $0x0  }
0x1da: {  	[tilespmem:v59+s20+$0x0] =	vst.idx.msk $0xffff, v37  }
0x1db: {  	v61 =	vadd.s32 v33, v39;
	v37 =	vld [tilespmem:s24+$0xC0];
	_ =	sdelay $0x4  }
0x1dc: {  	[tilespmem:v61+s20+$0x0] =	vst.idx.msk $0xffff, v37  }
0x1dd: {  	v62 =	vadd.s32 v34, v39;
	v37 =	vld [tilespmem:s24+$0xD0];
	_ =	sdelay $0x4  }
0x1de: {  	[tilespmem:v62+s20+$0x0] =	vst.idx.msk $0xffff, v37  }
0x1df: {  	v63 =	vadd.s32 v35, v39;
	v37 =	vld [tilespmem:s24+$0xE0];
	_ =	sdelay $0x4  }
0x1e0: {  	[tilespmem:v63+s20+$0x0] =	vst.idx.msk $0xffff, v37  }
0x1e1: {  	s1 =	simm.s32 $0x8;
	s25 =	simm.s32 $0xF;
	s26 =	simm.s32 $0x17;
	v38 =	vadd.s32 v36, v39;
	v37 =	vld [tilespmem:s24+$0xF0]  }
.LBB2_8:
0x1e2: {  	p0 =	sne.s32 s26, $0x7F;
	v39 =	vmov s1  }
0x1e3: {  	v39 =	vshrl.u32 v39, $0x3  }
0x1e4: {  	v39 =	vshll.u32 v39, v5  }
0x1e5: {  	v39 =	vbroadcast v39, $0x0  }
0x1e6: {  	s24 =	sadd.s32 $0x200, s24;
	[tilespmem:v38+s20+$0x0] =	vst.idx.msk $0xffff, v37  }
0x1e7: {  	v37 =	vld [tilespmem:s24+$0xFFFFFF00];
	v38 =	vadd.s32 v2, v39;
	_ =	sdelay $0x4  }
0x1e8: {  	[tilespmem:v38+s20+$0x0] =	vst.idx.msk $0xffff, v37  }
0x1e9: {  	v38 =	vadd.s32 v6, v39;
	v37 =	vld [tilespmem:s24+$0xFFFFFF10];
	_ =	sdelay $0x4  }
0x1ea: {  	[tilespmem:v38+s20+$0x0] =	vst.idx.msk $0xffff, v37  }
0x1eb: {  	v38 =	vadd.s32 v7, v39;
	v37 =	vld [tilespmem:s24+$0xFFFFFF20];
	_ =	sdelay $0x4  }
0x1ec: {  	[tilespmem:v38+s20+$0x0] =	vst.idx.msk $0xffff, v37  }
0x1ed: {  	s0 =	sadd.s32 $0xFFFFFFFA, s25;
	v38 =	vadd.s32 v8, v39;
	v37 =	vld [tilespmem:s24+$0xFFFFFF30]  }
0x1ee: {  	v39 =	vmov s0  }
0x1ef: {  	v39 =	vshrl.u32 v39, $0x3  }
0x1f0: {  	v39 =	vshll.u32 v39, v5  }
0x1f1: {  	v39 =	vbroadcast v39, $0x0  }
0x1f2: {  	[tilespmem:v38+s20+$0x0] =	vst.idx.msk $0xffff, v37  }
0x1f3: {  	v38 =	vadd.s32 v9, v39;
	v37 =	vld [tilespmem:s24+$0xFFFFFF40];
	_ =	sdelay $0x4  }
0x1f4: {  	[tilespmem:v38+s20+$0x0] =	vst.idx.msk $0xffff, v37  }
0x1f5: {  	v38 =	vadd.s32 v10, v39;
	v37 =	vld [tilespmem:s24+$0xFFFFFF50];
	_ =	sdelay $0x4  }
0x1f6: {  	[tilespmem:v38+s20+$0x0] =	vst.idx.msk $0xffff, v37  }
0x1f7: {  	v38 =	vadd.s32 v11, v39;
	v37 =	vld [tilespmem:s24+$0xFFFFFF60];
	_ =	sdelay $0x4  }
0x1f8: {  	[tilespmem:v38+s20+$0x0] =	vst.idx.msk $0xffff, v37  }
0x1f9: {  	s0 =	sadd.s32 $0xFFFFFFFB, s25;
	v38 =	vadd.s32 v12, v39;
	v37 =	vld [tilespmem:s24+$0xFFFFFF70]  }
0x1fa: {  	v39 =	vmov s0  }
0x1fb: {  	v39 =	vshrl.u32 v39, $0x3  }
0x1fc: {  	v39 =	vshll.u32 v39, v5  }
0x1fd: {  	v39 =	vbroadcast v39, $0x0  }
0x1fe: {  	[tilespmem:v38+s20+$0x0] =	vst.idx.msk $0xffff, v37  }
0x1ff: {  	v38 =	vadd.s32 v13, v39;
	v37 =	vld [tilespmem:s24+$0xFFFFFF80];
	_ =	sdelay $0x4  }
0x200: {  	[tilespmem:v38+s20+$0x0] =	vst.idx.msk $0xffff, v37  }
0x201: {  	v38 =	vadd.s32 v14, v39;
	v37 =	vld [tilespmem:s24+$0xFFFFFF90];
	_ =	sdelay $0x4  }
0x202: {  	[tilespmem:v38+s20+$0x0] =	vst.idx.msk $0xffff, v37  }
0x203: {  	v38 =	vadd.s32 v15, v39;
	v37 =	vld [tilespmem:s24+$0xFFFFFFA0];
	_ =	sdelay $0x4  }
0x204: {  	[tilespmem:v38+s20+$0x0] =	vst.idx.msk $0xffff, v37  }
0x205: {  	s0 =	sadd.s32 $0xFFFFFFFC, s25;
	v38 =	vadd.s32 v16, v39;
	v37 =	vld [tilespmem:s24+$0xFFFFFFB0]  }
0x206: {  	v39 =	vmov s0  }
0x207: {  	v39 =	vshrl.u32 v39, $0x3  }
0x208: {  	v39 =	vshll.u32 v39, v5  }
0x209: {  	v39 =	vbroadcast v39, $0x0  }
0x20a: {  	[tilespmem:v38+s20+$0x0] =	vst.idx.msk $0xffff, v37  }
0x20b: {  	v38 =	vadd.s32 v17, v39;
	v37 =	vld [tilespmem:s24+$0xFFFFFFC0];
	_ =	sdelay $0x4  }
0x20c: {  	[tilespmem:v38+s20+$0x0] =	vst.idx.msk $0xffff, v37  }
0x20d: {  	v38 =	vadd.s32 v18, v39;
	v37 =	vld [tilespmem:s24+$0xFFFFFFD0];
	_ =	sdelay $0x4  }
0x20e: {  	[tilespmem:v38+s20+$0x0] =	vst.idx.msk $0xffff, v37  }
0x20f: {  	v38 =	vadd.s32 v19, v39;
	v37 =	vld [tilespmem:s24+$0xFFFFFFE0];
	_ =	sdelay $0x4  }
0x210: {  	[tilespmem:v38+s20+$0x0] =	vst.idx.msk $0xffff, v37  }
0x211: {  	s0 =	sadd.s32 $0xFFFFFFFD, s25;
	v38 =	vadd.s32 v20, v39;
	v37 =	vld [tilespmem:s24+$0xFFFFFFF0]  }
0x212: {  	v39 =	vmov s0  }
0x213: {  	v39 =	vshrl.u32 v39, $0x3  }
0x214: {  	v39 =	vshll.u32 v39, v5  }
0x215: {  	v39 =	vbroadcast v39, $0x0  }
0x216: {  	[tilespmem:v38+s20+$0x0] =	vst.idx.msk $0xffff, v37  }
0x217: {  	v38 =	vadd.s32 v21, v39;
	v37 =	vld [tilespmem:s24+$0x0];
	_ =	sdelay $0x4  }
0x218: {  	[tilespmem:v38+s20+$0x0] =	vst.idx.msk $0xffff, v37  }
0x219: {  	v38 =	vadd.s32 v22, v39;
	v37 =	vld [tilespmem:s24+$0x10];
	_ =	sdelay $0x4  }
0x21a: {  	[tilespmem:v38+s20+$0x0] =	vst.idx.msk $0xffff, v37  }
0x21b: {  	v38 =	vadd.s32 v23, v39;
	v37 =	vld [tilespmem:s24+$0x20];
	_ =	sdelay $0x4  }
0x21c: {  	[tilespmem:v38+s20+$0x0] =	vst.idx.msk $0xffff, v37  }
0x21d: {  	s0 =	sadd.s32 $0xFFFFFFFE, s25;
	v38 =	vadd.s32 v24, v39;
	v37 =	vld [tilespmem:s24+$0x30]  }
0x21e: {  	v39 =	vmov s0  }
0x21f: {  	v39 =	vshrl.u32 v39, $0x3  }
0x220: {  	v39 =	vshll.u32 v39, v5  }
0x221: {  	v39 =	vbroadcast v39, $0x0  }
0x222: {  	[tilespmem:v38+s20+$0x0] =	vst.idx.msk $0xffff, v37  }
0x223: {  	v38 =	vadd.s32 v25, v39;
	v37 =	vld [tilespmem:s24+$0x40];
	_ =	sdelay $0x4  }
0x224: {  	[tilespmem:v38+s20+$0x0] =	vst.idx.msk $0xffff, v37  }
0x225: {  	v38 =	vadd.s32 v26, v39;
	v37 =	vld [tilespmem:s24+$0x50];
	_ =	sdelay $0x4  }
0x226: {  	[tilespmem:v38+s20+$0x0] =	vst.idx.msk $0xffff, v37  }
0x227: {  	v38 =	vadd.s32 v27, v39;
	v37 =	vld [tilespmem:s24+$0x60];
	_ =	sdelay $0x4  }
0x228: {  	[tilespmem:v38+s20+$0x0] =	vst.idx.msk $0xffff, v37  }
0x229: {  	s0 =	sadd.s32 $0xFFFFFFFF, s25;
	v38 =	vadd.s32 v28, v39;
	v37 =	vld [tilespmem:s24+$0x70]  }
0x22a: {  	v39 =	vmov s0  }
0x22b: {  	v39 =	vshrl.u32 v39, $0x3  }
0x22c: {  	v39 =	vshll.u32 v39, v5  }
0x22d: {  	v39 =	vbroadcast v39, $0x0  }
0x22e: {  	[tilespmem:v38+s20+$0x0] =	vst.idx.msk $0xffff, v37  }
0x22f: {  	v38 =	vadd.s32 v29, v39;
	v37 =	vld [tilespmem:s24+$0x80];
	_ =	sdelay $0x4  }
0x230: {  	[tilespmem:v38+s20+$0x0] =	vst.idx.msk $0xffff, v37  }
0x231: {  	v38 =	vadd.s32 v30, v39;
	v37 =	vld [tilespmem:s24+$0x90];
	_ =	sdelay $0x4  }
0x232: {  	[tilespmem:v38+s20+$0x0] =	vst.idx.msk $0xffff, v37  }
0x233: {  	v38 =	vadd.s32 v31, v39;
	v37 =	vld [tilespmem:s24+$0xA0];
	_ =	sdelay $0x4  }
0x234: {  	[tilespmem:v38+s20+$0x0] =	vst.idx.msk $0xffff, v37  }
0x235: {  	v38 =	vadd.s32 v32, v39;
	v37 =	vld [tilespmem:s24+$0xB0]  }
0x236: {  	v39 =	vmov s25;
	s25 =	smov.u32 s26  }
0x237: {  	v39 =	vshrl.u32 v39, $0x3  }
0x238: {  	v39 =	vshll.u32 v39, v5  }
0x239: {  	v39 =	vbroadcast v39, $0x0  }
0x23a: {  	[tilespmem:v38+s20+$0x0] =	vst.idx.msk $0xffff, v37  }
0x23b: {  	v38 =	vadd.s32 v33, v39;
	v37 =	vld [tilespmem:s24+$0xC0];
	_ =	sdelay $0x4  }
0x23c: {  	[tilespmem:v38+s20+$0x0] =	vst.idx.msk $0xffff, v37  }
0x23d: {  	v38 =	vadd.s32 v34, v39;
	v37 =	vld [tilespmem:s24+$0xD0];
	_ =	sdelay $0x4  }
0x23e: {  	[tilespmem:v38+s20+$0x0] =	vst.idx.msk $0xffff, v37  }
0x23f: {  	v38 =	vadd.s32 v35, v39;
	v37 =	vld [tilespmem:s24+$0xE0];
	_ =	sdelay $0x1  }
.Ltmp3:
0x240: {  	(pc) =	sbr.rel @p0 .LBB2_8-.Ltmp3, $3  }
0x241: {  	_ =	sdelay $0x1  }
0x242: {  	[tilespmem:v38+s20+$0x0] =	vst.idx.msk $0xffff, v37  }
0x243: {  	s26 =	sadd.s32 $0x8, s26;
	s1 =	sadd.s32 $0xFFFFFFF9, s25;
	v38 =	vadd.s32 v36, v39;
	v37 =	vld [tilespmem:s24+$0xF0]  }
0x244: {  	v39 =	vmov s1  }
0x245: {  	v39 =	vshrl.u32 v39, $0x3  }
0x246: {  	v39 =	vshll.u32 v39, v5  }
0x247: {  	v39 =	vbroadcast v39, $0x0  }
0x248: {  	s28 =	sadd.s32 $0x200, s24;
	[tilespmem:v38+s20+$0x0] =	vst.idx.msk $0xffff, v37  }
0x249: {  	v37 =	vld [tilespmem:s28+$0xFFFFFF00];
	v49 =	vadd.s32 v2, v39;
	_ =	sdelay $0x4  }
0x24a: {  	[tilespmem:v49+s20+$0x0] =	vst.idx.msk $0xffff, v37  }
0x24b: {  	v50 =	vadd.s32 v6, v39;
	v37 =	vld [tilespmem:s28+$0xFFFFFF10];
	_ =	sdelay $0x4  }
0x24c: {  	[tilespmem:v50+s20+$0x0] =	vst.idx.msk $0xffff, v37  }
0x24d: {  	v51 =	vadd.s32 v7, v39;
	v37 =	vld [tilespmem:s28+$0xFFFFFF20];
	_ =	sdelay $0x4  }
0x24e: {  	[tilespmem:v51+s20+$0x0] =	vst.idx.msk $0xffff, v37  }
0x24f: {  	s0 =	sadd.s32 $0xFFFFFFFA, s25;
	v52 =	vadd.s32 v8, v39;
	v37 =	vld [tilespmem:s28+$0xFFFFFF30]  }
0x250: {  	v53 =	vmov s0  }
0x251: {  	v39 =	vshrl.u32 v53, $0x3  }
0x252: {  	v39 =	vshll.u32 v39, v5  }
0x253: {  	v39 =	vbroadcast v39, $0x0  }
0x254: {  	[tilespmem:v52+s20+$0x0] =	vst.idx.msk $0xffff, v37  }
0x255: {  	v54 =	vadd.s32 v9, v39;
	v37 =	vld [tilespmem:s28+$0xFFFFFF40];
	_ =	sdelay $0x4  }
0x256: {  	[tilespmem:v54+s20+$0x0] =	vst.idx.msk $0xffff, v37  }
0x257: {  	v55 =	vadd.s32 v10, v39;
	v37 =	vld [tilespmem:s28+$0xFFFFFF50];
	_ =	sdelay $0x4  }
0x258: {  	[tilespmem:v55+s20+$0x0] =	vst.idx.msk $0xffff, v37  }
0x259: {  	v56 =	vadd.s32 v11, v39;
	v37 =	vld [tilespmem:s28+$0xFFFFFF60];
	_ =	sdelay $0x4  }
0x25a: {  	[tilespmem:v56+s20+$0x0] =	vst.idx.msk $0xffff, v37  }
0x25b: {  	s29 =	sadd.s32 $0xFFFFFFFB, s25;
	v57 =	vadd.s32 v12, v39;
	v37 =	vld [tilespmem:s28+$0xFFFFFF70]  }
0x25c: {  	v58 =	vmov s29  }
0x25d: {  	v39 =	vshrl.u32 v58, $0x3  }
0x25e: {  	v39 =	vshll.u32 v39, v5  }
0x25f: {  	v39 =	vbroadcast v39, $0x0  }
0x260: {  	[tilespmem:v57+s20+$0x0] =	vst.idx.msk $0xffff, v37  }
0x261: {  	v59 =	vadd.s32 v13, v39;
	v37 =	vld [tilespmem:s28+$0xFFFFFF80];
	_ =	sdelay $0x4  }
0x262: {  	[tilespmem:v59+s20+$0x0] =	vst.idx.msk $0xffff, v37  }
0x263: {  	v60 =	vadd.s32 v14, v39;
	v37 =	vld [tilespmem:s28+$0xFFFFFF90];
	_ =	sdelay $0x4  }
0x264: {  	[tilespmem:v60+s20+$0x0] =	vst.idx.msk $0xffff, v37  }
0x265: {  	v61 =	vadd.s32 v15, v39;
	v37 =	vld [tilespmem:s28+$0xFFFFFFA0];
	_ =	sdelay $0x4  }
0x266: {  	[tilespmem:v61+s20+$0x0] =	vst.idx.msk $0xffff, v37  }
0x267: {  	s30 =	sadd.s32 $0xFFFFFFFC, s25;
	v62 =	vadd.s32 v16, v39;
	v37 =	vld [tilespmem:s28+$0xFFFFFFB0]  }
0x268: {  	v63 =	vmov s30  }
0x269: {  	v39 =	vshrl.u32 v63, $0x3  }
0x26a: {  	v39 =	vshll.u32 v39, v5  }
0x26b: {  	v39 =	vbroadcast v39, $0x0  }
0x26c: {  	[tilespmem:v62+s20+$0x0] =	vst.idx.msk $0xffff, v37  }
0x26d: {  	v40 =	vadd.s32 v17, v39;
	v37 =	vld [tilespmem:s28+$0xFFFFFFC0];
	_ =	sdelay $0x4  }
0x26e: {  	[tilespmem:v40+s20+$0x0] =	vst.idx.msk $0xffff, v37  }
0x26f: {  	v41 =	vadd.s32 v18, v39;
	v37 =	vld [tilespmem:s28+$0xFFFFFFD0];
	_ =	sdelay $0x4  }
0x270: {  	[tilespmem:v41+s20+$0x0] =	vst.idx.msk $0xffff, v37  }
0x271: {  	v42 =	vadd.s32 v19, v39;
	v37 =	vld [tilespmem:s28+$0xFFFFFFE0];
	_ =	sdelay $0x4  }
0x272: {  	[tilespmem:v42+s20+$0x0] =	vst.idx.msk $0xffff, v37  }
0x273: {  	s31 =	sadd.s32 $0xFFFFFFFD, s25;
	v43 =	vadd.s32 v20, v39;
	v37 =	vld [tilespmem:s28+$0xFFFFFFF0]  }
0x274: {  	v44 =	vmov s31  }
0x275: {  	v39 =	vshrl.u32 v44, $0x3  }
0x276: {  	v39 =	vshll.u32 v39, v5  }
0x277: {  	v39 =	vbroadcast v39, $0x0  }
0x278: {  	[tilespmem:v43+s20+$0x0] =	vst.idx.msk $0xffff, v37  }
0x279: {  	v45 =	vadd.s32 v21, v39;
	v37 =	vld [tilespmem:s28+$0x0];
	_ =	sdelay $0x4  }
0x27a: {  	[tilespmem:v45+s20+$0x0] =	vst.idx.msk $0xffff, v37  }
0x27b: {  	v46 =	vadd.s32 v22, v39;
	v37 =	vld [tilespmem:s28+$0x10];
	_ =	sdelay $0x4  }
0x27c: {  	[tilespmem:v46+s20+$0x0] =	vst.idx.msk $0xffff, v37  }
0x27d: {  	v47 =	vadd.s32 v23, v39;
	v37 =	vld [tilespmem:s28+$0x20];
	_ =	sdelay $0x4  }
0x27e: {  	[tilespmem:v47+s20+$0x0] =	vst.idx.msk $0xffff, v37  }
0x27f: {  	s15 =	sadd.s32 $0xFFFFFFFE, s25;
	v48 =	vadd.s32 v24, v39;
	v37 =	vld [tilespmem:s28+$0x30]  }
0x280: {  	v49 =	vmov s15  }
0x281: {  	v39 =	vshrl.u32 v49, $0x3  }
0x282: {  	v39 =	vshll.u32 v39, v5  }
0x283: {  	v39 =	vbroadcast v39, $0x0  }
0x284: {  	[tilespmem:v48+s20+$0x0] =	vst.idx.msk $0xffff, v37  }
0x285: {  	v50 =	vadd.s32 v25, v39;
	v37 =	vld [tilespmem:s28+$0x40];
	_ =	sdelay $0x4  }
0x286: {  	[tilespmem:v50+s20+$0x0] =	vst.idx.msk $0xffff, v37  }
0x287: {  	v51 =	vadd.s32 v26, v39;
	v37 =	vld [tilespmem:s28+$0x50];
	_ =	sdelay $0x4  }
0x288: {  	[tilespmem:v51+s20+$0x0] =	vst.idx.msk $0xffff, v37  }
0x289: {  	v52 =	vadd.s32 v27, v39;
	v37 =	vld [tilespmem:s28+$0x60];
	_ =	sdelay $0x4  }
0x28a: {  	[tilespmem:v52+s20+$0x0] =	vst.idx.msk $0xffff, v37  }
0x28b: {  	s24 =	sadd.s32 $0xFFFFFFFF, s25;
	v53 =	vadd.s32 v28, v39;
	v37 =	vld [tilespmem:s28+$0x70]  }
0x28c: {  	v54 =	vmov s24  }
0x28d: {  	v39 =	vshrl.u32 v54, $0x3  }
0x28e: {  	v39 =	vshll.u32 v39, v5  }
0x28f: {  	v39 =	vbroadcast v39, $0x0  }
0x290: {  	[tilespmem:v53+s20+$0x0] =	vst.idx.msk $0xffff, v37  }
0x291: {  	v55 =	vadd.s32 v29, v39;
	v37 =	vld [tilespmem:s28+$0x80];
	_ =	sdelay $0x4  }
0x292: {  	[tilespmem:v55+s20+$0x0] =	vst.idx.msk $0xffff, v37  }
0x293: {  	v56 =	vadd.s32 v30, v39;
	v37 =	vld [tilespmem:s28+$0x90];
	_ =	sdelay $0x4  }
0x294: {  	[tilespmem:v56+s20+$0x0] =	vst.idx.msk $0xffff, v37  }
0x295: {  	v57 =	vadd.s32 v31, v39;
	v37 =	vld [tilespmem:s28+$0xA0];
	_ =	sdelay $0x4  }
0x296: {  	[tilespmem:v57+s20+$0x0] =	vst.idx.msk $0xffff, v37  }
0x297: {  	v58 =	vadd.s32 v32, v39;
	v37 =	vld [tilespmem:s28+$0xB0]  }
0x298: {  	v59 =	vmov s25  }
0x299: {  	v39 =	vshrl.u32 v59, $0x3  }
0x29a: {  	v39 =	vshll.u32 v39, v5  }
0x29b: {  	v39 =	vbroadcast v39, $0x0  }
0x29c: {  	[tilespmem:v58+s20+$0x0] =	vst.idx.msk $0xffff, v37  }
0x29d: {  	v60 =	vadd.s32 v33, v39;
	v37 =	vld [tilespmem:s28+$0xC0];
	_ =	sdelay $0x4  }
0x29e: {  	[tilespmem:v60+s20+$0x0] =	vst.idx.msk $0xffff, v37  }
0x29f: {  	v61 =	vadd.s32 v34, v39;
	v37 =	vld [tilespmem:s28+$0xD0];
	_ =	sdelay $0x4  }
0x2a0: {  	[tilespmem:v61+s20+$0x0] =	vst.idx.msk $0xffff, v37  }
0x2a1: {  	v62 =	vadd.s32 v35, v39;
	v37 =	vld [tilespmem:s28+$0xE0];
	_ =	sdelay $0x4  }
0x2a2: {  	[tilespmem:v62+s20+$0x0] =	vst.idx.msk $0xffff, v37  }
0x2a3: {  	v63 =	vadd.s32 v36, v39;
	v37 =	vld [tilespmem:s28+$0xF0];
	_ =	sdelay $0x4  }
0x2a4: {  	s26 =	simm.s32 $0x15400;
	[tilespmem:v63+s20+$0x0] =	vst.idx.msk $0xffff, v37  }
0x2a5: {  	[hbm4b:s8+s3] =	stream.linear.scatter [tilespmem:s26], [sflag:$0x4], $0x80, $0x38;
	[tilespmem:$0x17600] =	vst v63  }
0x2a6: {  	s29 =	sadd.s32 $0x10, s8;
	s28 =	simm.s32 $0x15488  }
0x2a7: {  	[hbm4b:s29+s3] =	stream.linear.scatter [tilespmem:s28], [sflag:$0x4], $0x80, $0x38;
	[tilespmem:$0x17600] =	vst v63  }
0x2a8: {  	s1 =	simm.s32 $0x440;
	s30 =	simm.s32 $0x15510;
	s31 =	sadd.s32 $0x20, s8  }
0x2a9: {  	[hbm4b:s31+s3] =	stream.linear.scatter [tilespmem:s30], [sflag:$0x4], $0x80, $0x38;
	[tilespmem:$0x17600] =	vst v63  }
0x2aa: {  	s0 =	simm.s32 $0x157B8;
	s15 =	simm.s32 $0x15598;
	s24 =	sadd.s32 $0x30, s8  }
0x2ab: {  	[hbm4b:s24+s3] =	stream.linear.scatter [tilespmem:s15], [sflag:$0x4], $0x80, $0x38;
	[tilespmem:$0x17600] =	vst v63  }
0x2ac: {  	s25 =	simm.s32 $0x15620;
	s26 =	sadd.s32 $0x40, s8;
	s28 =	simm.s32 $0x156A8  }
0x2ad: {  	[hbm4b:s26+s3] =	stream.linear.scatter [tilespmem:s25], [sflag:$0x4], $0x80, $0x38;
	[tilespmem:$0x17600] =	vst v63  }
0x2ae: {  	s29 =	sadd.s32 $0x50, s8;
	s30 =	simm.s32 $0x15730;
	s31 =	sadd.s32 $0x60, s8  }
0x2af: {  	[hbm4b:s29+s3] =	stream.linear.scatter [tilespmem:s28], [sflag:$0x4], $0x80, $0x38;
	[tilespmem:$0x17600] =	vst v63  }
0x2b0: {  	s24 =	sadd.s32 $0x4000, s8;
	s25 =	simm.s32 $0x2200;
	s26 =	sadd.s32 $0x70, s8  }
0x2b1: {  	[hbm4b:s31+s3] =	stream.linear.scatter [tilespmem:s30], [sflag:$0x4], $0x80, $0x38;
	[tilespmem:$0x17600] =	vst v63  }
.LBB2_10:
0x2b2: {  	[hbm4b:s26+s3] =	stream.linear.scatter [tilespmem:s0], [sflag:$0x4], $0x80, $0x38;
	[tilespmem:$0x17600] =	vst v63  }
0x2b3: {  	s0 =	smov.u32 s1;
	s1 =	smov.u32 s25  }
0x2b4: {  	s28 =	sadd.s32 $0x1100, s25;
	s1 =	sshra.s32 s1, $0x2;
	s26 =	sadd.s32 $0x15400, s0  }
0x2b5: {  	[hbm4b:s24+s3] =	stream.linear.scatter [tilespmem:s26], [sflag:$0x4], $0x80, $0x38;
	[tilespmem:$0x17600] =	vst v63  }
0x2b6: {  	p0 =	sne.s32 s25, $0x7700;
	s25 =	sadd.s32 $0x15488, s0;
	s26 =	sadd.s32 $0x10, s24  }
0x2b7: {  	[hbm4b:s26+s3] =	stream.linear.scatter [tilespmem:s25], [sflag:$0x4], $0x80, $0x38;
	[tilespmem:$0x17600] =	vst v63  }
0x2b8: {  	s25 =	sadd.s32 $0x15510, s0;
	s26 =	sadd.s32 $0x20, s24  }
0x2b9: {  	[hbm4b:s26+s3] =	stream.linear.scatter [tilespmem:s25], [sflag:$0x4], $0x80, $0x38;
	[tilespmem:$0x17600] =	vst v63  }
0x2ba: {  	s25 =	sadd.s32 $0x15598, s0;
	s26 =	sadd.s32 $0x30, s24  }
0x2bb: {  	[hbm4b:s26+s3] =	stream.linear.scatter [tilespmem:s25], [sflag:$0x4], $0x80, $0x38;
	[tilespmem:$0x17600] =	vst v63  }
0x2bc: {  	s25 =	sadd.s32 $0x15620, s0;
	s26 =	sadd.s32 $0x40, s24  }
0x2bd: {  	[hbm4b:s26+s3] =	stream.linear.scatter [tilespmem:s25], [sflag:$0x4], $0x80, $0x38;
	[tilespmem:$0x17600] =	vst v63  }
.Ltmp4:
0x2be: {  	s25 =	sadd.s32 $0x156A8, s0;
	s26 =	sadd.s32 $0x50, s24;
	(pc) =	sbr.rel @p0 .LBB2_10-.Ltmp4, $4  }
0x2bf: {  	[hbm4b:s26+s3] =	stream.linear.scatter [tilespmem:s25], [sflag:$0x4], $0x80, $0x38;
	[tilespmem:$0x17600] =	vst v63  }
0x2c0: {  	s25 =	sadd.s32 $0x15730, s0;
	s26 =	sadd.s32 $0x60, s24;
	s0 =	sadd.s32 $0x157B8, s0  }
0x2c1: {  	[hbm4b:s26+s3] =	stream.linear.scatter [tilespmem:s25], [sflag:$0x4], $0x80, $0x38;
	[tilespmem:$0x17600] =	vst v63  }
0x2c2: {  	s26 =	sadd.s32 $0x70, s24;
	s24 =	sadd.s32 $0x4000, s24;
	s25 =	smov.u32 s28  }
0x2c3: {  	[hbm4b:s26+s3] =	stream.linear.scatter [tilespmem:s0], [sflag:$0x4], $0x80, $0x38;
	[tilespmem:$0x17600] =	vst v63  }
0x2c4: {  	s31 =	sadd.s32 $0x15400, s1  }
0x2c5: {  	[hbm4b:s24+s3] =	stream.linear.scatter [tilespmem:s31], [sflag:$0x4], $0x80, $0x38;
	[tilespmem:$0x17600] =	vst v63  }
0x2c6: {  	s15 =	sadd.s32 $0x15488, s1;
	s25 =	sadd.s32 $0x10, s24  }
0x2c7: {  	[hbm4b:s25+s3] =	stream.linear.scatter [tilespmem:s15], [sflag:$0x4], $0x80, $0x38;
	[tilespmem:$0x17600] =	vst v63  }
0x2c8: {  	s26 =	sadd.s32 $0x15510, s1;
	s28 =	sadd.s32 $0x20, s24  }
0x2c9: {  	[hbm4b:s28+s3] =	stream.linear.scatter [tilespmem:s26], [sflag:$0x4], $0x80, $0x38;
	[tilespmem:$0x17600] =	vst v63  }
0x2ca: {  	s29 =	sadd.s32 $0x15598, s1;
	s30 =	sadd.s32 $0x30, s24  }
0x2cb: {  	[hbm4b:s30+s3] =	stream.linear.scatter [tilespmem:s29], [sflag:$0x4], $0x80, $0x38;
	[tilespmem:$0x17600] =	vst v63  }
0x2cc: {  	s31 =	sadd.s32 $0x15620, s1;
	s15 =	sadd.s32 $0x40, s24  }
0x2cd: {  	[hbm4b:s15+s3] =	stream.linear.scatter [tilespmem:s31], [sflag:$0x4], $0x80, $0x38;
	[tilespmem:$0x17600] =	vst v63  }
0x2ce: {  	s25 =	sadd.s32 $0x156A8, s1;
	s26 =	sadd.s32 $0x50, s24  }
0x2cf: {  	[hbm4b:s26+s3] =	stream.linear.scatter [tilespmem:s25], [sflag:$0x4], $0x80, $0x38;
	[tilespmem:$0x17600] =	vst v63  }
0x2d0: {  	s28 =	sadd.s32 $0x15730, s1;
	s29 =	sadd.s32 $0x60, s24  }
0x2d1: {  	[hbm4b:s29+s3] =	stream.linear.scatter [tilespmem:s28], [sflag:$0x4], $0x80, $0x38;
	[tilespmem:$0x17600] =	vst v63  }
0x2d2: {  	s30 =	sadd.s32 $0x157B8, s1;
	s31 =	sadd.s32 $0x70, s24;
	s24 =	simm.s32 $0x1  }
0x2d3: {  	[hbm4b:s31+s3] =	stream.linear.scatter [tilespmem:s30], [sflag:$0x4], $0x80, $0x38;
	[tilespmem:$0x17600] =	vst v63  }
.LBB2_12:
0x2d4: {  	s28 =	sshll.u32 s24, $0x1;
	s25 =	sshrl.u32 s24, $0x1  }
0x2d5: {  	s1 =	simm.s32 $0x0;
	s29 =	sand.u32 $0x2, s28;
	s0 =	smul.u32 $0x820, s25  }
0x2d6: {  	v37 =	vmov s1;
	s26 =	sor.u32 $0x1, s29  }
0x2d7: {  	_ =	swait.ge [sflag:s14], $0x2000;
	v37 =	vshrl.u32 v37, $0x3;
	s0 =	sshra.s32 s0, $0x2;
	s30 =	sshll.u32 s26, $0x7  }
0x2d8: {  	[sflag:s14] =	ssyncset.done $0x0;
	v37 =	vshll.u32 v37, v5;
	s0 =	sadd.s32 s30, s0  }
0x2d9: {  	[sflag:s14] =	ssyncadd.s32 $0xFFFFE000;
	v37 =	vbroadcast v37, $0x0;
	s30 =	simm.s32 $0xF300;
	s0 =	sadd.s32 $0x7000, s0  }
0x2da: {  	[tilespmem:s16], [sflag:$0x2] =	stream.indirect.gather [hbm4b:s4+s12], $0x40, s0, s12, $0xb8;
	[tilespmem:$0x17600] =	vst v63  }
0x2db: {  	v39 =	vadd.s32 v2, v37;
	v38 =	vld [tilespmem:s30+$0xFFFFFF00];
	_ =	sdelay $0x4  }
0x2dc: {  	[tilespmem:v39+s17+$0x0] =	vst.idx.msk $0xffff, v38  }
0x2dd: {  	v51 =	vadd.s32 v6, v37;
	v38 =	vld [tilespmem:s30+$0xFFFFFF10];
	_ =	sdelay $0x4  }
0x2de: {  	[tilespmem:v51+s17+$0x0] =	vst.idx.msk $0xffff, v38  }
0x2df: {  	v52 =	vadd.s32 v7, v37;
	v38 =	vld [tilespmem:s30+$0xFFFFFF20];
	_ =	sdelay $0x4  }
0x2e0: {  	[tilespmem:v52+s17+$0x0] =	vst.idx.msk $0xffff, v38  }
0x2e1: {  	s15 =	simm.s32 $0x1;
	v37 =	vadd.s32 v8, v37;
	v38 =	vld [tilespmem:s30+$0xFFFFFF30]  }
0x2e2: {  	v53 =	vmov s15  }
0x2e3: {  	v39 =	vshrl.u32 v53, $0x3  }
0x2e4: {  	v39 =	vshll.u32 v39, v5  }
0x2e5: {  	v39 =	vbroadcast v39, $0x0  }
0x2e6: {  	[tilespmem:v37+s17+$0x0] =	vst.idx.msk $0xffff, v38  }
0x2e7: {  	v54 =	vadd.s32 v9, v39;
	v37 =	vld [tilespmem:s30+$0xFFFFFF40];
	_ =	sdelay $0x4  }
0x2e8: {  	[tilespmem:v54+s17+$0x0] =	vst.idx.msk $0xffff, v37  }
0x2e9: {  	v55 =	vadd.s32 v10, v39;
	v37 =	vld [tilespmem:s30+$0xFFFFFF50];
	_ =	sdelay $0x4  }
0x2ea: {  	[tilespmem:v55+s17+$0x0] =	vst.idx.msk $0xffff, v37  }
0x2eb: {  	v56 =	vadd.s32 v11, v39;
	v37 =	vld [tilespmem:s30+$0xFFFFFF60];
	_ =	sdelay $0x4  }
0x2ec: {  	[tilespmem:v56+s17+$0x0] =	vst.idx.msk $0xffff, v37  }
0x2ed: {  	s1 =	simm.s32 $0x2;
	v57 =	vadd.s32 v12, v39;
	v37 =	vld [tilespmem:s30+$0xFFFFFF70]  }
0x2ee: {  	v58 =	vmov s1  }
0x2ef: {  	v39 =	vshrl.u32 v58, $0x3  }
0x2f0: {  	v39 =	vshll.u32 v39, v5  }
0x2f1: {  	v39 =	vbroadcast v39, $0x0  }
0x2f2: {  	[tilespmem:v57+s17+$0x0] =	vst.idx.msk $0xffff, v37  }
0x2f3: {  	v59 =	vadd.s32 v13, v39;
	v37 =	vld [tilespmem:s30+$0xFFFFFF80];
	_ =	sdelay $0x4  }
0x2f4: {  	[tilespmem:v59+s17+$0x0] =	vst.idx.msk $0xffff, v37  }
0x2f5: {  	v60 =	vadd.s32 v14, v39;
	v37 =	vld [tilespmem:s30+$0xFFFFFF90];
	_ =	sdelay $0x4  }
0x2f6: {  	[tilespmem:v60+s17+$0x0] =	vst.idx.msk $0xffff, v37  }
0x2f7: {  	v61 =	vadd.s32 v15, v39;
	v37 =	vld [tilespmem:s30+$0xFFFFFFA0];
	_ =	sdelay $0x4  }
0x2f8: {  	[tilespmem:v61+s17+$0x0] =	vst.idx.msk $0xffff, v37  }
0x2f9: {  	s15 =	simm.s32 $0x3;
	v62 =	vadd.s32 v16, v39;
	v37 =	vld [tilespmem:s30+$0xFFFFFFB0]  }
0x2fa: {  	v63 =	vmov s15  }
0x2fb: {  	v39 =	vshrl.u32 v63, $0x3  }
0x2fc: {  	v39 =	vshll.u32 v39, v5  }
0x2fd: {  	v39 =	vbroadcast v39, $0x0  }
0x2fe: {  	[tilespmem:v62+s17+$0x0] =	vst.idx.msk $0xffff, v37  }
0x2ff: {  	v41 =	vadd.s32 v17, v39;
	v37 =	vld [tilespmem:s30+$0xFFFFFFC0];
	_ =	sdelay $0x4  }
0x300: {  	[tilespmem:v41+s17+$0x0] =	vst.idx.msk $0xffff, v37  }
0x301: {  	v42 =	vadd.s32 v18, v39;
	v37 =	vld [tilespmem:s30+$0xFFFFFFD0];
	_ =	sdelay $0x4  }
0x302: {  	[tilespmem:v42+s17+$0x0] =	vst.idx.msk $0xffff, v37  }
0x303: {  	v43 =	vadd.s32 v19, v39;
	v37 =	vld [tilespmem:s30+$0xFFFFFFE0];
	_ =	sdelay $0x4  }
0x304: {  	[tilespmem:v43+s17+$0x0] =	vst.idx.msk $0xffff, v37  }
0x305: {  	s1 =	simm.s32 $0x4;
	v44 =	vadd.s32 v20, v39;
	v37 =	vld [tilespmem:s30+$0xFFFFFFF0]  }
0x306: {  	v45 =	vmov s1  }
0x307: {  	v39 =	vshrl.u32 v45, $0x3  }
0x308: {  	v39 =	vshll.u32 v39, v5  }
0x309: {  	v39 =	vbroadcast v39, $0x0  }
0x30a: {  	[tilespmem:v44+s17+$0x0] =	vst.idx.msk $0xffff, v37  }
0x30b: {  	v46 =	vadd.s32 v21, v39;
	v37 =	vld [tilespmem:s30+$0x0];
	_ =	sdelay $0x4  }
0x30c: {  	[tilespmem:v46+s17+$0x0] =	vst.idx.msk $0xffff, v37  }
0x30d: {  	v47 =	vadd.s32 v22, v39;
	v37 =	vld [tilespmem:s30+$0x10];
	_ =	sdelay $0x4  }
0x30e: {  	[tilespmem:v47+s17+$0x0] =	vst.idx.msk $0xffff, v37  }
0x30f: {  	v48 =	vadd.s32 v23, v39;
	v37 =	vld [tilespmem:s30+$0x20];
	_ =	sdelay $0x4  }
0x310: {  	[tilespmem:v48+s17+$0x0] =	vst.idx.msk $0xffff, v37  }
0x311: {  	s15 =	simm.s32 $0x5;
	v49 =	vadd.s32 v24, v39;
	v37 =	vld [tilespmem:s30+$0x30]  }
0x312: {  	v50 =	vmov s15  }
0x313: {  	v39 =	vshrl.u32 v50, $0x3  }
0x314: {  	v39 =	vshll.u32 v39, v5  }
0x315: {  	v39 =	vbroadcast v39, $0x0  }
0x316: {  	[tilespmem:v49+s17+$0x0] =	vst.idx.msk $0xffff, v37  }
0x317: {  	v51 =	vadd.s32 v25, v39;
	v37 =	vld [tilespmem:s30+$0x40];
	_ =	sdelay $0x4  }
0x318: {  	[tilespmem:v51+s17+$0x0] =	vst.idx.msk $0xffff, v37  }
0x319: {  	v52 =	vadd.s32 v26, v39;
	v37 =	vld [tilespmem:s30+$0x50];
	_ =	sdelay $0x4  }
0x31a: {  	[tilespmem:v52+s17+$0x0] =	vst.idx.msk $0xffff, v37  }
0x31b: {  	v53 =	vadd.s32 v27, v39;
	v37 =	vld [tilespmem:s30+$0x60];
	_ =	sdelay $0x4  }
0x31c: {  	[tilespmem:v53+s17+$0x0] =	vst.idx.msk $0xffff, v37  }
0x31d: {  	s1 =	simm.s32 $0x6;
	v54 =	vadd.s32 v28, v39;
	v37 =	vld [tilespmem:s30+$0x70]  }
0x31e: {  	v55 =	vmov s1  }
0x31f: {  	v39 =	vshrl.u32 v55, $0x3  }
0x320: {  	v39 =	vshll.u32 v39, v5  }
0x321: {  	v39 =	vbroadcast v39, $0x0  }
0x322: {  	[tilespmem:v54+s17+$0x0] =	vst.idx.msk $0xffff, v37  }
0x323: {  	v56 =	vadd.s32 v29, v39;
	v37 =	vld [tilespmem:s30+$0x80];
	_ =	sdelay $0x4  }
0x324: {  	[tilespmem:v56+s17+$0x0] =	vst.idx.msk $0xffff, v37  }
0x325: {  	v57 =	vadd.s32 v30, v39;
	v37 =	vld [tilespmem:s30+$0x90];
	_ =	sdelay $0x4  }
0x326: {  	[tilespmem:v57+s17+$0x0] =	vst.idx.msk $0xffff, v37  }
0x327: {  	v58 =	vadd.s32 v31, v39;
	v37 =	vld [tilespmem:s30+$0xA0];
	_ =	sdelay $0x4  }
0x328: {  	[tilespmem:v58+s17+$0x0] =	vst.idx.msk $0xffff, v37  }
0x329: {  	s15 =	simm.s32 $0x7;
	v59 =	vadd.s32 v32, v39;
	v37 =	vld [tilespmem:s30+$0xB0]  }
0x32a: {  	v60 =	vmov s15  }
0x32b: {  	v39 =	vshrl.u32 v60, $0x3  }
0x32c: {  	v39 =	vshll.u32 v39, v5  }
0x32d: {  	v39 =	vbroadcast v39, $0x0  }
0x32e: {  	[tilespmem:v59+s17+$0x0] =	vst.idx.msk $0xffff, v37  }
0x32f: {  	v61 =	vadd.s32 v33, v39;
	v37 =	vld [tilespmem:s30+$0xC0];
	_ =	sdelay $0x4  }
0x330: {  	[tilespmem:v61+s17+$0x0] =	vst.idx.msk $0xffff, v37  }
0x331: {  	v62 =	vadd.s32 v34, v39;
	v37 =	vld [tilespmem:s30+$0xD0];
	_ =	sdelay $0x4  }
0x332: {  	[tilespmem:v62+s17+$0x0] =	vst.idx.msk $0xffff, v37  }
0x333: {  	v63 =	vadd.s32 v35, v39;
	v37 =	vld [tilespmem:s30+$0xE0];
	_ =	sdelay $0x4  }
0x334: {  	[tilespmem:v63+s17+$0x0] =	vst.idx.msk $0xffff, v37  }
0x335: {  	s31 =	simm.s32 $0xF;
	s0 =	simm.s32 $0x8;
	s1 =	simm.s32 $0x17;
	v38 =	vadd.s32 v36, v39;
	v37 =	vld [tilespmem:s30+$0xF0]  }
.LBB2_13:
0x336: {  	p0 =	sne.s32 s1, $0x7F;
	v39 =	vmov s0  }
0x337: {  	v39 =	vshrl.u32 v39, $0x3  }
0x338: {  	v39 =	vshll.u32 v39, v5  }
0x339: {  	v39 =	vbroadcast v39, $0x0  }
0x33a: {  	s30 =	sadd.s32 $0x200, s30;
	[tilespmem:v38+s17+$0x0] =	vst.idx.msk $0xffff, v37  }
0x33b: {  	v37 =	vld [tilespmem:s30+$0xFFFFFF00];
	v38 =	vadd.s32 v2, v39;
	_ =	sdelay $0x4  }
0x33c: {  	[tilespmem:v38+s17+$0x0] =	vst.idx.msk $0xffff, v37  }
0x33d: {  	v38 =	vadd.s32 v6, v39;
	v37 =	vld [tilespmem:s30+$0xFFFFFF10];
	_ =	sdelay $0x4  }
0x33e: {  	[tilespmem:v38+s17+$0x0] =	vst.idx.msk $0xffff, v37  }
0x33f: {  	v38 =	vadd.s32 v7, v39;
	v37 =	vld [tilespmem:s30+$0xFFFFFF20];
	_ =	sdelay $0x4  }
0x340: {  	[tilespmem:v38+s17+$0x0] =	vst.idx.msk $0xffff, v37  }
0x341: {  	s0 =	sadd.s32 $0xFFFFFFFA, s31;
	v38 =	vadd.s32 v8, v39;
	v37 =	vld [tilespmem:s30+$0xFFFFFF30]  }
0x342: {  	v39 =	vmov s0  }
0x343: {  	v39 =	vshrl.u32 v39, $0x3  }
0x344: {  	v39 =	vshll.u32 v39, v5  }
0x345: {  	v39 =	vbroadcast v39, $0x0  }
0x346: {  	[tilespmem:v38+s17+$0x0] =	vst.idx.msk $0xffff, v37  }
0x347: {  	v38 =	vadd.s32 v9, v39;
	v37 =	vld [tilespmem:s30+$0xFFFFFF40];
	_ =	sdelay $0x4  }
0x348: {  	[tilespmem:v38+s17+$0x0] =	vst.idx.msk $0xffff, v37  }
0x349: {  	v38 =	vadd.s32 v10, v39;
	v37 =	vld [tilespmem:s30+$0xFFFFFF50];
	_ =	sdelay $0x4  }
0x34a: {  	[tilespmem:v38+s17+$0x0] =	vst.idx.msk $0xffff, v37  }
0x34b: {  	v38 =	vadd.s32 v11, v39;
	v37 =	vld [tilespmem:s30+$0xFFFFFF60];
	_ =	sdelay $0x4  }
0x34c: {  	[tilespmem:v38+s17+$0x0] =	vst.idx.msk $0xffff, v37  }
0x34d: {  	s0 =	sadd.s32 $0xFFFFFFFB, s31;
	v38 =	vadd.s32 v12, v39;
	v37 =	vld [tilespmem:s30+$0xFFFFFF70]  }
0x34e: {  	v39 =	vmov s0  }
0x34f: {  	v39 =	vshrl.u32 v39, $0x3  }
0x350: {  	v39 =	vshll.u32 v39, v5  }
0x351: {  	v39 =	vbroadcast v39, $0x0  }
0x352: {  	[tilespmem:v38+s17+$0x0] =	vst.idx.msk $0xffff, v37  }
0x353: {  	v38 =	vadd.s32 v13, v39;
	v37 =	vld [tilespmem:s30+$0xFFFFFF80];
	_ =	sdelay $0x4  }
0x354: {  	[tilespmem:v38+s17+$0x0] =	vst.idx.msk $0xffff, v37  }
0x355: {  	v38 =	vadd.s32 v14, v39;
	v37 =	vld [tilespmem:s30+$0xFFFFFF90];
	_ =	sdelay $0x4  }
0x356: {  	[tilespmem:v38+s17+$0x0] =	vst.idx.msk $0xffff, v37  }
0x357: {  	v38 =	vadd.s32 v15, v39;
	v37 =	vld [tilespmem:s30+$0xFFFFFFA0];
	_ =	sdelay $0x4  }
0x358: {  	[tilespmem:v38+s17+$0x0] =	vst.idx.msk $0xffff, v37  }
0x359: {  	s0 =	sadd.s32 $0xFFFFFFFC, s31;
	v38 =	vadd.s32 v16, v39;
	v37 =	vld [tilespmem:s30+$0xFFFFFFB0]  }
0x35a: {  	v39 =	vmov s0  }
0x35b: {  	v39 =	vshrl.u32 v39, $0x3  }
0x35c: {  	v39 =	vshll.u32 v39, v5  }
0x35d: {  	v39 =	vbroadcast v39, $0x0  }
0x35e: {  	[tilespmem:v38+s17+$0x0] =	vst.idx.msk $0xffff, v37  }
0x35f: {  	v38 =	vadd.s32 v17, v39;
	v37 =	vld [tilespmem:s30+$0xFFFFFFC0];
	_ =	sdelay $0x4  }
0x360: {  	[tilespmem:v38+s17+$0x0] =	vst.idx.msk $0xffff, v37  }
0x361: {  	v38 =	vadd.s32 v18, v39;
	v37 =	vld [tilespmem:s30+$0xFFFFFFD0];
	_ =	sdelay $0x4  }
0x362: {  	[tilespmem:v38+s17+$0x0] =	vst.idx.msk $0xffff, v37  }
0x363: {  	v38 =	vadd.s32 v19, v39;
	v37 =	vld [tilespmem:s30+$0xFFFFFFE0];
	_ =	sdelay $0x4  }
0x364: {  	[tilespmem:v38+s17+$0x0] =	vst.idx.msk $0xffff, v37  }
0x365: {  	s0 =	sadd.s32 $0xFFFFFFFD, s31;
	v38 =	vadd.s32 v20, v39;
	v37 =	vld [tilespmem:s30+$0xFFFFFFF0]  }
0x366: {  	v39 =	vmov s0  }
0x367: {  	v39 =	vshrl.u32 v39, $0x3  }
0x368: {  	v39 =	vshll.u32 v39, v5  }
0x369: {  	v39 =	vbroadcast v39, $0x0  }
0x36a: {  	[tilespmem:v38+s17+$0x0] =	vst.idx.msk $0xffff, v37  }
0x36b: {  	v38 =	vadd.s32 v21, v39;
	v37 =	vld [tilespmem:s30+$0x0];
	_ =	sdelay $0x4  }
0x36c: {  	[tilespmem:v38+s17+$0x0] =	vst.idx.msk $0xffff, v37  }
0x36d: {  	v38 =	vadd.s32 v22, v39;
	v37 =	vld [tilespmem:s30+$0x10];
	_ =	sdelay $0x4  }
0x36e: {  	[tilespmem:v38+s17+$0x0] =	vst.idx.msk $0xffff, v37  }
0x36f: {  	v38 =	vadd.s32 v23, v39;
	v37 =	vld [tilespmem:s30+$0x20];
	_ =	sdelay $0x4  }
0x370: {  	[tilespmem:v38+s17+$0x0] =	vst.idx.msk $0xffff, v37  }
0x371: {  	s0 =	sadd.s32 $0xFFFFFFFE, s31;
	v38 =	vadd.s32 v24, v39;
	v37 =	vld [tilespmem:s30+$0x30]  }
0x372: {  	v39 =	vmov s0  }
0x373: {  	v39 =	vshrl.u32 v39, $0x3  }
0x374: {  	v39 =	vshll.u32 v39, v5  }
0x375: {  	v39 =	vbroadcast v39, $0x0  }
0x376: {  	[tilespmem:v38+s17+$0x0] =	vst.idx.msk $0xffff, v37  }
0x377: {  	v38 =	vadd.s32 v25, v39;
	v37 =	vld [tilespmem:s30+$0x40];
	_ =	sdelay $0x4  }
0x378: {  	[tilespmem:v38+s17+$0x0] =	vst.idx.msk $0xffff, v37  }
0x379: {  	v38 =	vadd.s32 v26, v39;
	v37 =	vld [tilespmem:s30+$0x50];
	_ =	sdelay $0x4  }
0x37a: {  	[tilespmem:v38+s17+$0x0] =	vst.idx.msk $0xffff, v37  }
0x37b: {  	v38 =	vadd.s32 v27, v39;
	v37 =	vld [tilespmem:s30+$0x60];
	_ =	sdelay $0x4  }
0x37c: {  	[tilespmem:v38+s17+$0x0] =	vst.idx.msk $0xffff, v37  }
0x37d: {  	s0 =	sadd.s32 $0xFFFFFFFF, s31;
	v38 =	vadd.s32 v28, v39;
	v37 =	vld [tilespmem:s30+$0x70]  }
0x37e: {  	v39 =	vmov s0  }
0x37f: {  	v39 =	vshrl.u32 v39, $0x3  }
0x380: {  	v39 =	vshll.u32 v39, v5  }
0x381: {  	v39 =	vbroadcast v39, $0x0  }
0x382: {  	[tilespmem:v38+s17+$0x0] =	vst.idx.msk $0xffff, v37  }
0x383: {  	v38 =	vadd.s32 v29, v39;
	v37 =	vld [tilespmem:s30+$0x80];
	_ =	sdelay $0x4  }
0x384: {  	[tilespmem:v38+s17+$0x0] =	vst.idx.msk $0xffff, v37  }
0x385: {  	v38 =	vadd.s32 v30, v39;
	v37 =	vld [tilespmem:s30+$0x90];
	_ =	sdelay $0x4  }
0x386: {  	[tilespmem:v38+s17+$0x0] =	vst.idx.msk $0xffff, v37  }
0x387: {  	v38 =	vadd.s32 v31, v39;
	v37 =	vld [tilespmem:s30+$0xA0];
	_ =	sdelay $0x4  }
0x388: {  	[tilespmem:v38+s17+$0x0] =	vst.idx.msk $0xffff, v37  }
0x389: {  	v38 =	vadd.s32 v32, v39;
	v37 =	vld [tilespmem:s30+$0xB0]  }
0x38a: {  	v39 =	vmov s31;
	s31 =	smov.u32 s1  }
0x38b: {  	v39 =	vshrl.u32 v39, $0x3  }
0x38c: {  	v39 =	vshll.u32 v39, v5  }
0x38d: {  	v39 =	vbroadcast v39, $0x0  }
0x38e: {  	[tilespmem:v38+s17+$0x0] =	vst.idx.msk $0xffff, v37  }
0x38f: {  	v38 =	vadd.s32 v33, v39;
	v37 =	vld [tilespmem:s30+$0xC0];
	_ =	sdelay $0x4  }
0x390: {  	[tilespmem:v38+s17+$0x0] =	vst.idx.msk $0xffff, v37  }
0x391: {  	v38 =	vadd.s32 v34, v39;
	v37 =	vld [tilespmem:s30+$0xD0];
	_ =	sdelay $0x4  }
0x392: {  	[tilespmem:v38+s17+$0x0] =	vst.idx.msk $0xffff, v37  }
0x393: {  	v38 =	vadd.s32 v35, v39;
	v37 =	vld [tilespmem:s30+$0xE0];
	_ =	sdelay $0x1  }
.Ltmp5:
0x394: {  	(pc) =	sbr.rel @p0 .LBB2_13-.Ltmp5, $3  }
0x395: {  	_ =	sdelay $0x1  }
0x396: {  	[tilespmem:v38+s17+$0x0] =	vst.idx.msk $0xffff, v37  }
0x397: {  	s1 =	sadd.s32 $0x8, s1;
	s0 =	sadd.s32 $0xFFFFFFF9, s31;
	v38 =	vadd.s32 v36, v39;
	v37 =	vld [tilespmem:s30+$0xF0]  }
0x398: {  	v39 =	vmov s0  }
0x399: {  	v39 =	vshrl.u32 v39, $0x3  }
0x39a: {  	v39 =	vshll.u32 v39, v5  }
0x39b: {  	v39 =	vbroadcast v39, $0x0  }
0x39c: {  	s1 =	sadd.s32 $0x200, s30;
	[tilespmem:v38+s17+$0x0] =	vst.idx.msk $0xffff, v37  }
0x39d: {  	v37 =	vld [tilespmem:s1+$0xFFFFFF00];
	v49 =	vadd.s32 v2, v39;
	_ =	sdelay $0x4  }
0x39e: {  	[tilespmem:v49+s17+$0x0] =	vst.idx.msk $0xffff, v37  }
0x39f: {  	v50 =	vadd.s32 v6, v39;
	v37 =	vld [tilespmem:s1+$0xFFFFFF10];
	_ =	sdelay $0x4  }
0x3a0: {  	[tilespmem:v50+s17+$0x0] =	vst.idx.msk $0xffff, v37  }
0x3a1: {  	v51 =	vadd.s32 v7, v39;
	v37 =	vld [tilespmem:s1+$0xFFFFFF20];
	_ =	sdelay $0x4  }
0x3a2: {  	[tilespmem:v51+s17+$0x0] =	vst.idx.msk $0xffff, v37  }
0x3a3: {  	s15 =	sadd.s32 $0xFFFFFFFA, s31;
	v52 =	vadd.s32 v8, v39;
	v37 =	vld [tilespmem:s1+$0xFFFFFF30]  }
0x3a4: {  	v53 =	vmov s15  }
0x3a5: {  	v39 =	vshrl.u32 v53, $0x3  }
0x3a6: {  	v39 =	vshll.u32 v39, v5  }
0x3a7: {  	v39 =	vbroadcast v39, $0x0  }
0x3a8: {  	[tilespmem:v52+s17+$0x0] =	vst.idx.msk $0xffff, v37  }
0x3a9: {  	v54 =	vadd.s32 v9, v39;
	v37 =	vld [tilespmem:s1+$0xFFFFFF40];
	_ =	sdelay $0x4  }
0x3aa: {  	[tilespmem:v54+s17+$0x0] =	vst.idx.msk $0xffff, v37  }
0x3ab: {  	v55 =	vadd.s32 v10, v39;
	v37 =	vld [tilespmem:s1+$0xFFFFFF50];
	_ =	sdelay $0x4  }
0x3ac: {  	[tilespmem:v55+s17+$0x0] =	vst.idx.msk $0xffff, v37  }
0x3ad: {  	v56 =	vadd.s32 v11, v39;
	v37 =	vld [tilespmem:s1+$0xFFFFFF60];
	_ =	sdelay $0x4  }
0x3ae: {  	[tilespmem:v56+s17+$0x0] =	vst.idx.msk $0xffff, v37  }
0x3af: {  	s15 =	sadd.s32 $0xFFFFFFFB, s31;
	v57 =	vadd.s32 v12, v39;
	v37 =	vld [tilespmem:s1+$0xFFFFFF70]  }
0x3b0: {  	v58 =	vmov s15  }
0x3b1: {  	v39 =	vshrl.u32 v58, $0x3  }
0x3b2: {  	v39 =	vshll.u32 v39, v5  }
0x3b3: {  	v39 =	vbroadcast v39, $0x0  }
0x3b4: {  	[tilespmem:v57+s17+$0x0] =	vst.idx.msk $0xffff, v37  }
0x3b5: {  	v59 =	vadd.s32 v13, v39;
	v37 =	vld [tilespmem:s1+$0xFFFFFF80];
	_ =	sdelay $0x4  }
0x3b6: {  	[tilespmem:v59+s17+$0x0] =	vst.idx.msk $0xffff, v37  }
0x3b7: {  	v60 =	vadd.s32 v14, v39;
	v37 =	vld [tilespmem:s1+$0xFFFFFF90];
	_ =	sdelay $0x4  }
0x3b8: {  	[tilespmem:v60+s17+$0x0] =	vst.idx.msk $0xffff, v37  }
0x3b9: {  	v61 =	vadd.s32 v15, v39;
	v37 =	vld [tilespmem:s1+$0xFFFFFFA0];
	_ =	sdelay $0x4  }
0x3ba: {  	[tilespmem:v61+s17+$0x0] =	vst.idx.msk $0xffff, v37  }
0x3bb: {  	s15 =	sadd.s32 $0xFFFFFFFC, s31;
	v62 =	vadd.s32 v16, v39;
	v37 =	vld [tilespmem:s1+$0xFFFFFFB0]  }
0x3bc: {  	v63 =	vmov s15  }
0x3bd: {  	v39 =	vshrl.u32 v63, $0x3  }
0x3be: {  	v39 =	vshll.u32 v39, v5  }
0x3bf: {  	v39 =	vbroadcast v39, $0x0  }
0x3c0: {  	[tilespmem:v62+s17+$0x0] =	vst.idx.msk $0xffff, v37  }
0x3c1: {  	v40 =	vadd.s32 v17, v39;
	v37 =	vld [tilespmem:s1+$0xFFFFFFC0];
	_ =	sdelay $0x4  }
0x3c2: {  	[tilespmem:v40+s17+$0x0] =	vst.idx.msk $0xffff, v37  }
0x3c3: {  	v41 =	vadd.s32 v18, v39;
	v37 =	vld [tilespmem:s1+$0xFFFFFFD0];
	_ =	sdelay $0x4  }
0x3c4: {  	[tilespmem:v41+s17+$0x0] =	vst.idx.msk $0xffff, v37  }
0x3c5: {  	v42 =	vadd.s32 v19, v39;
	v37 =	vld [tilespmem:s1+$0xFFFFFFE0];
	_ =	sdelay $0x4  }
0x3c6: {  	[tilespmem:v42+s17+$0x0] =	vst.idx.msk $0xffff, v37  }
0x3c7: {  	s15 =	sadd.s32 $0xFFFFFFFD, s31;
	v43 =	vadd.s32 v20, v39;
	v37 =	vld [tilespmem:s1+$0xFFFFFFF0]  }
0x3c8: {  	v44 =	vmov s15  }
0x3c9: {  	v39 =	vshrl.u32 v44, $0x3  }
0x3ca: {  	v39 =	vshll.u32 v39, v5  }
0x3cb: {  	v39 =	vbroadcast v39, $0x0  }
0x3cc: {  	[tilespmem:v43+s17+$0x0] =	vst.idx.msk $0xffff, v37  }
0x3cd: {  	v45 =	vadd.s32 v21, v39;
	v37 =	vld [tilespmem:s1+$0x0];
	_ =	sdelay $0x4  }
0x3ce: {  	[tilespmem:v45+s17+$0x0] =	vst.idx.msk $0xffff, v37  }
0x3cf: {  	v46 =	vadd.s32 v22, v39;
	v37 =	vld [tilespmem:s1+$0x10];
	_ =	sdelay $0x4  }
0x3d0: {  	[tilespmem:v46+s17+$0x0] =	vst.idx.msk $0xffff, v37  }
0x3d1: {  	v47 =	vadd.s32 v23, v39;
	v37 =	vld [tilespmem:s1+$0x20];
	_ =	sdelay $0x4  }
0x3d2: {  	[tilespmem:v47+s17+$0x0] =	vst.idx.msk $0xffff, v37  }
0x3d3: {  	s15 =	sadd.s32 $0xFFFFFFFE, s31;
	v48 =	vadd.s32 v24, v39;
	v37 =	vld [tilespmem:s1+$0x30]  }
0x3d4: {  	v49 =	vmov s15  }
0x3d5: {  	v39 =	vshrl.u32 v49, $0x3  }
0x3d6: {  	v39 =	vshll.u32 v39, v5  }
0x3d7: {  	v39 =	vbroadcast v39, $0x0  }
0x3d8: {  	[tilespmem:v48+s17+$0x0] =	vst.idx.msk $0xffff, v37  }
0x3d9: {  	v50 =	vadd.s32 v25, v39;
	v37 =	vld [tilespmem:s1+$0x40];
	_ =	sdelay $0x4  }
0x3da: {  	[tilespmem:v50+s17+$0x0] =	vst.idx.msk $0xffff, v37  }
0x3db: {  	v51 =	vadd.s32 v26, v39;
	v37 =	vld [tilespmem:s1+$0x50];
	_ =	sdelay $0x4  }
0x3dc: {  	[tilespmem:v51+s17+$0x0] =	vst.idx.msk $0xffff, v37  }
0x3dd: {  	v52 =	vadd.s32 v27, v39;
	v37 =	vld [tilespmem:s1+$0x60];
	_ =	sdelay $0x4  }
0x3de: {  	[tilespmem:v52+s17+$0x0] =	vst.idx.msk $0xffff, v37  }
0x3df: {  	s15 =	sadd.s32 $0xFFFFFFFF, s31;
	v53 =	vadd.s32 v28, v39;
	v37 =	vld [tilespmem:s1+$0x70]  }
0x3e0: {  	v54 =	vmov s15  }
0x3e1: {  	v39 =	vshrl.u32 v54, $0x3  }
0x3e2: {  	v39 =	vshll.u32 v39, v5  }
0x3e3: {  	v39 =	vbroadcast v39, $0x0  }
0x3e4: {  	[tilespmem:v53+s17+$0x0] =	vst.idx.msk $0xffff, v37  }
0x3e5: {  	v55 =	vadd.s32 v29, v39;
	v37 =	vld [tilespmem:s1+$0x80];
	_ =	sdelay $0x4  }
0x3e6: {  	[tilespmem:v55+s17+$0x0] =	vst.idx.msk $0xffff, v37  }
0x3e7: {  	v56 =	vadd.s32 v30, v39;
	v37 =	vld [tilespmem:s1+$0x90];
	_ =	sdelay $0x4  }
0x3e8: {  	[tilespmem:v56+s17+$0x0] =	vst.idx.msk $0xffff, v37  }
0x3e9: {  	v57 =	vadd.s32 v31, v39;
	v37 =	vld [tilespmem:s1+$0xA0];
	_ =	sdelay $0x4  }
0x3ea: {  	[tilespmem:v57+s17+$0x0] =	vst.idx.msk $0xffff, v37  }
0x3eb: {  	v58 =	vadd.s32 v32, v39;
	v37 =	vld [tilespmem:s1+$0xB0]  }
0x3ec: {  	v59 =	vmov s31  }
0x3ed: {  	v39 =	vshrl.u32 v59, $0x3  }
0x3ee: {  	v39 =	vshll.u32 v39, v5  }
0x3ef: {  	v39 =	vbroadcast v39, $0x0  }
0x3f0: {  	[tilespmem:v58+s17+$0x0] =	vst.idx.msk $0xffff, v37  }
0x3f1: {  	v60 =	vadd.s32 v33, v39;
	v37 =	vld [tilespmem:s1+$0xC0];
	_ =	sdelay $0x4  }
0x3f2: {  	[tilespmem:v60+s17+$0x0] =	vst.idx.msk $0xffff, v37  }
0x3f3: {  	v61 =	vadd.s32 v34, v39;
	v37 =	vld [tilespmem:s1+$0xD0];
	_ =	sdelay $0x4  }
0x3f4: {  	[tilespmem:v61+s17+$0x0] =	vst.idx.msk $0xffff, v37  }
0x3f5: {  	v62 =	vadd.s32 v35, v39;
	v37 =	vld [tilespmem:s1+$0xE0];
	_ =	sdelay $0x4  }
0x3f6: {  	[tilespmem:v62+s17+$0x0] =	vst.idx.msk $0xffff, v37  }
0x3f7: {  	v63 =	vadd.s32 v36, v39;
	v37 =	vld [tilespmem:s1+$0xF0];
	_ =	sdelay $0x4  }
0x3f8: {  	s1 =	sshll.u32 s24, $0x10;
	[tilespmem:v63+s17+$0x0] =	vst.idx.msk $0xffff, v37  }
0x3f9: {  	s15 =	sor.u32 s7, s29;
	s0 =	sand.u32 $0x7E0000, s1;
	_ =	swait.ge [sflag:s21], $0x2000  }
0x3fa: {  	s1 =	sshll.u32 s15, $0x7;
	s0 =	sadd.s32 s2, s0;
	[sflag:s21] =	ssyncset.done $0x0  }
0x3fb: {  	s29 =	sadd.s32 s1, s0;
	s1 =	simm.s32 $0x13200;
	[sflag:s21] =	ssyncadd.s32 $0xFFFFE000  }
0x3fc: {  	[hbm4b:s29+s3] =	stream.linear.scatter [tilespmem:s1], [sflag:$0x3], $0x80, $0x38;
	[tilespmem:$0x17600] =	vst v63  }
0x3fd: {  	s15 =	simm.s32 $0x13288;
	s1 =	sadd.s32 $0x10, s29  }
0x3fe: {  	[hbm4b:s1+s3] =	stream.linear.scatter [tilespmem:s15], [sflag:$0x3], $0x80, $0x38;
	[tilespmem:$0x17600] =	vst v63  }
0x3ff: {  	s1 =	simm.s32 $0x13310;
	s15 =	sadd.s32 $0x20, s29  }
0x400: {  	[hbm4b:s15+s3] =	stream.linear.scatter [tilespmem:s1], [sflag:$0x3], $0x80, $0x38;
	[tilespmem:$0x17600] =	vst v63  }
0x401: {  	s1 =	simm.s32 $0x13398;
	s15 =	sadd.s32 $0x30, s29  }
0x402: {  	[hbm4b:s15+s3] =	stream.linear.scatter [tilespmem:s1], [sflag:$0x3], $0x80, $0x38;
	[tilespmem:$0x17600] =	vst v63  }
0x403: {  	s1 =	simm.s32 $0x13420;
	s15 =	sadd.s32 $0x40, s29  }
0x404: {  	[hbm4b:s15+s3] =	stream.linear.scatter [tilespmem:s1], [sflag:$0x3], $0x80, $0x38;
	[tilespmem:$0x17600] =	vst v63  }
0x405: {  	s30 =	simm.s32 $0x2200;
	s1 =	simm.s32 $0x134A8;
	s15 =	sadd.s32 $0x50, s29  }
0x406: {  	[hbm4b:s15+s3] =	stream.linear.scatter [tilespmem:s1], [sflag:$0x3], $0x80, $0x38;
	[tilespmem:$0x17600] =	vst v63  }
0x407: {  	s0 =	simm.s32 $0x135B8;
	s1 =	simm.s32 $0x13530;
	s15 =	sadd.s32 $0x60, s29  }
0x408: {  	[hbm4b:s15+s3] =	stream.linear.scatter [tilespmem:s1], [sflag:$0x3], $0x80, $0x38;
	[tilespmem:$0x17600] =	vst v63  }
0x409: {  	s31 =	sadd.s32 $0x70, s29;
	s29 =	sadd.s32 $0x4000, s29;
	s1 =	simm.s32 $0x440  }
.LBB2_15:
0x40a: {  	[hbm4b:s31+s3] =	stream.linear.scatter [tilespmem:s0], [sflag:$0x3], $0x80, $0x38;
	[tilespmem:$0x17600] =	vst v63  }
0x40b: {  	s0 =	smov.u32 s1;
	s1 =	smov.u32 s30  }
0x40c: {  	s15 =	sadd.s32 $0x1100, s30;
	s1 =	sshra.s32 s1, $0x2;
	s31 =	sadd.s32 $0x13200, s0  }
0x40d: {  	[hbm4b:s29+s3] =	stream.linear.scatter [tilespmem:s31], [sflag:$0x3], $0x80, $0x38;
	[tilespmem:$0x17600] =	vst v63  }
0x40e: {  	p0 =	sne.s32 s30, $0x7700;
	s30 =	sadd.s32 $0x13288, s0;
	s31 =	sadd.s32 $0x10, s29  }
0x40f: {  	[hbm4b:s31+s3] =	stream.linear.scatter [tilespmem:s30], [sflag:$0x3], $0x80, $0x38;
	[tilespmem:$0x17600] =	vst v63  }
0x410: {  	s30 =	sadd.s32 $0x13310, s0;
	s31 =	sadd.s32 $0x20, s29  }
0x411: {  	[hbm4b:s31+s3] =	stream.linear.scatter [tilespmem:s30], [sflag:$0x3], $0x80, $0x38;
	[tilespmem:$0x17600] =	vst v63  }
0x412: {  	s30 =	sadd.s32 $0x13398, s0;
	s31 =	sadd.s32 $0x30, s29  }
0x413: {  	[hbm4b:s31+s3] =	stream.linear.scatter [tilespmem:s30], [sflag:$0x3], $0x80, $0x38;
	[tilespmem:$0x17600] =	vst v63  }
0x414: {  	s30 =	sadd.s32 $0x13420, s0;
	s31 =	sadd.s32 $0x40, s29  }
0x415: {  	[hbm4b:s31+s3] =	stream.linear.scatter [tilespmem:s30], [sflag:$0x3], $0x80, $0x38;
	[tilespmem:$0x17600] =	vst v63  }
.Ltmp6:
0x416: {  	s30 =	sadd.s32 $0x134A8, s0;
	s31 =	sadd.s32 $0x50, s29;
	(pc) =	sbr.rel @p0 .LBB2_15-.Ltmp6, $4  }
0x417: {  	[hbm4b:s31+s3] =	stream.linear.scatter [tilespmem:s30], [sflag:$0x3], $0x80, $0x38;
	[tilespmem:$0x17600] =	vst v63  }
0x418: {  	s30 =	sadd.s32 $0x13530, s0;
	s31 =	sadd.s32 $0x60, s29;
	s0 =	sadd.s32 $0x135B8, s0  }
0x419: {  	[hbm4b:s31+s3] =	stream.linear.scatter [tilespmem:s30], [sflag:$0x3], $0x80, $0x38;
	[tilespmem:$0x17600] =	vst v63  }
0x41a: {  	s31 =	sadd.s32 $0x70, s29;
	s29 =	sadd.s32 $0x4000, s29;
	s30 =	smov.u32 s15  }
0x41b: {  	[hbm4b:s31+s3] =	stream.linear.scatter [tilespmem:s0], [sflag:$0x3], $0x80, $0x38;
	[tilespmem:$0x17600] =	vst v63  }
0x41c: {  	s30 =	sadd.s32 $0x13200, s1  }
0x41d: {  	[hbm4b:s29+s3] =	stream.linear.scatter [tilespmem:s30], [sflag:$0x3], $0x80, $0x38;
	[tilespmem:$0x17600] =	vst v63  }
0x41e: {  	s31 =	sadd.s32 $0x13288, s1;
	s15 =	sadd.s32 $0x10, s29  }
0x41f: {  	[hbm4b:s15+s3] =	stream.linear.scatter [tilespmem:s31], [sflag:$0x3], $0x80, $0x38;
	[tilespmem:$0x17600] =	vst v63  }
0x420: {  	s30 =	sadd.s32 $0x13310, s1;
	s31 =	sadd.s32 $0x20, s29  }
0x421: {  	[hbm4b:s31+s3] =	stream.linear.scatter [tilespmem:s30], [sflag:$0x3], $0x80, $0x38;
	[tilespmem:$0x17600] =	vst v63  }
0x422: {  	s30 =	sadd.s32 $0x13398, s1;
	s31 =	sadd.s32 $0x30, s29  }
0x423: {  	[hbm4b:s31+s3] =	stream.linear.scatter [tilespmem:s30], [sflag:$0x3], $0x80, $0x38;
	[tilespmem:$0x17600] =	vst v63  }
0x424: {  	s30 =	sadd.s32 $0x13420, s1;
	s31 =	sadd.s32 $0x40, s29  }
0x425: {  	[hbm4b:s31+s3] =	stream.linear.scatter [tilespmem:s30], [sflag:$0x3], $0x80, $0x38;
	[tilespmem:$0x17600] =	vst v63  }
0x426: {  	s30 =	sadd.s32 $0x134A8, s1;
	s31 =	sadd.s32 $0x50, s29  }
0x427: {  	[hbm4b:s31+s3] =	stream.linear.scatter [tilespmem:s30], [sflag:$0x3], $0x80, $0x38;
	[tilespmem:$0x17600] =	vst v63  }
0x428: {  	s15 =	smin.u32 s28, $0xC5;
	s30 =	sadd.s32 $0x13530, s1;
	s31 =	sadd.s32 $0x60, s29  }
0x429: {  	[hbm4b:s31+s3] =	stream.linear.scatter [tilespmem:s30], [sflag:$0x3], $0x80, $0x38;
	[tilespmem:$0x17600] =	vst v63  }
0x42a: {  	s0 =	sadd.s32 $0x2, s15;
	s30 =	sadd.s32 $0x135B8, s1;
	s31 =	sadd.s32 $0x70, s29  }
0x42b: {  	[hbm4b:s31+s3] =	stream.linear.scatter [tilespmem:s30], [sflag:$0x3], $0x80, $0x38;
	[tilespmem:$0x17600] =	vst v63  }
0x42c: {  	s30 =	sshrl.u32 s0, $0x2  }
0x42d: {  	s31 =	simm.s32 $0x0;
	s1 =	smul.u32 $0x820, s30  }
0x42e: {  	s0 =	sshll.u32 s0, $0x7;
	v37 =	vmov s31  }
0x42f: {  	_ =	swait.ge [sflag:s18], $0x2000;
	s0 =	sand.u32 $0x180, s0;
	v37 =	vshrl.u32 v37, $0x3;
	s1 =	sshrl.u32 s1, $0x2  }
0x430: {  	[sflag:s18] =	ssyncset.done $0x0;
	v37 =	vshll.u32 v37, v5;
	s0 =	sadd.s32 s0, s1  }
0x431: {  	s28 =	simm.s32 $0x11300;
	[sflag:s18] =	ssyncadd.s32 $0xFFFFE000;
	v37 =	vbroadcast v37, $0x0;
	s0 =	sadd.s32 $0x7000, s0  }
0x432: {  	[tilespmem:s13], [sflag:$0x1] =	stream.indirect.gather [hbm4b:s4+s12], $0x40, s0, s12, $0xb8;
	[tilespmem:$0x17600] =	vst v63  }
0x433: {  	v39 =	vadd.s32 v2, v37;
	v38 =	vld [tilespmem:s28+$0xFFFFFF00];
	_ =	sdelay $0x4  }
0x434: {  	[tilespmem:v39+s20+$0x0] =	vst.idx.msk $0xffff, v38  }
0x435: {  	v51 =	vadd.s32 v6, v37;
	v38 =	vld [tilespmem:s28+$0xFFFFFF10];
	_ =	sdelay $0x4  }
0x436: {  	[tilespmem:v51+s20+$0x0] =	vst.idx.msk $0xffff, v38  }
0x437: {  	v52 =	vadd.s32 v7, v37;
	v38 =	vld [tilespmem:s28+$0xFFFFFF20];
	_ =	sdelay $0x4  }
0x438: {  	[tilespmem:v52+s20+$0x0] =	vst.idx.msk $0xffff, v38  }
0x439: {  	s15 =	simm.s32 $0x1;
	v37 =	vadd.s32 v8, v37;
	v38 =	vld [tilespmem:s28+$0xFFFFFF30]  }
0x43a: {  	v53 =	vmov s15  }
0x43b: {  	v39 =	vshrl.u32 v53, $0x3  }
0x43c: {  	v39 =	vshll.u32 v39, v5  }
0x43d: {  	v39 =	vbroadcast v39, $0x0  }
0x43e: {  	[tilespmem:v37+s20+$0x0] =	vst.idx.msk $0xffff, v38  }
0x43f: {  	v54 =	vadd.s32 v9, v39;
	v37 =	vld [tilespmem:s28+$0xFFFFFF40];
	_ =	sdelay $0x4  }
0x440: {  	[tilespmem:v54+s20+$0x0] =	vst.idx.msk $0xffff, v37  }
0x441: {  	v55 =	vadd.s32 v10, v39;
	v37 =	vld [tilespmem:s28+$0xFFFFFF50];
	_ =	sdelay $0x4  }
0x442: {  	[tilespmem:v55+s20+$0x0] =	vst.idx.msk $0xffff, v37  }
0x443: {  	v56 =	vadd.s32 v11, v39;
	v37 =	vld [tilespmem:s28+$0xFFFFFF60];
	_ =	sdelay $0x4  }
0x444: {  	[tilespmem:v56+s20+$0x0] =	vst.idx.msk $0xffff, v37  }
0x445: {  	s30 =	simm.s32 $0x2;
	v57 =	vadd.s32 v12, v39;
	v37 =	vld [tilespmem:s28+$0xFFFFFF70]  }
0x446: {  	v58 =	vmov s30  }
0x447: {  	v39 =	vshrl.u32 v58, $0x3  }
0x448: {  	v39 =	vshll.u32 v39, v5  }
0x449: {  	v39 =	vbroadcast v39, $0x0  }
0x44a: {  	[tilespmem:v57+s20+$0x0] =	vst.idx.msk $0xffff, v37  }
0x44b: {  	v59 =	vadd.s32 v13, v39;
	v37 =	vld [tilespmem:s28+$0xFFFFFF80];
	_ =	sdelay $0x4  }
0x44c: {  	[tilespmem:v59+s20+$0x0] =	vst.idx.msk $0xffff, v37  }
0x44d: {  	v60 =	vadd.s32 v14, v39;
	v37 =	vld [tilespmem:s28+$0xFFFFFF90];
	_ =	sdelay $0x4  }
0x44e: {  	[tilespmem:v60+s20+$0x0] =	vst.idx.msk $0xffff, v37  }
0x44f: {  	v61 =	vadd.s32 v15, v39;
	v37 =	vld [tilespmem:s28+$0xFFFFFFA0];
	_ =	sdelay $0x4  }
0x450: {  	[tilespmem:v61+s20+$0x0] =	vst.idx.msk $0xffff, v37  }
0x451: {  	s31 =	simm.s32 $0x3;
	v62 =	vadd.s32 v16, v39;
	v37 =	vld [tilespmem:s28+$0xFFFFFFB0]  }
0x452: {  	v63 =	vmov s31  }
0x453: {  	v39 =	vshrl.u32 v63, $0x3  }
0x454: {  	v39 =	vshll.u32 v39, v5  }
0x455: {  	v39 =	vbroadcast v39, $0x0  }
0x456: {  	[tilespmem:v62+s20+$0x0] =	vst.idx.msk $0xffff, v37  }
0x457: {  	v41 =	vadd.s32 v17, v39;
	v37 =	vld [tilespmem:s28+$0xFFFFFFC0];
	_ =	sdelay $0x4  }
0x458: {  	[tilespmem:v41+s20+$0x0] =	vst.idx.msk $0xffff, v37  }
0x459: {  	v42 =	vadd.s32 v18, v39;
	v37 =	vld [tilespmem:s28+$0xFFFFFFD0];
	_ =	sdelay $0x4  }
0x45a: {  	[tilespmem:v42+s20+$0x0] =	vst.idx.msk $0xffff, v37  }
0x45b: {  	v43 =	vadd.s32 v19, v39;
	v37 =	vld [tilespmem:s28+$0xFFFFFFE0];
	_ =	sdelay $0x4  }
0x45c: {  	[tilespmem:v43+s20+$0x0] =	vst.idx.msk $0xffff, v37  }
0x45d: {  	s1 =	simm.s32 $0x4;
	v44 =	vadd.s32 v20, v39;
	v37 =	vld [tilespmem:s28+$0xFFFFFFF0]  }
0x45e: {  	v45 =	vmov s1  }
0x45f: {  	v39 =	vshrl.u32 v45, $0x3  }
0x460: {  	v39 =	vshll.u32 v39, v5  }
0x461: {  	v39 =	vbroadcast v39, $0x0  }
0x462: {  	[tilespmem:v44+s20+$0x0] =	vst.idx.msk $0xffff, v37  }
0x463: {  	v46 =	vadd.s32 v21, v39;
	v37 =	vld [tilespmem:s28+$0x0];
	_ =	sdelay $0x4  }
0x464: {  	[tilespmem:v46+s20+$0x0] =	vst.idx.msk $0xffff, v37  }
0x465: {  	v47 =	vadd.s32 v22, v39;
	v37 =	vld [tilespmem:s28+$0x10];
	_ =	sdelay $0x4  }
0x466: {  	[tilespmem:v47+s20+$0x0] =	vst.idx.msk $0xffff, v37  }
0x467: {  	v48 =	vadd.s32 v23, v39;
	v37 =	vld [tilespmem:s28+$0x20];
	_ =	sdelay $0x4  }
0x468: {  	[tilespmem:v48+s20+$0x0] =	vst.idx.msk $0xffff, v37  }
0x469: {  	s15 =	simm.s32 $0x5;
	v49 =	vadd.s32 v24, v39;
	v37 =	vld [tilespmem:s28+$0x30]  }
0x46a: {  	v50 =	vmov s15  }
0x46b: {  	v39 =	vshrl.u32 v50, $0x3  }
0x46c: {  	v39 =	vshll.u32 v39, v5  }
0x46d: {  	v39 =	vbroadcast v39, $0x0  }
0x46e: {  	[tilespmem:v49+s20+$0x0] =	vst.idx.msk $0xffff, v37  }
0x46f: {  	v51 =	vadd.s32 v25, v39;
	v37 =	vld [tilespmem:s28+$0x40];
	_ =	sdelay $0x4  }
0x470: {  	[tilespmem:v51+s20+$0x0] =	vst.idx.msk $0xffff, v37  }
0x471: {  	v52 =	vadd.s32 v26, v39;
	v37 =	vld [tilespmem:s28+$0x50];
	_ =	sdelay $0x4  }
0x472: {  	[tilespmem:v52+s20+$0x0] =	vst.idx.msk $0xffff, v37  }
0x473: {  	v53 =	vadd.s32 v27, v39;
	v37 =	vld [tilespmem:s28+$0x60];
	_ =	sdelay $0x4  }
0x474: {  	[tilespmem:v53+s20+$0x0] =	vst.idx.msk $0xffff, v37  }
0x475: {  	s30 =	simm.s32 $0x6;
	v54 =	vadd.s32 v28, v39;
	v37 =	vld [tilespmem:s28+$0x70]  }
0x476: {  	v55 =	vmov s30  }
0x477: {  	v39 =	vshrl.u32 v55, $0x3  }
0x478: {  	v39 =	vshll.u32 v39, v5  }
0x479: {  	v39 =	vbroadcast v39, $0x0  }
0x47a: {  	[tilespmem:v54+s20+$0x0] =	vst.idx.msk $0xffff, v37  }
0x47b: {  	v56 =	vadd.s32 v29, v39;
	v37 =	vld [tilespmem:s28+$0x80];
	_ =	sdelay $0x4  }
0x47c: {  	[tilespmem:v56+s20+$0x0] =	vst.idx.msk $0xffff, v37  }
0x47d: {  	v57 =	vadd.s32 v30, v39;
	v37 =	vld [tilespmem:s28+$0x90];
	_ =	sdelay $0x4  }
0x47e: {  	[tilespmem:v57+s20+$0x0] =	vst.idx.msk $0xffff, v37  }
0x47f: {  	v58 =	vadd.s32 v31, v39;
	v37 =	vld [tilespmem:s28+$0xA0];
	_ =	sdelay $0x4  }
0x480: {  	[tilespmem:v58+s20+$0x0] =	vst.idx.msk $0xffff, v37  }
0x481: {  	s31 =	simm.s32 $0x7;
	v59 =	vadd.s32 v32, v39;
	v37 =	vld [tilespmem:s28+$0xB0]  }
0x482: {  	v60 =	vmov s31  }
0x483: {  	v39 =	vshrl.u32 v60, $0x3  }
0x484: {  	v39 =	vshll.u32 v39, v5  }
0x485: {  	v39 =	vbroadcast v39, $0x0  }
0x486: {  	[tilespmem:v59+s20+$0x0] =	vst.idx.msk $0xffff, v37  }
0x487: {  	v61 =	vadd.s32 v33, v39;
	v37 =	vld [tilespmem:s28+$0xC0];
	_ =	sdelay $0x4  }
0x488: {  	[tilespmem:v61+s20+$0x0] =	vst.idx.msk $0xffff, v37  }
0x489: {  	v62 =	vadd.s32 v34, v39;
	v37 =	vld [tilespmem:s28+$0xD0];
	_ =	sdelay $0x4  }
0x48a: {  	[tilespmem:v62+s20+$0x0] =	vst.idx.msk $0xffff, v37  }
0x48b: {  	v63 =	vadd.s32 v35, v39;
	v37 =	vld [tilespmem:s28+$0xE0];
	_ =	sdelay $0x4  }
0x48c: {  	[tilespmem:v63+s20+$0x0] =	vst.idx.msk $0xffff, v37  }
0x48d: {  	s29 =	simm.s32 $0xF;
	s1 =	simm.s32 $0x17;
	s0 =	simm.s32 $0x8;
	v38 =	vadd.s32 v36, v39;
	v37 =	vld [tilespmem:s28+$0xF0]  }
.LBB2_17:
0x48e: {  	p0 =	sne.s32 s1, $0x7F;
	v39 =	vmov s0  }
0x48f: {  	v39 =	vshrl.u32 v39, $0x3  }
0x490: {  	v39 =	vshll.u32 v39, v5  }
0x491: {  	v39 =	vbroadcast v39, $0x0  }
0x492: {  	s28 =	sadd.s32 $0x200, s28;
	[tilespmem:v38+s20+$0x0] =	vst.idx.msk $0xffff, v37  }
0x493: {  	v37 =	vld [tilespmem:s28+$0xFFFFFF00];
	v38 =	vadd.s32 v2, v39;
	_ =	sdelay $0x4  }
0x494: {  	[tilespmem:v38+s20+$0x0] =	vst.idx.msk $0xffff, v37  }
0x495: {  	v38 =	vadd.s32 v6, v39;
	v37 =	vld [tilespmem:s28+$0xFFFFFF10];
	_ =	sdelay $0x4  }
0x496: {  	[tilespmem:v38+s20+$0x0] =	vst.idx.msk $0xffff, v37  }
0x497: {  	v38 =	vadd.s32 v7, v39;
	v37 =	vld [tilespmem:s28+$0xFFFFFF20];
	_ =	sdelay $0x4  }
0x498: {  	[tilespmem:v38+s20+$0x0] =	vst.idx.msk $0xffff, v37  }
0x499: {  	s0 =	sadd.s32 $0xFFFFFFFA, s29;
	v38 =	vadd.s32 v8, v39;
	v37 =	vld [tilespmem:s28+$0xFFFFFF30]  }
0x49a: {  	v39 =	vmov s0  }
0x49b: {  	v39 =	vshrl.u32 v39, $0x3  }
0x49c: {  	v39 =	vshll.u32 v39, v5  }
0x49d: {  	v39 =	vbroadcast v39, $0x0  }
0x49e: {  	[tilespmem:v38+s20+$0x0] =	vst.idx.msk $0xffff, v37  }
0x49f: {  	v38 =	vadd.s32 v9, v39;
	v37 =	vld [tilespmem:s28+$0xFFFFFF40];
	_ =	sdelay $0x4  }
0x4a0: {  	[tilespmem:v38+s20+$0x0] =	vst.idx.msk $0xffff, v37  }
0x4a1: {  	v38 =	vadd.s32 v10, v39;
	v37 =	vld [tilespmem:s28+$0xFFFFFF50];
	_ =	sdelay $0x4  }
0x4a2: {  	[tilespmem:v38+s20+$0x0] =	vst.idx.msk $0xffff, v37  }
0x4a3: {  	v38 =	vadd.s32 v11, v39;
	v37 =	vld [tilespmem:s28+$0xFFFFFF60];
	_ =	sdelay $0x4  }
0x4a4: {  	[tilespmem:v38+s20+$0x0] =	vst.idx.msk $0xffff, v37  }
0x4a5: {  	s0 =	sadd.s32 $0xFFFFFFFB, s29;
	v38 =	vadd.s32 v12, v39;
	v37 =	vld [tilespmem:s28+$0xFFFFFF70]  }
0x4a6: {  	v39 =	vmov s0  }
0x4a7: {  	v39 =	vshrl.u32 v39, $0x3  }
0x4a8: {  	v39 =	vshll.u32 v39, v5  }
0x4a9: {  	v39 =	vbroadcast v39, $0x0  }
0x4aa: {  	[tilespmem:v38+s20+$0x0] =	vst.idx.msk $0xffff, v37  }
0x4ab: {  	v38 =	vadd.s32 v13, v39;
	v37 =	vld [tilespmem:s28+$0xFFFFFF80];
	_ =	sdelay $0x4  }
0x4ac: {  	[tilespmem:v38+s20+$0x0] =	vst.idx.msk $0xffff, v37  }
0x4ad: {  	v38 =	vadd.s32 v14, v39;
	v37 =	vld [tilespmem:s28+$0xFFFFFF90];
	_ =	sdelay $0x4  }
0x4ae: {  	[tilespmem:v38+s20+$0x0] =	vst.idx.msk $0xffff, v37  }
0x4af: {  	v38 =	vadd.s32 v15, v39;
	v37 =	vld [tilespmem:s28+$0xFFFFFFA0];
	_ =	sdelay $0x4  }
0x4b0: {  	[tilespmem:v38+s20+$0x0] =	vst.idx.msk $0xffff, v37  }
0x4b1: {  	s0 =	sadd.s32 $0xFFFFFFFC, s29;
	v38 =	vadd.s32 v16, v39;
	v37 =	vld [tilespmem:s28+$0xFFFFFFB0]  }
0x4b2: {  	v39 =	vmov s0  }
0x4b3: {  	v39 =	vshrl.u32 v39, $0x3  }
0x4b4: {  	v39 =	vshll.u32 v39, v5  }
0x4b5: {  	v39 =	vbroadcast v39, $0x0  }
0x4b6: {  	[tilespmem:v38+s20+$0x0] =	vst.idx.msk $0xffff, v37  }
0x4b7: {  	v38 =	vadd.s32 v17, v39;
	v37 =	vld [tilespmem:s28+$0xFFFFFFC0];
	_ =	sdelay $0x4  }
0x4b8: {  	[tilespmem:v38+s20+$0x0] =	vst.idx.msk $0xffff, v37  }
0x4b9: {  	v38 =	vadd.s32 v18, v39;
	v37 =	vld [tilespmem:s28+$0xFFFFFFD0];
	_ =	sdelay $0x4  }
0x4ba: {  	[tilespmem:v38+s20+$0x0] =	vst.idx.msk $0xffff, v37  }
0x4bb: {  	v38 =	vadd.s32 v19, v39;
	v37 =	vld [tilespmem:s28+$0xFFFFFFE0];
	_ =	sdelay $0x4  }
0x4bc: {  	[tilespmem:v38+s20+$0x0] =	vst.idx.msk $0xffff, v37  }
0x4bd: {  	s0 =	sadd.s32 $0xFFFFFFFD, s29;
	v38 =	vadd.s32 v20, v39;
	v37 =	vld [tilespmem:s28+$0xFFFFFFF0]  }
0x4be: {  	v39 =	vmov s0  }
0x4bf: {  	v39 =	vshrl.u32 v39, $0x3  }
0x4c0: {  	v39 =	vshll.u32 v39, v5  }
0x4c1: {  	v39 =	vbroadcast v39, $0x0  }
0x4c2: {  	[tilespmem:v38+s20+$0x0] =	vst.idx.msk $0xffff, v37  }
0x4c3: {  	v38 =	vadd.s32 v21, v39;
	v37 =	vld [tilespmem:s28+$0x0];
	_ =	sdelay $0x4  }
0x4c4: {  	[tilespmem:v38+s20+$0x0] =	vst.idx.msk $0xffff, v37  }
0x4c5: {  	v38 =	vadd.s32 v22, v39;
	v37 =	vld [tilespmem:s28+$0x10];
	_ =	sdelay $0x4  }
0x4c6: {  	[tilespmem:v38+s20+$0x0] =	vst.idx.msk $0xffff, v37  }
0x4c7: {  	v38 =	vadd.s32 v23, v39;
	v37 =	vld [tilespmem:s28+$0x20];
	_ =	sdelay $0x4  }
0x4c8: {  	[tilespmem:v38+s20+$0x0] =	vst.idx.msk $0xffff, v37  }
0x4c9: {  	s0 =	sadd.s32 $0xFFFFFFFE, s29;
	v38 =	vadd.s32 v24, v39;
	v37 =	vld [tilespmem:s28+$0x30]  }
0x4ca: {  	v39 =	vmov s0  }
0x4cb: {  	v39 =	vshrl.u32 v39, $0x3  }
0x4cc: {  	v39 =	vshll.u32 v39, v5  }
0x4cd: {  	v39 =	vbroadcast v39, $0x0  }
0x4ce: {  	[tilespmem:v38+s20+$0x0] =	vst.idx.msk $0xffff, v37  }
0x4cf: {  	v38 =	vadd.s32 v25, v39;
	v37 =	vld [tilespmem:s28+$0x40];
	_ =	sdelay $0x4  }
0x4d0: {  	[tilespmem:v38+s20+$0x0] =	vst.idx.msk $0xffff, v37  }
0x4d1: {  	v38 =	vadd.s32 v26, v39;
	v37 =	vld [tilespmem:s28+$0x50];
	_ =	sdelay $0x4  }
0x4d2: {  	[tilespmem:v38+s20+$0x0] =	vst.idx.msk $0xffff, v37  }
0x4d3: {  	v38 =	vadd.s32 v27, v39;
	v37 =	vld [tilespmem:s28+$0x60];
	_ =	sdelay $0x4  }
0x4d4: {  	[tilespmem:v38+s20+$0x0] =	vst.idx.msk $0xffff, v37  }
0x4d5: {  	s0 =	sadd.s32 $0xFFFFFFFF, s29;
	v38 =	vadd.s32 v28, v39;
	v37 =	vld [tilespmem:s28+$0x70]  }
0x4d6: {  	v39 =	vmov s0  }
0x4d7: {  	v39 =	vshrl.u32 v39, $0x3  }
0x4d8: {  	v39 =	vshll.u32 v39, v5  }
0x4d9: {  	v39 =	vbroadcast v39, $0x0  }
0x4da: {  	[tilespmem:v38+s20+$0x0] =	vst.idx.msk $0xffff, v37  }
0x4db: {  	v38 =	vadd.s32 v29, v39;
	v37 =	vld [tilespmem:s28+$0x80];
	_ =	sdelay $0x4  }
0x4dc: {  	[tilespmem:v38+s20+$0x0] =	vst.idx.msk $0xffff, v37  }
0x4dd: {  	v38 =	vadd.s32 v30, v39;
	v37 =	vld [tilespmem:s28+$0x90];
	_ =	sdelay $0x4  }
0x4de: {  	[tilespmem:v38+s20+$0x0] =	vst.idx.msk $0xffff, v37  }
0x4df: {  	v38 =	vadd.s32 v31, v39;
	v37 =	vld [tilespmem:s28+$0xA0];
	_ =	sdelay $0x4  }
0x4e0: {  	[tilespmem:v38+s20+$0x0] =	vst.idx.msk $0xffff, v37  }
0x4e1: {  	v38 =	vadd.s32 v32, v39;
	v37 =	vld [tilespmem:s28+$0xB0]  }
0x4e2: {  	v39 =	vmov s29;
	s29 =	smov.u32 s1  }
0x4e3: {  	v39 =	vshrl.u32 v39, $0x3  }
0x4e4: {  	v39 =	vshll.u32 v39, v5  }
0x4e5: {  	v39 =	vbroadcast v39, $0x0  }
0x4e6: {  	[tilespmem:v38+s20+$0x0] =	vst.idx.msk $0xffff, v37  }
0x4e7: {  	v38 =	vadd.s32 v33, v39;
	v37 =	vld [tilespmem:s28+$0xC0];
	_ =	sdelay $0x4  }
0x4e8: {  	[tilespmem:v38+s20+$0x0] =	vst.idx.msk $0xffff, v37  }
0x4e9: {  	v38 =	vadd.s32 v34, v39;
	v37 =	vld [tilespmem:s28+$0xD0];
	_ =	sdelay $0x4  }
0x4ea: {  	[tilespmem:v38+s20+$0x0] =	vst.idx.msk $0xffff, v37  }
0x4eb: {  	v38 =	vadd.s32 v35, v39;
	v37 =	vld [tilespmem:s28+$0xE0];
	_ =	sdelay $0x1  }
.Ltmp7:
0x4ec: {  	(pc) =	sbr.rel @p0 .LBB2_17-.Ltmp7, $3  }
0x4ed: {  	_ =	sdelay $0x1  }
0x4ee: {  	[tilespmem:v38+s20+$0x0] =	vst.idx.msk $0xffff, v37  }
0x4ef: {  	s1 =	sadd.s32 $0x8, s1;
	s0 =	sadd.s32 $0xFFFFFFF9, s29;
	v38 =	vadd.s32 v36, v39;
	v37 =	vld [tilespmem:s28+$0xF0]  }
0x4f0: {  	v39 =	vmov s0  }
0x4f1: {  	v39 =	vshrl.u32 v39, $0x3  }
0x4f2: {  	v39 =	vshll.u32 v39, v5  }
0x4f3: {  	v39 =	vbroadcast v39, $0x0  }
0x4f4: {  	s1 =	sadd.s32 $0x200, s28;
	[tilespmem:v38+s20+$0x0] =	vst.idx.msk $0xffff, v37  }
0x4f5: {  	v37 =	vld [tilespmem:s1+$0xFFFFFF00];
	v49 =	vadd.s32 v2, v39;
	_ =	sdelay $0x4  }
0x4f6: {  	[tilespmem:v49+s20+$0x0] =	vst.idx.msk $0xffff, v37  }
0x4f7: {  	v50 =	vadd.s32 v6, v39;
	v37 =	vld [tilespmem:s1+$0xFFFFFF10];
	_ =	sdelay $0x4  }
0x4f8: {  	[tilespmem:v50+s20+$0x0] =	vst.idx.msk $0xffff, v37  }
0x4f9: {  	v51 =	vadd.s32 v7, v39;
	v37 =	vld [tilespmem:s1+$0xFFFFFF20];
	_ =	sdelay $0x4  }
0x4fa: {  	[tilespmem:v51+s20+$0x0] =	vst.idx.msk $0xffff, v37  }
0x4fb: {  	s30 =	sadd.s32 $0xFFFFFFFA, s29;
	v52 =	vadd.s32 v8, v39;
	v37 =	vld [tilespmem:s1+$0xFFFFFF30]  }
0x4fc: {  	v53 =	vmov s30  }
0x4fd: {  	v39 =	vshrl.u32 v53, $0x3  }
0x4fe: {  	v39 =	vshll.u32 v39, v5  }
0x4ff: {  	v39 =	vbroadcast v39, $0x0  }
0x500: {  	[tilespmem:v52+s20+$0x0] =	vst.idx.msk $0xffff, v37  }
0x501: {  	v54 =	vadd.s32 v9, v39;
	v37 =	vld [tilespmem:s1+$0xFFFFFF40];
	_ =	sdelay $0x4  }
0x502: {  	[tilespmem:v54+s20+$0x0] =	vst.idx.msk $0xffff, v37  }
0x503: {  	v55 =	vadd.s32 v10, v39;
	v37 =	vld [tilespmem:s1+$0xFFFFFF50];
	_ =	sdelay $0x4  }
0x504: {  	[tilespmem:v55+s20+$0x0] =	vst.idx.msk $0xffff, v37  }
0x505: {  	v56 =	vadd.s32 v11, v39;
	v37 =	vld [tilespmem:s1+$0xFFFFFF60];
	_ =	sdelay $0x4  }
0x506: {  	[tilespmem:v56+s20+$0x0] =	vst.idx.msk $0xffff, v37  }
0x507: {  	s31 =	sadd.s32 $0xFFFFFFFB, s29;
	v57 =	vadd.s32 v12, v39;
	v37 =	vld [tilespmem:s1+$0xFFFFFF70]  }
0x508: {  	v58 =	vmov s31  }
0x509: {  	v39 =	vshrl.u32 v58, $0x3  }
0x50a: {  	v39 =	vshll.u32 v39, v5  }
0x50b: {  	v39 =	vbroadcast v39, $0x0  }
0x50c: {  	[tilespmem:v57+s20+$0x0] =	vst.idx.msk $0xffff, v37  }
0x50d: {  	v59 =	vadd.s32 v13, v39;
	v37 =	vld [tilespmem:s1+$0xFFFFFF80];
	_ =	sdelay $0x4  }
0x50e: {  	[tilespmem:v59+s20+$0x0] =	vst.idx.msk $0xffff, v37  }
0x50f: {  	v60 =	vadd.s32 v14, v39;
	v37 =	vld [tilespmem:s1+$0xFFFFFF90];
	_ =	sdelay $0x4  }
0x510: {  	[tilespmem:v60+s20+$0x0] =	vst.idx.msk $0xffff, v37  }
0x511: {  	v61 =	vadd.s32 v15, v39;
	v37 =	vld [tilespmem:s1+$0xFFFFFFA0];
	_ =	sdelay $0x4  }
0x512: {  	[tilespmem:v61+s20+$0x0] =	vst.idx.msk $0xffff, v37  }
0x513: {  	s15 =	sadd.s32 $0xFFFFFFFC, s29;
	v62 =	vadd.s32 v16, v39;
	v37 =	vld [tilespmem:s1+$0xFFFFFFB0]  }
0x514: {  	v63 =	vmov s15  }
0x515: {  	v39 =	vshrl.u32 v63, $0x3  }
0x516: {  	v39 =	vshll.u32 v39, v5  }
0x517: {  	v39 =	vbroadcast v39, $0x0  }
0x518: {  	[tilespmem:v62+s20+$0x0] =	vst.idx.msk $0xffff, v37  }
0x519: {  	v40 =	vadd.s32 v17, v39;
	v37 =	vld [tilespmem:s1+$0xFFFFFFC0];
	_ =	sdelay $0x4  }
0x51a: {  	[tilespmem:v40+s20+$0x0] =	vst.idx.msk $0xffff, v37  }
0x51b: {  	v41 =	vadd.s32 v18, v39;
	v37 =	vld [tilespmem:s1+$0xFFFFFFD0];
	_ =	sdelay $0x4  }
0x51c: {  	[tilespmem:v41+s20+$0x0] =	vst.idx.msk $0xffff, v37  }
0x51d: {  	v42 =	vadd.s32 v19, v39;
	v37 =	vld [tilespmem:s1+$0xFFFFFFE0];
	_ =	sdelay $0x4  }
0x51e: {  	[tilespmem:v42+s20+$0x0] =	vst.idx.msk $0xffff, v37  }
0x51f: {  	s30 =	sadd.s32 $0xFFFFFFFD, s29;
	v43 =	vadd.s32 v20, v39;
	v37 =	vld [tilespmem:s1+$0xFFFFFFF0]  }
0x520: {  	v44 =	vmov s30  }
0x521: {  	v39 =	vshrl.u32 v44, $0x3  }
0x522: {  	v39 =	vshll.u32 v39, v5  }
0x523: {  	v39 =	vbroadcast v39, $0x0  }
0x524: {  	[tilespmem:v43+s20+$0x0] =	vst.idx.msk $0xffff, v37  }
0x525: {  	v45 =	vadd.s32 v21, v39;
	v37 =	vld [tilespmem:s1+$0x0];
	_ =	sdelay $0x4  }
0x526: {  	[tilespmem:v45+s20+$0x0] =	vst.idx.msk $0xffff, v37  }
0x527: {  	v46 =	vadd.s32 v22, v39;
	v37 =	vld [tilespmem:s1+$0x10];
	_ =	sdelay $0x4  }
0x528: {  	[tilespmem:v46+s20+$0x0] =	vst.idx.msk $0xffff, v37  }
0x529: {  	v47 =	vadd.s32 v23, v39;
	v37 =	vld [tilespmem:s1+$0x20];
	_ =	sdelay $0x4  }
0x52a: {  	[tilespmem:v47+s20+$0x0] =	vst.idx.msk $0xffff, v37  }
0x52b: {  	s31 =	sadd.s32 $0xFFFFFFFE, s29;
	v48 =	vadd.s32 v24, v39;
	v37 =	vld [tilespmem:s1+$0x30]  }
0x52c: {  	v49 =	vmov s31  }
0x52d: {  	v39 =	vshrl.u32 v49, $0x3  }
0x52e: {  	v39 =	vshll.u32 v39, v5  }
0x52f: {  	v39 =	vbroadcast v39, $0x0  }
0x530: {  	[tilespmem:v48+s20+$0x0] =	vst.idx.msk $0xffff, v37  }
0x531: {  	v50 =	vadd.s32 v25, v39;
	v37 =	vld [tilespmem:s1+$0x40];
	_ =	sdelay $0x4  }
0x532: {  	[tilespmem:v50+s20+$0x0] =	vst.idx.msk $0xffff, v37  }
0x533: {  	v51 =	vadd.s32 v26, v39;
	v37 =	vld [tilespmem:s1+$0x50];
	_ =	sdelay $0x4  }
0x534: {  	[tilespmem:v51+s20+$0x0] =	vst.idx.msk $0xffff, v37  }
0x535: {  	v52 =	vadd.s32 v27, v39;
	v37 =	vld [tilespmem:s1+$0x60];
	_ =	sdelay $0x4  }
0x536: {  	[tilespmem:v52+s20+$0x0] =	vst.idx.msk $0xffff, v37  }
0x537: {  	s15 =	sadd.s32 $0xFFFFFFFF, s29;
	v53 =	vadd.s32 v28, v39;
	v37 =	vld [tilespmem:s1+$0x70]  }
0x538: {  	v54 =	vmov s15  }
0x539: {  	v39 =	vshrl.u32 v54, $0x3  }
0x53a: {  	v39 =	vshll.u32 v39, v5  }
0x53b: {  	v39 =	vbroadcast v39, $0x0  }
0x53c: {  	[tilespmem:v53+s20+$0x0] =	vst.idx.msk $0xffff, v37  }
0x53d: {  	v55 =	vadd.s32 v29, v39;
	v37 =	vld [tilespmem:s1+$0x80];
	_ =	sdelay $0x4  }
0x53e: {  	[tilespmem:v55+s20+$0x0] =	vst.idx.msk $0xffff, v37  }
0x53f: {  	v56 =	vadd.s32 v30, v39;
	v37 =	vld [tilespmem:s1+$0x90];
	_ =	sdelay $0x4  }
0x540: {  	[tilespmem:v56+s20+$0x0] =	vst.idx.msk $0xffff, v37  }
0x541: {  	v57 =	vadd.s32 v31, v39;
	v37 =	vld [tilespmem:s1+$0xA0];
	_ =	sdelay $0x4  }
0x542: {  	[tilespmem:v57+s20+$0x0] =	vst.idx.msk $0xffff, v37  }
0x543: {  	v58 =	vadd.s32 v32, v39;
	v37 =	vld [tilespmem:s1+$0xB0]  }
0x544: {  	v59 =	vmov s29  }
0x545: {  	v39 =	vshrl.u32 v59, $0x3  }
0x546: {  	v39 =	vshll.u32 v39, v5  }
0x547: {  	v39 =	vbroadcast v39, $0x0  }
0x548: {  	[tilespmem:v58+s20+$0x0] =	vst.idx.msk $0xffff, v37  }
0x549: {  	v60 =	vadd.s32 v33, v39;
	v37 =	vld [tilespmem:s1+$0xC0];
	_ =	sdelay $0x4  }
0x54a: {  	[tilespmem:v60+s20+$0x0] =	vst.idx.msk $0xffff, v37  }
0x54b: {  	v61 =	vadd.s32 v34, v39;
	v37 =	vld [tilespmem:s1+$0xD0];
	_ =	sdelay $0x4  }
0x54c: {  	[tilespmem:v61+s20+$0x0] =	vst.idx.msk $0xffff, v37  }
0x54d: {  	v62 =	vadd.s32 v35, v39;
	v37 =	vld [tilespmem:s1+$0xE0];
	_ =	sdelay $0x4  }
0x54e: {  	[tilespmem:v62+s20+$0x0] =	vst.idx.msk $0xffff, v37  }
0x54f: {  	v63 =	vadd.s32 v36, v39;
	v37 =	vld [tilespmem:s1+$0xF0];
	_ =	sdelay $0x4  }
0x550: {  	[tilespmem:v63+s20+$0x0] =	vst.idx.msk $0xffff, v37  }
0x551: {  	s30 =	sshll.u32 s25, $0x11;
	s31 =	sor.u32 s7, s26;
	_ =	swait.ge [sflag:s22], $0x2000  }
0x552: {  	s0 =	sadd.s32 s2, s30;
	s1 =	sshll.u32 s31, $0x7;
	[sflag:s22] =	ssyncset.done $0x0  }
0x553: {  	s15 =	sadd.s32 s1, s0;
	s1 =	simm.s32 $0x15400;
	[sflag:s22] =	ssyncadd.s32 $0xFFFFE000  }
0x554: {  	[hbm4b:s15+s3] =	stream.linear.scatter [tilespmem:s1], [sflag:$0x4], $0x80, $0x38;
	[tilespmem:$0x17600] =	vst v63  }
0x555: {  	s25 =	simm.s32 $0x15488;
	s1 =	sadd.s32 $0x10, s15  }
0x556: {  	[hbm4b:s1+s3] =	stream.linear.scatter [tilespmem:s25], [sflag:$0x4], $0x80, $0x38;
	[tilespmem:$0x17600] =	vst v63  }
0x557: {  	s30 =	simm.s32 $0x15598;
	s26 =	simm.s32 $0x15510;
	s29 =	sadd.s32 $0x20, s15  }
0x558: {  	[hbm4b:s29+s3] =	stream.linear.scatter [tilespmem:s26], [sflag:$0x4], $0x80, $0x38;
	[tilespmem:$0x17600] =	vst v63  }
0x559: {  	s0 =	simm.s32 $0x157B8;
	s31 =	sadd.s32 $0x30, s15;
	s28 =	sadd.s32 $0x70, s15  }
0x55a: {  	[hbm4b:s31+s3] =	stream.linear.scatter [tilespmem:s30], [sflag:$0x4], $0x80, $0x38;
	[tilespmem:$0x17600] =	vst v63  }
0x55b: {  	s1 =	simm.s32 $0x15620;
	s25 =	sadd.s32 $0x40, s15;
	s26 =	simm.s32 $0x156A8  }
0x55c: {  	[hbm4b:s25+s3] =	stream.linear.scatter [tilespmem:s1], [sflag:$0x4], $0x80, $0x38;
	[tilespmem:$0x17600] =	vst v63  }
0x55d: {  	s29 =	sadd.s32 $0x50, s15;
	s30 =	simm.s32 $0x15730;
	s31 =	sadd.s32 $0x60, s15  }
0x55e: {  	[hbm4b:s29+s3] =	stream.linear.scatter [tilespmem:s26], [sflag:$0x4], $0x80, $0x38;
	[tilespmem:$0x17600] =	vst v63  }
0x55f: {  	s1 =	simm.s32 $0x440;
	s25 =	sadd.s32 $0x4000, s15;
	s26 =	simm.s32 $0x2200  }
0x560: {  	[hbm4b:s31+s3] =	stream.linear.scatter [tilespmem:s30], [sflag:$0x4], $0x80, $0x38;
	[tilespmem:$0x17600] =	vst v63  }
.LBB2_19:
0x561: {  	[hbm4b:s28+s3] =	stream.linear.scatter [tilespmem:s0], [sflag:$0x4], $0x80, $0x38;
	[tilespmem:$0x17600] =	vst v63  }
0x562: {  	s0 =	smov.u32 s1;
	s1 =	smov.u32 s26  }
0x563: {  	s15 =	sadd.s32 $0x1100, s26;
	s1 =	sshra.s32 s1, $0x2;
	s28 =	sadd.s32 $0x15400, s0  }
0x564: {  	[hbm4b:s25+s3] =	stream.linear.scatter [tilespmem:s28], [sflag:$0x4], $0x80, $0x38;
	[tilespmem:$0x17600] =	vst v63  }
0x565: {  	p0 =	sne.s32 s26, $0x7700;
	s26 =	sadd.s32 $0x15488, s0;
	s28 =	sadd.s32 $0x10, s25  }
0x566: {  	[hbm4b:s28+s3] =	stream.linear.scatter [tilespmem:s26], [sflag:$0x4], $0x80, $0x38;
	[tilespmem:$0x17600] =	vst v63  }
0x567: {  	s26 =	sadd.s32 $0x15510, s0;
	s28 =	sadd.s32 $0x20, s25  }
0x568: {  	[hbm4b:s28+s3] =	stream.linear.scatter [tilespmem:s26], [sflag:$0x4], $0x80, $0x38;
	[tilespmem:$0x17600] =	vst v63  }
0x569: {  	s26 =	sadd.s32 $0x15598, s0;
	s28 =	sadd.s32 $0x30, s25  }
0x56a: {  	[hbm4b:s28+s3] =	stream.linear.scatter [tilespmem:s26], [sflag:$0x4], $0x80, $0x38;
	[tilespmem:$0x17600] =	vst v63  }
0x56b: {  	s26 =	sadd.s32 $0x15620, s0;
	s28 =	sadd.s32 $0x40, s25  }
0x56c: {  	[hbm4b:s28+s3] =	stream.linear.scatter [tilespmem:s26], [sflag:$0x4], $0x80, $0x38;
	[tilespmem:$0x17600] =	vst v63  }
.Ltmp8:
0x56d: {  	s26 =	sadd.s32 $0x156A8, s0;
	s28 =	sadd.s32 $0x50, s25;
	(pc) =	sbr.rel @p0 .LBB2_19-.Ltmp8, $4  }
0x56e: {  	[hbm4b:s28+s3] =	stream.linear.scatter [tilespmem:s26], [sflag:$0x4], $0x80, $0x38;
	[tilespmem:$0x17600] =	vst v63  }
0x56f: {  	s26 =	sadd.s32 $0x15730, s0;
	s28 =	sadd.s32 $0x60, s25;
	s0 =	sadd.s32 $0x157B8, s0  }
0x570: {  	[hbm4b:s28+s3] =	stream.linear.scatter [tilespmem:s26], [sflag:$0x4], $0x80, $0x38;
	[tilespmem:$0x17600] =	vst v63  }
0x571: {  	s28 =	sadd.s32 $0x70, s25;
	s25 =	sadd.s32 $0x4000, s25;
	s26 =	smov.u32 s15  }
0x572: {  	[hbm4b:s28+s3] =	stream.linear.scatter [tilespmem:s0], [sflag:$0x4], $0x80, $0x38;
	[tilespmem:$0x17600] =	vst v63  }
0x573: {  	s30 =	sadd.s32 $0x15400, s1  }
0x574: {  	[hbm4b:s25+s3] =	stream.linear.scatter [tilespmem:s30], [sflag:$0x4], $0x80, $0x38;
	[tilespmem:$0x17600] =	vst v63  }
0x575: {  	s31 =	sadd.s32 $0x15488, s1;
	s15 =	sadd.s32 $0x10, s25  }
0x576: {  	[hbm4b:s15+s3] =	stream.linear.scatter [tilespmem:s31], [sflag:$0x4], $0x80, $0x38;
	[tilespmem:$0x17600] =	vst v63  }
0x577: {  	s26 =	sadd.s32 $0x20, s25;
	s15 =	sadd.s32 $0x15510, s1  }
0x578: {  	[hbm4b:s26+s3] =	stream.linear.scatter [tilespmem:s15], [sflag:$0x4], $0x80, $0x38;
	[tilespmem:$0x17600] =	vst v63  }
0x579: {  	s28 =	sadd.s32 $0x15598, s1;
	s29 =	sadd.s32 $0x30, s25  }
0x57a: {  	[hbm4b:s29+s3] =	stream.linear.scatter [tilespmem:s28], [sflag:$0x4], $0x80, $0x38;
	[tilespmem:$0x17600] =	vst v63  }
0x57b: {  	s24 =	sadd.s32 $0x1, s24;
	s30 =	sadd.s32 $0x15620, s1;
	s31 =	sadd.s32 $0x40, s25  }
0x57c: {  	[hbm4b:s31+s3] =	stream.linear.scatter [tilespmem:s30], [sflag:$0x4], $0x80, $0x38;
	[tilespmem:$0x17600] =	vst v63  }
0x57d: {  	p0 =	sne.s32 s24, $0x64;
	s15 =	sadd.s32 $0x156A8, s1;
	s26 =	sadd.s32 $0x50, s25  }
0x57e: {  	[hbm4b:s26+s3] =	stream.linear.scatter [tilespmem:s15], [sflag:$0x4], $0x80, $0x38;
	[tilespmem:$0x17600] =	vst v63  }
.Ltmp9:
0x57f: {  	_ = 	snop;
	(pc) =	sbr.rel @p0 .LBB2_12-.Ltmp9, $4  }
0x580: {  	s28 =	sadd.s32 $0x15730, s1;
	s29 =	sadd.s32 $0x60, s25  }
0x581: {  	[hbm4b:s29+s3] =	stream.linear.scatter [tilespmem:s28], [sflag:$0x4], $0x80, $0x38;
	[tilespmem:$0x17600] =	vst v63  }
0x582: {  	s30 =	sadd.s32 $0x157B8, s1;
	s31 =	sadd.s32 $0x70, s25  }
0x583: {  	[hbm4b:s31+s3] =	stream.linear.scatter [tilespmem:s30], [sflag:$0x4], $0x80, $0x38;
	[tilespmem:$0x17600] =	vst v63  }
0x584: {  	_ =	swait.ge [sflag:s14], $0x2000  }
0x585: {  	[sflag:s14] =	ssyncset.done $0x0  }
0x586: {  	s23 =	sadd.s32 $0x1, s23;
	[sflag:s14] =	ssyncadd.s32 $0xFFFFE000  }
0x587: {  	p0 =	sne.s32 s23, s9;
	_ =	swait.ge [sflag:s21], $0x2000  }
.Ltmp10:
0x588: {  	[sflag:s21] =	ssyncset.done $0x0;
	(pc) =	sbr.rel @p0 .LBB2_1-.Ltmp10, $4  }
0x589: {  	[sflag:s21] =	ssyncadd.s32 $0xFFFFE000  }
0x58a: {  	_ =	swait.ge [sflag:s22], $0x2000  }
0x58b: {  	[sflag:s22] =	ssyncset.done $0x0  }
0x58c: {  	[sflag:s22] =	ssyncadd.s32 $0xFFFFE000  }
0x58d: {  	_ =	sfence.sel $0x180000  }
0x58e: {  	[bflag:$0x0] =	sbarrier.arrive $0xFFFF  }
0x58f: {  	_ =	strace $0x90000047  }
0x590: {  	s0 =	stileid.u32;
	[bflag:$0x2] =	sbarrier.arrive $0xFFFF  }
0x591: {  	p0 =	sne.s32 s0, $0x0;
	s0 =	rddreg [dreg:$0x2]  }
0x592: {  	s0 =	sadd.s32 @!p0 $0x100000, s0  }
0x593: {  	[sflag:s0] =	ssyncadd.tile.s32 @!p0 $0x1;
	_ =	shalt  }
.Lfunc_end2:
_tile_overlayer_lowered:
.L_overlay_start_2:
0x594: {  	(tag) =	ssettag $0x2  }
0x595: {  	s0 =	rddreg [dreg:$0x0];
	s2 =	stileid.u32  }
0x596: {  	s1 =	rddreg [dreg:$0x1];
	p0 =	sne.s32 s2, $0x0  }
0x597: {  	s3 =	rddreg [dreg:$0x2];
	[bflag:$0x3] =	sbarrier.arrive $0xFFFF;
	s2 =	simm.s32 @!p0 $0x1C05  }
0x598: {  	[timem:s3], [sflag:s2] =	dma.local @!p0 [hbm:s0], s1  }
0x599: {  	s0 =	simm.s32 @!p0 $0x5  }
0x59a: {  	_ =	swait.ge @!p0 [sflag:s0], s1  }
0x59b: {  	s1 =	ssub.s32 @!p0 $0x0, s1;
	[sflag:s0] =	ssyncset.done @!p0 $0x0  }
0x59c: {  	[sflag:s0] =	ssyncadd.s32 @!p0 s1  }
0x59d: {  	[bflag:$0x3] =	sbarrier.arrive $0xFFFF  }
0x59e: {  	_ =	shalt  }

</sc_bundles>
